<compile_context>
chip_gen: v7x
topology: tpu7x:2x2x1
jax: 0.10.2.dev20260603
libtpu: 0.0.44.dev20260713+nightly
codegen_flags: <defaults>
</compile_context>

<pallas_src>
import functools

import jax
import jax.numpy as jnp
from jax import lax
from jax.experimental import pallas as pl
from jax.experimental.pallas import tpu as pltpu
from jax.experimental.pallas import tpu_sc as plsc

N_NODES = 10000
N_EDGES = 320000
D = 128
NC, NS = 2, 16
NW = NC * NS
NPAD = NS * 640
CW = 128
EPW = N_EDGES // NW
NH = 2
EPH = EPW // NH
NF = EPH // CW
MINI = EPH - NF * CW
NHD = 5
EPHD = EPW // NHD
NFD = EPHD // CW
MINID = EPHD - NFD * CW
RPS = NPAD // NS

_vmesh = plsc.VectorSubcoreMesh(core_axis_name="c", subcore_axis_name="s")


@functools.partial(
    pl.kernel,
    out_type=jax.ShapeDtypeStruct((NC * NPAD,), jnp.float32),
    mesh=_vmesh,
    scratch_types=[
        pltpu.MemorySpace.VMEM_SHARED((NPAD,), jnp.float32),
        pltpu.MemorySpace.VMEM((EPHD,), jnp.int32),
        pltpu.MemorySpace.VMEM((CW,), jnp.float32),
    ],
)
def _deg_kernel(dst_hbm, zeros_hbm, ones_hbm, deg_hbm, acc, idx_v, ones_v):
    c = lax.axis_index("c")
    s = lax.axis_index("s")
    wid = c * NS + s
    pltpu.sync_copy(zeros_hbm, acc.at[pl.ds(s * RPS, RPS)])
    pltpu.sync_copy(ones_hbm, ones_v)
    plsc.subcore_barrier()

    for h in range(NHD):
        pltpu.sync_copy(dst_hbm.at[pl.ds(wid * EPW + h * EPHD, EPHD)], idx_v)

        @pl.loop(0, NFD)
        def _edge_chunk(j):
            pltpu.sync_copy(ones_v, acc.at[idx_v.at[pl.ds(j * CW, CW)]],
                            add=True)

        pltpu.sync_copy(ones_v.at[pl.ds(0, MINID)],
                        acc.at[idx_v.at[pl.ds(NFD * CW, MINID)]], add=True)

    plsc.subcore_barrier()
    pltpu.sync_copy(acc.at[pl.ds(s * RPS, RPS)],
                    deg_hbm.at[pl.ds(c * NPAD + s * RPS, RPS)])


NB = 2


@functools.partial(
    pl.kernel,
    out_type=jax.ShapeDtypeStruct((NC, NPAD, D), jnp.float32),
    mesh=_vmesh,
    scratch_types=[
        pltpu.MemorySpace.VMEM_SHARED((NPAD, D), jnp.float32),
        pltpu.MemorySpace.VMEM((EPH,), jnp.int32),
        pltpu.MemorySpace.VMEM((EPH,), jnp.int32),
        pltpu.MemorySpace.VMEM((NB, CW, D), jnp.float32),
        pltpu.SemaphoreType.DMA((NB,)),
    ],
)
def _agg_kernel(y_hbm, src_hbm, dst_hbm, zrows_hbm, out_hbm,
                acc, src_v, dst_v, rows_v, gsems):
    c = lax.axis_index("c")
    s = lax.axis_index("s")
    wid = c * NS + s
    pltpu.sync_copy(zrows_hbm, acc.at[pl.ds(s * RPS, RPS), :])
    plsc.subcore_barrier()

    for h in range(NH):
        pltpu.sync_copy(src_hbm.at[pl.ds(wid * EPW + h * EPH, EPH)], src_v)
        pltpu.sync_copy(dst_hbm.at[pl.ds(wid * EPW + h * EPH, EPH)], dst_v)
        for b in range(NB):
            pltpu.async_copy(y_hbm.at[src_v.at[pl.ds(b * CW, CW)]],
                             rows_v.at[b], gsems.at[b])

        @pl.loop(0, NF - 1, step=NB)
        def _edge_chunk(j):
            for b in range(NB):
                pltpu.make_async_copy(
                    y_hbm.at[src_v.at[pl.ds(b * CW, CW)]], rows_v.at[b],
                    gsems.at[b]).wait()
                pltpu.sync_copy(rows_v.at[b],
                                acc.at[dst_v.at[pl.ds((j + b) * CW, CW)]],
                                add=True)

                @pl.when(j + NB + b < NF)
                def _refill():
                    pltpu.async_copy(
                        y_hbm.at[src_v.at[pl.ds((j + NB + b) * CW, CW)]],
                        rows_v.at[b], gsems.at[b])

        lb = (NF - 1) % NB
        pltpu.make_async_copy(
            y_hbm.at[src_v.at[pl.ds(lb * CW, CW)]], rows_v.at[lb],
            gsems.at[lb]).wait()
        pltpu.sync_copy(rows_v.at[lb],
                        acc.at[dst_v.at[pl.ds((NF - 1) * CW, CW)]], add=True)
        pltpu.sync_copy(y_hbm.at[src_v.at[pl.ds(NF * CW, MINI)]],
                        rows_v.at[lb, pl.ds(0, MINI), :])
        pltpu.sync_copy(rows_v.at[lb, pl.ds(0, MINI), :],
                        acc.at[dst_v.at[pl.ds(NF * CW, MINI)]], add=True)

    plsc.subcore_barrier()
    pltpu.sync_copy(acc.at[pl.ds(s * RPS, RPS), :],
                    out_hbm.at[c, pl.ds(s * RPS, RPS), :])


def _xw_body(x_ref, w_ref, deg_ref, y_ref):
    xw = jnp.dot(x_ref[...], w_ref[...], preferred_element_type=jnp.float32)
    d = deg_ref[0, :] + deg_ref[1, :]
    inv = lax.rsqrt(jnp.maximum(d, 1.0))
    y_ref[...] = xw * inv[:, None]


def _fin_body(acc_ref, deg_ref, out_ref):
    a = acc_ref[0, :, :] + acc_ref[1, :, :]
    d = deg_ref[0, :] + deg_ref[1, :]
    inv = lax.rsqrt(jnp.maximum(d, 1.0))
    out_ref[...] = a * inv[:, None]


_BT = 1024
_BF = 1024

def kernel(X, edge_index, W):
    src = edge_index[0]
    dst = edge_index[1]
    zeros1 = jnp.zeros((RPS,), jnp.float32)
    ones1 = jnp.ones((CW,), jnp.float32)
    zrows = jnp.zeros((RPS, D), jnp.float32)

    degp = _deg_kernel(dst, zeros1, ones1).reshape(NC, NPAD)

    y = pl.pallas_call(
        _xw_body,
        grid=(pl.cdiv(N_NODES, _BT),),
        in_specs=[
            pl.BlockSpec((_BT, D), lambda i: (i, 0)),
            pl.BlockSpec((D, D), lambda i: (0, 0)),
            pl.BlockSpec((NC, _BT), lambda i: (0, i)),
        ],
        out_specs=pl.BlockSpec((_BT, D), lambda i: (i, 0)),
        out_shape=jax.ShapeDtypeStruct((N_NODES, D), jnp.float32),
    )(X, W, degp)

    accp = _agg_kernel(y, src, dst, zrows)

    out = pl.pallas_call(
        _fin_body,
        grid=(pl.cdiv(N_NODES, _BF),),
        in_specs=[
            pl.BlockSpec((NC, _BF, D), lambda i: (0, i, 0)),
            pl.BlockSpec((NC, _BF), lambda i: (0, i)),
        ],
        out_specs=pl.BlockSpec((_BF, D), lambda i: (i, 0)),
        out_shape=jax.ShapeDtypeStruct((N_NODES, D), jnp.float32),
    )(accp, degp)

    return out

# --- scband reference (transcript-rebuilt; emitter-appended) ---
"""Pipeline reference for scband-gcnconv-27908697490045 (READ-ONLY COPY).

The authoritative reference and input builder live on the scoring server;
editing this copy changes nothing except your own understanding.
"""

import jax, jax.numpy as jnp
import numpy as np

N_NODES = 10000
N_EDGES = 320000
D_IN = 128
D_OUT = 128


def setup_inputs(seed: int = 0) -> dict:
    key = jax.random.key(seed)
    k1, k2, k3 = jax.random.split(key, 3)
    X = jax.random.normal(k1, (N_NODES, D_IN), dtype=jnp.float32)
    edge_index = jax.random.randint(k2, (2, N_EDGES), 0, N_NODES, dtype=jnp.int32)
    stdv = 1.0 / np.sqrt(D_OUT)
    W = jax.random.uniform(k3, (D_IN, D_OUT), minval=-stdv, maxval=stdv, dtype=jnp.float32)
    return {"X": X, "edge_index": edge_index, "W": W}


def reference(X, edge_index, W):
    # GCNConv forward: X_prime = A_hat_hat @ (X @ W)
    # A_hat_hat is the degree-normalized adjacency (GNNAdvisor-style):
    # out[i] = sum_{j in N(i)} (X @ W)[j] / (sqrt(deg_i) * sqrt(deg_j))
    N = X.shape[0]
    src = edge_index[0]
    dst = edge_index[1]
    deg = jnp.bincount(dst, length=N).astype(jnp.float32)
    deg = jnp.maximum(deg, 1.0)
    inv_sqrt_deg = 1.0 / jnp.sqrt(deg)
    norm = inv_sqrt_deg[src] * inv_sqrt_deg[dst]
    XW = jnp.dot(X, W)
    msgs = jnp.take(XW, src, axis=0) * norm[:, None]
    out = jax.ops.segment_sum(msgs, dst, num_segments=N)
    return out

if __name__ == "__main__":
    import jax
    _d = setup_inputs()
    print(jax.jit(kernel)(*tuple(_d.values())))

</pallas_src>

<mosaic_0001>
#map = affine_map<(d0, d1) -> (0, 0)>
#map1 = affine_map<(d0, d1) -> (0)>
#map2 = affine_map<(d0, d1) -> (0, 0, 0)>
module attributes {stable_mosaic.version = 14 : i64} {
  func.func @_agg_kernel(%arg0: i32, %arg1: i32, %arg2: memref<10000x128xf32, #tpu.memory_space<hbm>>, %arg3: memref<320000xi32, #tpu.memory_space<hbm>>, %arg4: memref<320000xi32, #tpu.memory_space<hbm>>, %arg5: memref<640x128xf32, #tpu.memory_space<hbm>>, %arg6: memref<2x10240x128xf32, #tpu.memory_space<hbm>>, %arg7: memref<10240x128xf32, #tpu.memory_space<vmem_shared>>, %arg8: memref<5000xi32, #tpu.memory_space<vmem>>, %arg9: memref<5000xi32, #tpu.memory_space<vmem>>, %arg10: memref<2x128x128xf32, #tpu.memory_space<vmem>>, %arg11: memref<2x!tpu.dma_semaphore, #tpu.memory_space<semaphore_mem>>) attributes {dimension_semantics = [#tpu.dimension_semantics<core_parallel>, #tpu.dimension_semantics<subcore_parallel>], iteration_bounds = array<i64: 2, 16>, scalar_prefetch = 0 : i64, scratch_operands = 5 : i64, tpu.core_type = #tpu.core_type<sc_vector_subcore>, window_params = [{transform_indices = #map}, {transform_indices = #map1}, {transform_indices = #map1}, {transform_indices = #map}, {transform_indices = #map2}]} {
    %mul3A = arith.constant 16 : i32
    %mul3A_0 = arith.muli %arg0, %mul3A : i32
    %add3A = arith.addi %mul3A_0, %arg1 : i32
    %mul3A_1 = arith.constant 640 : i32
    %mul3A_2 = arith.muli %arg1, %mul3A_1 : i32
    "tpu.region"() ({
      %run_scoped3A_114 = tpu.sem_alloc : memref<!tpu.dma_semaphore, #tpu.memory_space<semaphore_mem>>
      %dma_start3A_115 = arith.constant 0 : i32
      %dma_start3A_116 = tpu.memref_slice %arg7[%mul3A_2, %dma_start3A_115] : memref<10240x128xf32, #tpu.memory_space<vmem_shared>> -> memref<640x128xf32, #tpu.memory_space<vmem_shared>>
      tpu.enqueue_dma source(%arg5 : memref<640x128xf32, #tpu.memory_space<hbm>>) target(%dma_start3A_116 : memref<640x128xf32, #tpu.memory_space<vmem_shared>>) target_semaphore(%run_scoped3A_114 : memref<!tpu.dma_semaphore, #tpu.memory_space<semaphore_mem>>)
      %dma_wait3A_117 = arith.constant 0 : i32
      %dma_wait3A_118 = tpu.memref_slice %arg7[%mul3A_2, %dma_wait3A_117] : memref<10240x128xf32, #tpu.memory_space<vmem_shared>> -> memref<640x128xf32, #tpu.memory_space<vmem_shared>>
      tpu.wait_dma2 semaphore(%run_scoped3A_114 : memref<!tpu.dma_semaphore, #tpu.memory_space<semaphore_mem>>) src(%arg5 : memref<640x128xf32, #tpu.memory_space<hbm>>) dst(%dma_wait3A_118 : memref<640x128xf32, #tpu.memory_space<vmem_shared>>)
      tpu.yield
    }) : () -> ()
    %barrier3A = arith.constant 0 : index
    tpu.barrier barrier_id(%barrier3A)
    %mul3A_3 = arith.constant 10000 : i32
    %mul3A_4 = arith.muli %add3A, %mul3A_3 : i32
    %add3A_5 = arith.constant 0 : i32
    %add3A_6 = arith.addi %mul3A_4, %add3A_5 : i32
    "tpu.region"() ({
      %run_scoped3A_114 = tpu.sem_alloc : memref<!tpu.dma_semaphore, #tpu.memory_space<semaphore_mem>>
      %dma_start3A_115 = tpu.memref_slice %arg3[%add3A_6] : memref<320000xi32, #tpu.memory_space<hbm>> -> memref<5000xi32, #tpu.memory_space<hbm>>
      %dma_start3A_116 = tpu.memref_slice %arg3[%add3A_6] : memref<320000xi32, #tpu.memory_space<hbm>> -> memref<5000xi32, #tpu.memory_space<hbm>>
      tpu.enqueue_dma source(%dma_start3A_116 : memref<5000xi32, #tpu.memory_space<hbm>>) target(%arg8 : memref<5000xi32, #tpu.memory_space<vmem>>) target_semaphore(%run_scoped3A_114 : memref<!tpu.dma_semaphore, #tpu.memory_space<semaphore_mem>>)
      %dma_wait3A_117 = tpu.memref_slice %arg3[%add3A_6] : memref<320000xi32, #tpu.memory_space<hbm>> -> memref<5000xi32, #tpu.memory_space<hbm>>
      %dma_wait3A_118 = tpu.memref_slice %arg3[%add3A_6] : memref<320000xi32, #tpu.memory_space<hbm>> -> memref<5000xi32, #tpu.memory_space<hbm>>
      tpu.wait_dma2 semaphore(%run_scoped3A_114 : memref<!tpu.dma_semaphore, #tpu.memory_space<semaphore_mem>>) src(%dma_wait3A_118 : memref<5000xi32, #tpu.memory_space<hbm>>) dst(%arg8 : memref<5000xi32, #tpu.memory_space<vmem>>)
      tpu.yield
    }) : () -> ()
    %mul3A_7 = arith.constant 10000 : i32
    %mul3A_8 = arith.muli %add3A, %mul3A_7 : i32
    %add3A_9 = arith.constant 0 : i32
    %add3A_10 = arith.addi %mul3A_8, %add3A_9 : i32
    "tpu.region"() ({
      %run_scoped3A_114 = tpu.sem_alloc : memref<!tpu.dma_semaphore, #tpu.memory_space<semaphore_mem>>
      %dma_start3A_115 = tpu.memref_slice %arg4[%add3A_10] : memref<320000xi32, #tpu.memory_space<hbm>> -> memref<5000xi32, #tpu.memory_space<hbm>>
      %dma_start3A_116 = tpu.memref_slice %arg4[%add3A_10] : memref<320000xi32, #tpu.memory_space<hbm>> -> memref<5000xi32, #tpu.memory_space<hbm>>
      tpu.enqueue_dma source(%dma_start3A_116 : memref<5000xi32, #tpu.memory_space<hbm>>) target(%arg9 : memref<5000xi32, #tpu.memory_space<vmem>>) target_semaphore(%run_scoped3A_114 : memref<!tpu.dma_semaphore, #tpu.memory_space<semaphore_mem>>)
      %dma_wait3A_117 = tpu.memref_slice %arg4[%add3A_10] : memref<320000xi32, #tpu.memory_space<hbm>> -> memref<5000xi32, #tpu.memory_space<hbm>>
      %dma_wait3A_118 = tpu.memref_slice %arg4[%add3A_10] : memref<320000xi32, #tpu.memory_space<hbm>> -> memref<5000xi32, #tpu.memory_space<hbm>>
      tpu.wait_dma2 semaphore(%run_scoped3A_114 : memref<!tpu.dma_semaphore, #tpu.memory_space<semaphore_mem>>) src(%dma_wait3A_118 : memref<5000xi32, #tpu.memory_space<hbm>>) dst(%arg9 : memref<5000xi32, #tpu.memory_space<vmem>>)
      tpu.yield
    }) : () -> ()
    %dma_start3A = arith.constant 0 : i32
    %dma_start3A_11 = arith.constant 0 : i32
    %dma_start3A_12 = arith.constant 0 : i32
    %dma_start3A_13 = arith.constant 0 : i32
    %dma_start3A_14 = tpu.memref_slice %arg10[%dma_start3A, %dma_start3A_12, %dma_start3A_13] : memref<2x128x128xf32, #tpu.memory_space<vmem>> -> memref<1x128x128xf32, #tpu.memory_space<vmem>>
    %dma_start3A_15 = tpu.memref_squeeze %dma_start3A_14 : memref<1x128x128xf32, #tpu.memory_space<vmem>> -> memref<128x128xf32, #tpu.memory_space<vmem>>
    %dma_start3A_16 = arith.constant 0 : i32
    %dma_start3A_17 = tpu.memref_slice %arg8[%dma_start3A_16] : memref<5000xi32, #tpu.memory_space<vmem>> -> memref<128xi32, #tpu.memory_space<vmem>>
    %dma_start3A_18 = arith.constant 0 : i32
    %dma_start3A_19 = arith.constant 0 : i32
    %dma_start3A_20 = tpu.memref_slice %arg2[%dma_start3A_18, %dma_start3A_19] : memref<10000x128xf32, #tpu.memory_space<hbm>> -> memref<10000x128xf32, #tpu.memory_space<hbm>>
    %dma_start3A_21 = tpu.memref_slice %arg11[%dma_start3A_11] : memref<2x!tpu.dma_semaphore, #tpu.memory_space<semaphore_mem>> -> memref<1x!tpu.dma_semaphore, #tpu.memory_space<semaphore_mem>>
    %dma_start3A_22 = tpu.memref_squeeze %dma_start3A_21 : memref<1x!tpu.dma_semaphore, #tpu.memory_space<semaphore_mem>> -> memref<!tpu.dma_semaphore, #tpu.memory_space<semaphore_mem>>
    tpu.enqueue_indirect_dma source(%dma_start3A_20 : memref<10000x128xf32, #tpu.memory_space<hbm>>) target(%dma_start3A_15 : memref<128x128xf32, #tpu.memory_space<vmem>>) offsets(%dma_start3A_17 : memref<128xi32, #tpu.memory_space<vmem>>) semaphore(%dma_start3A_22 : memref<!tpu.dma_semaphore, #tpu.memory_space<semaphore_mem>>)
    %dma_start3A_23 = arith.constant 1 : i32
    %dma_start3A_24 = arith.constant 1 : i32
    %dma_start3A_25 = arith.constant 0 : i32
    %dma_start3A_26 = arith.constant 0 : i32
    %dma_start3A_27 = tpu.memref_slice %arg10[%dma_start3A_23, %dma_start3A_25, %dma_start3A_26] : memref<2x128x128xf32, #tpu.memory_space<vmem>> -> memref<1x128x128xf32, #tpu.memory_space<vmem>>
    %dma_start3A_28 = tpu.memref_squeeze %dma_start3A_27 : memref<1x128x128xf32, #tpu.memory_space<vmem>> -> memref<128x128xf32, #tpu.memory_space<vmem>>
    %dma_start3A_29 = arith.constant 128 : i32
    %dma_start3A_30 = tpu.memref_slice %arg8[%dma_start3A_29] : memref<5000xi32, #tpu.memory_space<vmem>> -> memref<128xi32, #tpu.memory_space<vmem>>
    %dma_start3A_31 = arith.constant 0 : i32
    %dma_start3A_32 = arith.constant 0 : i32
    %dma_start3A_33 = tpu.memref_slice %arg2[%dma_start3A_31, %dma_start3A_32] : memref<10000x128xf32, #tpu.memory_space<hbm>> -> memref<10000x128xf32, #tpu.memory_space<hbm>>
    %dma_start3A_34 = tpu.memref_slice %arg11[%dma_start3A_24] : memref<2x!tpu.dma_semaphore, #tpu.memory_space<semaphore_mem>> -> memref<1x!tpu.dma_semaphore, #tpu.memory_space<semaphore_mem>>
    %dma_start3A_35 = tpu.memref_squeeze %dma_start3A_34 : memref<1x!tpu.dma_semaphore, #tpu.memory_space<semaphore_mem>> -> memref<!tpu.dma_semaphore, #tpu.memory_space<semaphore_mem>>
    tpu.enqueue_indirect_dma source(%dma_start3A_33 : memref<10000x128xf32, #tpu.memory_space<hbm>>) target(%dma_start3A_28 : memref<128x128xf32, #tpu.memory_space<vmem>>) offsets(%dma_start3A_30 : memref<128xi32, #tpu.memory_space<vmem>>) semaphore(%dma_start3A_35 : memref<!tpu.dma_semaphore, #tpu.memory_space<semaphore_mem>>)
    %scan3A = arith.constant 0 : i32
    %scan3A_36 = arith.constant 19 : i32
    %scan3A_37 = arith.addi %scan3A, %scan3A_36 : i32
    %scan3A_38 = arith.constant 1 : i32
    scf.for %scan3A_114 = %scan3A to %scan3A_37 step %scan3A_38  : i32 {
      %mul3A_115 = arith.constant 2 : i32
      %mul3A_116 = arith.muli %scan3A_114, %mul3A_115 : i32
      %add3A_117 = arith.constant 0 : i32
      %add3A_118 = arith.addi %add3A_117, %mul3A_116 : i32
      %dma_wait3A_119 = arith.constant 0 : i32
      %dma_wait3A_120 = arith.constant 0 : i32
      %dma_wait3A_121 = arith.constant 0 : i32
      %dma_wait3A_122 = arith.constant 0 : i32
      %dma_wait3A_123 = tpu.memref_slice %arg10[%dma_wait3A_119, %dma_wait3A_121, %dma_wait3A_122] : memref<2x128x128xf32, #tpu.memory_space<vmem>> -> memref<1x128x128xf32, #tpu.memory_space<vmem>>
      %dma_wait3A_124 = tpu.memref_squeeze %dma_wait3A_123 : memref<1x128x128xf32, #tpu.memory_space<vmem>> -> memref<128x128xf32, #tpu.memory_space<vmem>>
      %dma_wait3A_125 = arith.constant 0 : i32
      %dma_wait3A_126 = tpu.memref_slice %arg8[%dma_wait3A_125] : memref<5000xi32, #tpu.memory_space<vmem>> -> memref<128xi32, #tpu.memory_space<vmem>>
      %dma_wait3A_127 = arith.constant 0 : i32
      %dma_wait3A_128 = arith.constant 0 : i32
      %dma_wait3A_129 = tpu.memref_slice %arg2[%dma_wait3A_127, %dma_wait3A_128] : memref<10000x128xf32, #tpu.memory_space<hbm>> -> memref<10000x128xf32, #tpu.memory_space<hbm>>
      %dma_wait3A_130 = tpu.memref_slice %arg11[%dma_wait3A_120] : memref<2x!tpu.dma_semaphore, #tpu.memory_space<semaphore_mem>> -> memref<1x!tpu.dma_semaphore, #tpu.memory_space<semaphore_mem>>
      %dma_wait3A_131 = tpu.memref_squeeze %dma_wait3A_130 : memref<1x!tpu.dma_semaphore, #tpu.memory_space<semaphore_mem>> -> memref<!tpu.dma_semaphore, #tpu.memory_space<semaphore_mem>>
      tpu.wait_indirect_dma semaphore(%dma_wait3A_131 : memref<!tpu.dma_semaphore, #tpu.memory_space<semaphore_mem>>) src(%dma_wait3A_129 : memref<10000x128xf32, #tpu.memory_space<hbm>>) dst(%dma_wait3A_124 : memref<128x128xf32, #tpu.memory_space<vmem>>)
      %add3A_132 = arith.constant 0 : i32
      %add3A_133 = arith.addi %add3A_118, %add3A_132 : i32
      %mul3A_134 = arith.constant 128 : i32
      %mul3A_135 = arith.muli %add3A_133, %mul3A_134 : i32
      %run_scoped3A_136 = arith.constant 0 : i32
      "tpu.region"() ({
        %run_scoped3A_170 = tpu.sem_alloc : memref<!tpu.dma_semaphore, #tpu.memory_space<semaphore_mem>>
        %dma_start3A_171 = arith.constant 0 : i32
        %dma_start3A_172 = arith.constant 0 : i32
        %dma_start3A_173 = tpu.memref_slice %arg10[%run_scoped3A_136, %dma_start3A_171, %dma_start3A_172] : memref<2x128x128xf32, #tpu.memory_space<vmem>> -> memref<1x128x128xf32, #tpu.memory_space<vmem>>
        %dma_start3A_174 = tpu.memref_squeeze %dma_start3A_173 : memref<1x128x128xf32, #tpu.memory_space<vmem>> -> memref<128x128xf32, #tpu.memory_space<vmem>>
        %dma_start3A_175 = tpu.memref_slice %arg9[%mul3A_135] : memref<5000xi32, #tpu.memory_space<vmem>> -> memref<128xi32, #tpu.memory_space<vmem>>
        %dma_start3A_176 = arith.constant 0 : i32
        %dma_start3A_177 = arith.constant 0 : i32
        %dma_start3A_178 = tpu.memref_slice %arg7[%dma_start3A_176, %dma_start3A_177] : memref<10240x128xf32, #tpu.memory_space<vmem_shared>> -> memref<10240x128xf32, #tpu.memory_space<vmem_shared>>
        tpu.enqueue_indirect_dma source(%dma_start3A_174 : memref<128x128xf32, #tpu.memory_space<vmem>>) target(%dma_start3A_178 : memref<10240x128xf32, #tpu.memory_space<vmem_shared>>) offsets(%dma_start3A_175 : memref<128xi32, #tpu.memory_space<vmem>>) semaphore(%run_scoped3A_170 : memref<!tpu.dma_semaphore, #tpu.memory_space<semaphore_mem>>) {add = true}
        %dma_wait3A_179 = arith.constant 0 : i32
        %dma_wait3A_180 = arith.constant 0 : i32
        %dma_wait3A_181 = tpu.memref_slice %arg10[%run_scoped3A_136, %dma_wait3A_179, %dma_wait3A_180] : memref<2x128x128xf32, #tpu.memory_space<vmem>> -> memref<1x128x128xf32, #tpu.memory_space<vmem>>
        %dma_wait3A_182 = tpu.memref_squeeze %dma_wait3A_181 : memref<1x128x128xf32, #tpu.memory_space<vmem>> -> memref<128x128xf32, #tpu.memory_space<vmem>>
        %dma_wait3A_183 = tpu.memref_slice %arg9[%mul3A_135] : memref<5000xi32, #tpu.memory_space<vmem>> -> memref<128xi32, #tpu.memory_space<vmem>>
        %dma_wait3A_184 = arith.constant 0 : i32
        %dma_wait3A_185 = arith.constant 0 : i32
        %dma_wait3A_186 = tpu.memref_slice %arg7[%dma_wait3A_184, %dma_wait3A_185] : memref<10240x128xf32, #tpu.memory_space<vmem_shared>> -> memref<10240x128xf32, #tpu.memory_space<vmem_shared>>
        tpu.wait_indirect_dma semaphore(%run_scoped3A_170 : memref<!tpu.dma_semaphore, #tpu.memory_space<semaphore_mem>>) src(%dma_wait3A_182 : memref<128x128xf32, #tpu.memory_space<vmem>>) dst(%dma_wait3A_186 : memref<10240x128xf32, #tpu.memory_space<vmem_shared>>)
        tpu.yield
      }) : () -> ()
      %add3A_137 = arith.constant 2 : i32
      %add3A_138 = arith.addi %add3A_118, %add3A_137 : i32
      %add3A_139 = arith.constant 0 : i32
      %add3A_140 = arith.addi %add3A_138, %add3A_139 : i32
      %lt3A = arith.constant 39 : i32
      %lt3A_141 = arith.cmpi slt, %add3A_140, %lt3A : i32
      %convert_element_type3A = arith.extui %lt3A_141 : i1 to i32
      %cond3A = arith.constant 0 : i32
      %cond3A_142 = arith.cmpi ne, %convert_element_type3A, %cond3A : i32
      scf.if %cond3A_142 {
        %add3A_170 = arith.constant 2 : i32
        %add3A_171 = arith.addi %add3A_118, %add3A_170 : i32
        %add3A_172 = arith.constant 0 : i32
        %add3A_173 = arith.addi %add3A_171, %add3A_172 : i32
        %mul3A_174 = arith.constant 128 : i32
        %mul3A_175 = arith.muli %add3A_173, %mul3A_174 : i32
        %dma_start3A_176 = arith.constant 0 : i32
        %dma_start3A_177 = arith.constant 0 : i32
        %dma_start3A_178 = arith.constant 0 : i32
        %dma_start3A_179 = arith.constant 0 : i32
        %dma_start3A_180 = tpu.memref_slice %arg10[%dma_start3A_176, %dma_start3A_178, %dma_start3A_179] : memref<2x128x128xf32, #tpu.memory_space<vmem>> -> memref<1x128x128xf32, #tpu.memory_space<vmem>>
        %dma_start3A_181 = tpu.memref_squeeze %dma_start3A_180 : memref<1x128x128xf32, #tpu.memory_space<vmem>> -> memref<128x128xf32, #tpu.memory_space<vmem>>
        %dma_start3A_182 = tpu.memref_slice %arg8[%mul3A_175] : memref<5000xi32, #tpu.memory_space<vmem>> -> memref<128xi32, #tpu.memory_space<vmem>>
        %dma_start3A_183 = arith.constant 0 : i32
        %dma_start3A_184 = arith.constant 0 : i32
        %dma_start3A_185 = tpu.memref_slice %arg2[%dma_start3A_183, %dma_start3A_184] : memref<10000x128xf32, #tpu.memory_space<hbm>> -> memref<10000x128xf32, #tpu.memory_space<hbm>>
        %dma_start3A_186 = tpu.memref_slice %arg11[%dma_start3A_177] : memref<2x!tpu.dma_semaphore, #tpu.memory_space<semaphore_mem>> -> memref<1x!tpu.dma_semaphore, #tpu.memory_space<semaphore_mem>>
        %dma_start3A_187 = tpu.memref_squeeze %dma_start3A_186 : memref<1x!tpu.dma_semaphore, #tpu.memory_space<semaphore_mem>> -> memref<!tpu.dma_semaphore, #tpu.memory_space<semaphore_mem>>
        tpu.enqueue_indirect_dma source(%dma_start3A_185 : memref<10000x128xf32, #tpu.memory_space<hbm>>) target(%dma_start3A_181 : memref<128x128xf32, #tpu.memory_space<vmem>>) offsets(%dma_start3A_182 : memref<128xi32, #tpu.memory_space<vmem>>) semaphore(%dma_start3A_187 : memref<!tpu.dma_semaphore, #tpu.memory_space<semaphore_mem>>)
      } else {
      }
      %dma_wait3A_143 = arith.constant 1 : i32
      %dma_wait3A_144 = arith.constant 1 : i32
      %dma_wait3A_145 = arith.constant 0 : i32
      %dma_wait3A_146 = arith.constant 0 : i32
      %dma_wait3A_147 = tpu.memref_slice %arg10[%dma_wait3A_143, %dma_wait3A_145, %dma_wait3A_146] : memref<2x128x128xf32, #tpu.memory_space<vmem>> -> memref<1x128x128xf32, #tpu.memory_space<vmem>>
      %dma_wait3A_148 = tpu.memref_squeeze %dma_wait3A_147 : memref<1x128x128xf32, #tpu.memory_space<vmem>> -> memref<128x128xf32, #tpu.memory_space<vmem>>
      %dma_wait3A_149 = arith.constant 128 : i32
      %dma_wait3A_150 = tpu.memref_slice %arg8[%dma_wait3A_149] : memref<5000xi32, #tpu.memory_space<vmem>> -> memref<128xi32, #tpu.memory_space<vmem>>
      %dma_wait3A_151 = arith.constant 0 : i32
      %dma_wait3A_152 = arith.constant 0 : i32
      %dma_wait3A_153 = tpu.memref_slice %arg2[%dma_wait3A_151, %dma_wait3A_152] : memref<10000x128xf32, #tpu.memory_space<hbm>> -> memref<10000x128xf32, #tpu.memory_space<hbm>>
      %dma_wait3A_154 = tpu.memref_slice %arg11[%dma_wait3A_144] : memref<2x!tpu.dma_semaphore, #tpu.memory_space<semaphore_mem>> -> memref<1x!tpu.dma_semaphore, #tpu.memory_space<semaphore_mem>>
      %dma_wait3A_155 = tpu.memref_squeeze %dma_wait3A_154 : memref<1x!tpu.dma_semaphore, #tpu.memory_space<semaphore_mem>> -> memref<!tpu.dma_semaphore, #tpu.memory_space<semaphore_mem>>
      tpu.wait_indirect_dma semaphore(%dma_wait3A_155 : memref<!tpu.dma_semaphore, #tpu.memory_space<semaphore_mem>>) src(%dma_wait3A_153 : memref<10000x128xf32, #tpu.memory_space<hbm>>) dst(%dma_wait3A_148 : memref<128x128xf32, #tpu.memory_space<vmem>>)
      %add3A_156 = arith.constant 1 : i32
      %add3A_157 = arith.addi %add3A_118, %add3A_156 : i32
      %mul3A_158 = arith.constant 128 : i32
      %mul3A_159 = arith.muli %add3A_157, %mul3A_158 : i32
      %run_scoped3A_160 = arith.constant 1 : i32
      "tpu.region"() ({
        %run_scoped3A_170 = tpu.sem_alloc : memref<!tpu.dma_semaphore, #tpu.memory_space<semaphore_mem>>
        %dma_start3A_171 = arith.constant 0 : i32
        %dma_start3A_172 = arith.constant 0 : i32
        %dma_start3A_173 = tpu.memref_slice %arg10[%run_scoped3A_160, %dma_start3A_171, %dma_start3A_172] : memref<2x128x128xf32, #tpu.memory_space<vmem>> -> memref<1x128x128xf32, #tpu.memory_space<vmem>>
        %dma_start3A_174 = tpu.memref_squeeze %dma_start3A_173 : memref<1x128x128xf32, #tpu.memory_space<vmem>> -> memref<128x128xf32, #tpu.memory_space<vmem>>
        %dma_start3A_175 = tpu.memref_slice %arg9[%mul3A_159] : memref<5000xi32, #tpu.memory_space<vmem>> -> memref<128xi32, #tpu.memory_space<vmem>>
        %dma_start3A_176 = arith.constant 0 : i32
        %dma_start3A_177 = arith.constant 0 : i32
        %dma_start3A_178 = tpu.memref_slice %arg7[%dma_start3A_176, %dma_start3A_177] : memref<10240x128xf32, #tpu.memory_space<vmem_shared>> -> memref<10240x128xf32, #tpu.memory_space<vmem_shared>>
        tpu.enqueue_indirect_dma source(%dma_start3A_174 : memref<128x128xf32, #tpu.memory_space<vmem>>) target(%dma_start3A_178 : memref<10240x128xf32, #tpu.memory_space<vmem_shared>>) offsets(%dma_start3A_175 : memref<128xi32, #tpu.memory_space<vmem>>) semaphore(%run_scoped3A_170 : memref<!tpu.dma_semaphore, #tpu.memory_space<semaphore_mem>>) {add = true}
        %dma_wait3A_179 = arith.constant 0 : i32
        %dma_wait3A_180 = arith.constant 0 : i32
        %dma_wait3A_181 = tpu.memref_slice %arg10[%run_scoped3A_160, %dma_wait3A_179, %dma_wait3A_180] : memref<2x128x128xf32, #tpu.memory_space<vmem>> -> memref<1x128x128xf32, #tpu.memory_space<vmem>>
        %dma_wait3A_182 = tpu.memref_squeeze %dma_wait3A_181 : memref<1x128x128xf32, #tpu.memory_space<vmem>> -> memref<128x128xf32, #tpu.memory_space<vmem>>
        %dma_wait3A_183 = tpu.memref_slice %arg9[%mul3A_159] : memref<5000xi32, #tpu.memory_space<vmem>> -> memref<128xi32, #tpu.memory_space<vmem>>
        %dma_wait3A_184 = arith.constant 0 : i32
        %dma_wait3A_185 = arith.constant 0 : i32
        %dma_wait3A_186 = tpu.memref_slice %arg7[%dma_wait3A_184, %dma_wait3A_185] : memref<10240x128xf32, #tpu.memory_space<vmem_shared>> -> memref<10240x128xf32, #tpu.memory_space<vmem_shared>>
        tpu.wait_indirect_dma semaphore(%run_scoped3A_170 : memref<!tpu.dma_semaphore, #tpu.memory_space<semaphore_mem>>) src(%dma_wait3A_182 : memref<128x128xf32, #tpu.memory_space<vmem>>) dst(%dma_wait3A_186 : memref<10240x128xf32, #tpu.memory_space<vmem_shared>>)
        tpu.yield
      }) : () -> ()
      %add3A_161 = arith.constant 2 : i32
      %add3A_162 = arith.addi %add3A_118, %add3A_161 : i32
      %add3A_163 = arith.constant 1 : i32
      %add3A_164 = arith.addi %add3A_162, %add3A_163 : i32
      %lt3A_165 = arith.constant 39 : i32
      %lt3A_166 = arith.cmpi slt, %add3A_164, %lt3A_165 : i32
      %convert_element_type3A_167 = arith.extui %lt3A_166 : i1 to i32
      %cond3A_168 = arith.constant 0 : i32
      %cond3A_169 = arith.cmpi ne, %convert_element_type3A_167, %cond3A_168 : i32
      scf.if %cond3A_169 {
        %add3A_170 = arith.constant 2 : i32
        %add3A_171 = arith.addi %add3A_118, %add3A_170 : i32
        %add3A_172 = arith.constant 1 : i32
        %add3A_173 = arith.addi %add3A_171, %add3A_172 : i32
        %mul3A_174 = arith.constant 128 : i32
        %mul3A_175 = arith.muli %add3A_173, %mul3A_174 : i32
        %dma_start3A_176 = arith.constant 1 : i32
        %dma_start3A_177 = arith.constant 1 : i32
        %dma_start3A_178 = arith.constant 0 : i32
        %dma_start3A_179 = arith.constant 0 : i32
        %dma_start3A_180 = tpu.memref_slice %arg10[%dma_start3A_176, %dma_start3A_178, %dma_start3A_179] : memref<2x128x128xf32, #tpu.memory_space<vmem>> -> memref<1x128x128xf32, #tpu.memory_space<vmem>>
        %dma_start3A_181 = tpu.memref_squeeze %dma_start3A_180 : memref<1x128x128xf32, #tpu.memory_space<vmem>> -> memref<128x128xf32, #tpu.memory_space<vmem>>
        %dma_start3A_182 = tpu.memref_slice %arg8[%mul3A_175] : memref<5000xi32, #tpu.memory_space<vmem>> -> memref<128xi32, #tpu.memory_space<vmem>>
        %dma_start3A_183 = arith.constant 0 : i32
        %dma_start3A_184 = arith.constant 0 : i32
        %dma_start3A_185 = tpu.memref_slice %arg2[%dma_start3A_183, %dma_start3A_184] : memref<10000x128xf32, #tpu.memory_space<hbm>> -> memref<10000x128xf32, #tpu.memory_space<hbm>>
        %dma_start3A_186 = tpu.memref_slice %arg11[%dma_start3A_177] : memref<2x!tpu.dma_semaphore, #tpu.memory_space<semaphore_mem>> -> memref<1x!tpu.dma_semaphore, #tpu.memory_space<semaphore_mem>>
        %dma_start3A_187 = tpu.memref_squeeze %dma_start3A_186 : memref<1x!tpu.dma_semaphore, #tpu.memory_space<semaphore_mem>> -> memref<!tpu.dma_semaphore, #tpu.memory_space<semaphore_mem>>
        tpu.enqueue_indirect_dma source(%dma_start3A_185 : memref<10000x128xf32, #tpu.memory_space<hbm>>) target(%dma_start3A_181 : memref<128x128xf32, #tpu.memory_space<vmem>>) offsets(%dma_start3A_182 : memref<128xi32, #tpu.memory_space<vmem>>) semaphore(%dma_start3A_187 : memref<!tpu.dma_semaphore, #tpu.memory_space<semaphore_mem>>)
      } else {
      }
    }
    %scan3A_39 = arith.constant 19 : i32
    %dma_wait3A = arith.constant 0 : i32
    %dma_wait3A_40 = arith.constant 0 : i32
    %dma_wait3A_41 = arith.constant 0 : i32
    %dma_wait3A_42 = arith.constant 0 : i32
    %dma_wait3A_43 = tpu.memref_slice %arg10[%dma_wait3A, %dma_wait3A_41, %dma_wait3A_42] : memref<2x128x128xf32, #tpu.memory_space<vmem>> -> memref<1x128x128xf32, #tpu.memory_space<vmem>>
    %dma_wait3A_44 = tpu.memref_squeeze %dma_wait3A_43 : memref<1x128x128xf32, #tpu.memory_space<vmem>> -> memref<128x128xf32, #tpu.memory_space<vmem>>
    %dma_wait3A_45 = arith.constant 0 : i32
    %dma_wait3A_46 = tpu.memref_slice %arg8[%dma_wait3A_45] : memref<5000xi32, #tpu.memory_space<vmem>> -> memref<128xi32, #tpu.memory_space<vmem>>
    %dma_wait3A_47 = arith.constant 0 : i32
    %dma_wait3A_48 = arith.constant 0 : i32
    %dma_wait3A_49 = tpu.memref_slice %arg2[%dma_wait3A_47, %dma_wait3A_48] : memref<10000x128xf32, #tpu.memory_space<hbm>> -> memref<10000x128xf32, #tpu.memory_space<hbm>>
    %dma_wait3A_50 = tpu.memref_slice %arg11[%dma_wait3A_40] : memref<2x!tpu.dma_semaphore, #tpu.memory_space<semaphore_mem>> -> memref<1x!tpu.dma_semaphore, #tpu.memory_space<semaphore_mem>>
    %dma_wait3A_51 = tpu.memref_squeeze %dma_wait3A_50 : memref<1x!tpu.dma_semaphore, #tpu.memory_space<semaphore_mem>> -> memref<!tpu.dma_semaphore, #tpu.memory_space<semaphore_mem>>
    tpu.wait_indirect_dma semaphore(%dma_wait3A_51 : memref<!tpu.dma_semaphore, #tpu.memory_space<semaphore_mem>>) src(%dma_wait3A_49 : memref<10000x128xf32, #tpu.memory_space<hbm>>) dst(%dma_wait3A_44 : memref<128x128xf32, #tpu.memory_space<vmem>>)
    %run_scoped3A = arith.constant 0 : i32
    "tpu.region"() ({
      %run_scoped3A_114 = tpu.sem_alloc : memref<!tpu.dma_semaphore, #tpu.memory_space<semaphore_mem>>
      %dma_start3A_115 = arith.constant 0 : i32
      %dma_start3A_116 = arith.constant 0 : i32
      %dma_start3A_117 = tpu.memref_slice %arg10[%run_scoped3A, %dma_start3A_115, %dma_start3A_116] : memref<2x128x128xf32, #tpu.memory_space<vmem>> -> memref<1x128x128xf32, #tpu.memory_space<vmem>>
      %dma_start3A_118 = tpu.memref_squeeze %dma_start3A_117 : memref<1x128x128xf32, #tpu.memory_space<vmem>> -> memref<128x128xf32, #tpu.memory_space<vmem>>
      %dma_start3A_119 = arith.constant 4864 : i32
      %dma_start3A_120 = tpu.memref_slice %arg9[%dma_start3A_119] : memref<5000xi32, #tpu.memory_space<vmem>> -> memref<128xi32, #tpu.memory_space<vmem>>
      %dma_start3A_121 = arith.constant 0 : i32
      %dma_start3A_122 = arith.constant 0 : i32
      %dma_start3A_123 = tpu.memref_slice %arg7[%dma_start3A_121, %dma_start3A_122] : memref<10240x128xf32, #tpu.memory_space<vmem_shared>> -> memref<10240x128xf32, #tpu.memory_space<vmem_shared>>
      tpu.enqueue_indirect_dma source(%dma_start3A_118 : memref<128x128xf32, #tpu.memory_space<vmem>>) target(%dma_start3A_123 : memref<10240x128xf32, #tpu.memory_space<vmem_shared>>) offsets(%dma_start3A_120 : memref<128xi32, #tpu.memory_space<vmem>>) semaphore(%run_scoped3A_114 : memref<!tpu.dma_semaphore, #tpu.memory_space<semaphore_mem>>) {add = true}
      %dma_wait3A_124 = arith.constant 0 : i32
      %dma_wait3A_125 = arith.constant 0 : i32
      %dma_wait3A_126 = tpu.memref_slice %arg10[%run_scoped3A, %dma_wait3A_124, %dma_wait3A_125] : memref<2x128x128xf32, #tpu.memory_space<vmem>> -> memref<1x128x128xf32, #tpu.memory_space<vmem>>
      %dma_wait3A_127 = tpu.memref_squeeze %dma_wait3A_126 : memref<1x128x128xf32, #tpu.memory_space<vmem>> -> memref<128x128xf32, #tpu.memory_space<vmem>>
      %dma_wait3A_128 = arith.constant 4864 : i32
      %dma_wait3A_129 = tpu.memref_slice %arg9[%dma_wait3A_128] : memref<5000xi32, #tpu.memory_space<vmem>> -> memref<128xi32, #tpu.memory_space<vmem>>
      %dma_wait3A_130 = arith.constant 0 : i32
      %dma_wait3A_131 = arith.constant 0 : i32
      %dma_wait3A_132 = tpu.memref_slice %arg7[%dma_wait3A_130, %dma_wait3A_131] : memref<10240x128xf32, #tpu.memory_space<vmem_shared>> -> memref<10240x128xf32, #tpu.memory_space<vmem_shared>>
      tpu.wait_indirect_dma semaphore(%run_scoped3A_114 : memref<!tpu.dma_semaphore, #tpu.memory_space<semaphore_mem>>) src(%dma_wait3A_127 : memref<128x128xf32, #tpu.memory_space<vmem>>) dst(%dma_wait3A_132 : memref<10240x128xf32, #tpu.memory_space<vmem_shared>>)
      tpu.yield
    }) : () -> ()
    %run_scoped3A_52 = arith.constant 0 : i32
    "tpu.region"() ({
      %run_scoped3A_114 = tpu.sem_alloc : memref<!tpu.dma_semaphore, #tpu.memory_space<semaphore_mem>>
      %dma_start3A_115 = arith.constant 0 : i32
      %dma_start3A_116 = arith.constant 0 : i32
      %dma_start3A_117 = tpu.memref_slice %arg10[%run_scoped3A_52, %dma_start3A_115, %dma_start3A_116] : memref<2x128x128xf32, #tpu.memory_space<vmem>> -> memref<1x8x128xf32, #tpu.memory_space<vmem>>
      %dma_start3A_118 = tpu.memref_squeeze %dma_start3A_117 : memref<1x8x128xf32, #tpu.memory_space<vmem>> -> memref<8x128xf32, #tpu.memory_space<vmem>>
      %dma_start3A_119 = arith.constant 4992 : i32
      %dma_start3A_120 = tpu.memref_slice %arg8[%dma_start3A_119] : memref<5000xi32, #tpu.memory_space<vmem>> -> memref<8xi32, #tpu.memory_space<vmem>>
      %dma_start3A_121 = arith.constant 0 : i32
      %dma_start3A_122 = arith.constant 0 : i32
      %dma_start3A_123 = tpu.memref_slice %arg2[%dma_start3A_121, %dma_start3A_122] : memref<10000x128xf32, #tpu.memory_space<hbm>> -> memref<10000x128xf32, #tpu.memory_space<hbm>>
      tpu.enqueue_indirect_dma source(%dma_start3A_123 : memref<10000x128xf32, #tpu.memory_space<hbm>>) target(%dma_start3A_118 : memref<8x128xf32, #tpu.memory_space<vmem>>) offsets(%dma_start3A_120 : memref<8xi32, #tpu.memory_space<vmem>>) semaphore(%run_scoped3A_114 : memref<!tpu.dma_semaphore, #tpu.memory_space<semaphore_mem>>)
      %dma_wait3A_124 = arith.constant 0 : i32
      %dma_wait3A_125 = arith.constant 0 : i32
      %dma_wait3A_126 = tpu.memref_slice %arg10[%run_scoped3A_52, %dma_wait3A_124, %dma_wait3A_125] : memref<2x128x128xf32, #tpu.memory_space<vmem>> -> memref<1x8x128xf32, #tpu.memory_space<vmem>>
      %dma_wait3A_127 = tpu.memref_squeeze %dma_wait3A_126 : memref<1x8x128xf32, #tpu.memory_space<vmem>> -> memref<8x128xf32, #tpu.memory_space<vmem>>
      %dma_wait3A_128 = arith.constant 4992 : i32
      %dma_wait3A_129 = tpu.memref_slice %arg8[%dma_wait3A_128] : memref<5000xi32, #tpu.memory_space<vmem>> -> memref<8xi32, #tpu.memory_space<vmem>>
      %dma_wait3A_130 = arith.constant 0 : i32
      %dma_wait3A_131 = arith.constant 0 : i32
      %dma_wait3A_132 = tpu.memref_slice %arg2[%dma_wait3A_130, %dma_wait3A_131] : memref<10000x128xf32, #tpu.memory_space<hbm>> -> memref<10000x128xf32, #tpu.memory_space<hbm>>
      tpu.wait_indirect_dma semaphore(%run_scoped3A_114 : memref<!tpu.dma_semaphore, #tpu.memory_space<semaphore_mem>>) src(%dma_wait3A_132 : memref<10000x128xf32, #tpu.memory_space<hbm>>) dst(%dma_wait3A_127 : memref<8x128xf32, #tpu.memory_space<vmem>>)
      tpu.yield
    }) : () -> ()
    %run_scoped3A_53 = arith.constant 0 : i32
    "tpu.region"() ({
      %run_scoped3A_114 = tpu.sem_alloc : memref<!tpu.dma_semaphore, #tpu.memory_space<semaphore_mem>>
      %dma_start3A_115 = arith.constant 0 : i32
      %dma_start3A_116 = arith.constant 0 : i32
      %dma_start3A_117 = tpu.memref_slice %arg10[%run_scoped3A_53, %dma_start3A_115, %dma_start3A_116] : memref<2x128x128xf32, #tpu.memory_space<vmem>> -> memref<1x8x128xf32, #tpu.memory_space<vmem>>
      %dma_start3A_118 = tpu.memref_squeeze %dma_start3A_117 : memref<1x8x128xf32, #tpu.memory_space<vmem>> -> memref<8x128xf32, #tpu.memory_space<vmem>>
      %dma_start3A_119 = arith.constant 4992 : i32
      %dma_start3A_120 = tpu.memref_slice %arg9[%dma_start3A_119] : memref<5000xi32, #tpu.memory_space<vmem>> -> memref<8xi32, #tpu.memory_space<vmem>>
      %dma_start3A_121 = arith.constant 0 : i32
      %dma_start3A_122 = arith.constant 0 : i32
      %dma_start3A_123 = tpu.memref_slice %arg7[%dma_start3A_121, %dma_start3A_122] : memref<10240x128xf32, #tpu.memory_space<vmem_shared>> -> memref<10240x128xf32, #tpu.memory_space<vmem_shared>>
      tpu.enqueue_indirect_dma source(%dma_start3A_118 : memref<8x128xf32, #tpu.memory_space<vmem>>) target(%dma_start3A_123 : memref<10240x128xf32, #tpu.memory_space<vmem_shared>>) offsets(%dma_start3A_120 : memref<8xi32, #tpu.memory_space<vmem>>) semaphore(%run_scoped3A_114 : memref<!tpu.dma_semaphore, #tpu.memory_space<semaphore_mem>>) {add = true}
      %dma_wait3A_124 = arith.constant 0 : i32
      %dma_wait3A_125 = arith.constant 0 : i32
      %dma_wait3A_126 = tpu.memref_slice %arg10[%run_scoped3A_53, %dma_wait3A_124, %dma_wait3A_125] : memref<2x128x128xf32, #tpu.memory_space<vmem>> -> memref<1x8x128xf32, #tpu.memory_space<vmem>>
      %dma_wait3A_127 = tpu.memref_squeeze %dma_wait3A_126 : memref<1x8x128xf32, #tpu.memory_space<vmem>> -> memref<8x128xf32, #tpu.memory_space<vmem>>
      %dma_wait3A_128 = arith.constant 4992 : i32
      %dma_wait3A_129 = tpu.memref_slice %arg9[%dma_wait3A_128] : memref<5000xi32, #tpu.memory_space<vmem>> -> memref<8xi32, #tpu.memory_space<vmem>>
      %dma_wait3A_130 = arith.constant 0 : i32
      %dma_wait3A_131 = arith.constant 0 : i32
      %dma_wait3A_132 = tpu.memref_slice %arg7[%dma_wait3A_130, %dma_wait3A_131] : memref<10240x128xf32, #tpu.memory_space<vmem_shared>> -> memref<10240x128xf32, #tpu.memory_space<vmem_shared>>
      tpu.wait_indirect_dma semaphore(%run_scoped3A_114 : memref<!tpu.dma_semaphore, #tpu.memory_space<semaphore_mem>>) src(%dma_wait3A_127 : memref<8x128xf32, #tpu.memory_space<vmem>>) dst(%dma_wait3A_132 : memref<10240x128xf32, #tpu.memory_space<vmem_shared>>)
      tpu.yield
    }) : () -> ()
    %mul3A_54 = arith.constant 10000 : i32
    %mul3A_55 = arith.muli %add3A, %mul3A_54 : i32
    %add3A_56 = arith.constant 5000 : i32
    %add3A_57 = arith.addi %mul3A_55, %add3A_56 : i32
    "tpu.region"() ({
      %run_scoped3A_114 = tpu.sem_alloc : memref<!tpu.dma_semaphore, #tpu.memory_space<semaphore_mem>>
      %dma_start3A_115 = tpu.memref_slice %arg3[%add3A_57] : memref<320000xi32, #tpu.memory_space<hbm>> -> memref<5000xi32, #tpu.memory_space<hbm>>
      %dma_start3A_116 = tpu.memref_slice %arg3[%add3A_57] : memref<320000xi32, #tpu.memory_space<hbm>> -> memref<5000xi32, #tpu.memory_space<hbm>>
      tpu.enqueue_dma source(%dma_start3A_116 : memref<5000xi32, #tpu.memory_space<hbm>>) target(%arg8 : memref<5000xi32, #tpu.memory_space<vmem>>) target_semaphore(%run_scoped3A_114 : memref<!tpu.dma_semaphore, #tpu.memory_space<semaphore_mem>>)
      %dma_wait3A_117 = tpu.memref_slice %arg3[%add3A_57] : memref<320000xi32, #tpu.memory_space<hbm>> -> memref<5000xi32, #tpu.memory_space<hbm>>
      %dma_wait3A_118 = tpu.memref_slice %arg3[%add3A_57] : memref<320000xi32, #tpu.memory_space<hbm>> -> memref<5000xi32, #tpu.memory_space<hbm>>
      tpu.wait_dma2 semaphore(%run_scoped3A_114 : memref<!tpu.dma_semaphore, #tpu.memory_space<semaphore_mem>>) src(%dma_wait3A_118 : memref<5000xi32, #tpu.memory_space<hbm>>) dst(%arg8 : memref<5000xi32, #tpu.memory_space<vmem>>)
      tpu.yield
    }) : () -> ()
    %mul3A_58 = arith.constant 10000 : i32
    %mul3A_59 = arith.muli %add3A, %mul3A_58 : i32
    %add3A_60 = arith.constant 5000 : i32
    %add3A_61 = arith.addi %mul3A_59, %add3A_60 : i32
    "tpu.region"() ({
      %run_scoped3A_114 = tpu.sem_alloc : memref<!tpu.dma_semaphore, #tpu.memory_space<semaphore_mem>>
      %dma_start3A_115 = tpu.memref_slice %arg4[%add3A_61] : memref<320000xi32, #tpu.memory_space<hbm>> -> memref<5000xi32, #tpu.memory_space<hbm>>
      %dma_start3A_116 = tpu.memref_slice %arg4[%add3A_61] : memref<320000xi32, #tpu.memory_space<hbm>> -> memref<5000xi32, #tpu.memory_space<hbm>>
      tpu.enqueue_dma source(%dma_start3A_116 : memref<5000xi32, #tpu.memory_space<hbm>>) target(%arg9 : memref<5000xi32, #tpu.memory_space<vmem>>) target_semaphore(%run_scoped3A_114 : memref<!tpu.dma_semaphore, #tpu.memory_space<semaphore_mem>>)
      %dma_wait3A_117 = tpu.memref_slice %arg4[%add3A_61] : memref<320000xi32, #tpu.memory_space<hbm>> -> memref<5000xi32, #tpu.memory_space<hbm>>
      %dma_wait3A_118 = tpu.memref_slice %arg4[%add3A_61] : memref<320000xi32, #tpu.memory_space<hbm>> -> memref<5000xi32, #tpu.memory_space<hbm>>
      tpu.wait_dma2 semaphore(%run_scoped3A_114 : memref<!tpu.dma_semaphore, #tpu.memory_space<semaphore_mem>>) src(%dma_wait3A_118 : memref<5000xi32, #tpu.memory_space<hbm>>) dst(%arg9 : memref<5000xi32, #tpu.memory_space<vmem>>)
      tpu.yield
    }) : () -> ()
    %dma_start3A_62 = arith.constant 0 : i32
    %dma_start3A_63 = arith.constant 0 : i32
    %dma_start3A_64 = arith.constant 0 : i32
    %dma_start3A_65 = arith.constant 0 : i32
    %dma_start3A_66 = tpu.memref_slice %arg10[%dma_start3A_62, %dma_start3A_64, %dma_start3A_65] : memref<2x128x128xf32, #tpu.memory_space<vmem>> -> memref<1x128x128xf32, #tpu.memory_space<vmem>>
    %dma_start3A_67 = tpu.memref_squeeze %dma_start3A_66 : memref<1x128x128xf32, #tpu.memory_space<vmem>> -> memref<128x128xf32, #tpu.memory_space<vmem>>
    %dma_start3A_68 = arith.constant 0 : i32
    %dma_start3A_69 = tpu.memref_slice %arg8[%dma_start3A_68] : memref<5000xi32, #tpu.memory_space<vmem>> -> memref<128xi32, #tpu.memory_space<vmem>>
    %dma_start3A_70 = arith.constant 0 : i32
    %dma_start3A_71 = arith.constant 0 : i32
    %dma_start3A_72 = tpu.memref_slice %arg2[%dma_start3A_70, %dma_start3A_71] : memref<10000x128xf32, #tpu.memory_space<hbm>> -> memref<10000x128xf32, #tpu.memory_space<hbm>>
    %dma_start3A_73 = tpu.memref_slice %arg11[%dma_start3A_63] : memref<2x!tpu.dma_semaphore, #tpu.memory_space<semaphore_mem>> -> memref<1x!tpu.dma_semaphore, #tpu.memory_space<semaphore_mem>>
    %dma_start3A_74 = tpu.memref_squeeze %dma_start3A_73 : memref<1x!tpu.dma_semaphore, #tpu.memory_space<semaphore_mem>> -> memref<!tpu.dma_semaphore, #tpu.memory_space<semaphore_mem>>
    tpu.enqueue_indirect_dma source(%dma_start3A_72 : memref<10000x128xf32, #tpu.memory_space<hbm>>) target(%dma_start3A_67 : memref<128x128xf32, #tpu.memory_space<vmem>>) offsets(%dma_start3A_69 : memref<128xi32, #tpu.memory_space<vmem>>) semaphore(%dma_start3A_74 : memref<!tpu.dma_semaphore, #tpu.memory_space<semaphore_mem>>)
    %dma_start3A_75 = arith.constant 1 : i32
    %dma_start3A_76 = arith.constant 1 : i32
    %dma_start3A_77 = arith.constant 0 : i32
    %dma_start3A_78 = arith.constant 0 : i32
    %dma_start3A_79 = tpu.memref_slice %arg10[%dma_start3A_75, %dma_start3A_77, %dma_start3A_78] : memref<2x128x128xf32, #tpu.memory_space<vmem>> -> memref<1x128x128xf32, #tpu.memory_space<vmem>>
    %dma_start3A_80 = tpu.memref_squeeze %dma_start3A_79 : memref<1x128x128xf32, #tpu.memory_space<vmem>> -> memref<128x128xf32, #tpu.memory_space<vmem>>
    %dma_start3A_81 = arith.constant 128 : i32
    %dma_start3A_82 = tpu.memref_slice %arg8[%dma_start3A_81] : memref<5000xi32, #tpu.memory_space<vmem>> -> memref<128xi32, #tpu.memory_space<vmem>>
    %dma_start3A_83 = arith.constant 0 : i32
    %dma_start3A_84 = arith.constant 0 : i32
    %dma_start3A_85 = tpu.memref_slice %arg2[%dma_start3A_83, %dma_start3A_84] : memref<10000x128xf32, #tpu.memory_space<hbm>> -> memref<10000x128xf32, #tpu.memory_space<hbm>>
    %dma_start3A_86 = tpu.memref_slice %arg11[%dma_start3A_76] : memref<2x!tpu.dma_semaphore, #tpu.memory_space<semaphore_mem>> -> memref<1x!tpu.dma_semaphore, #tpu.memory_space<semaphore_mem>>
    %dma_start3A_87 = tpu.memref_squeeze %dma_start3A_86 : memref<1x!tpu.dma_semaphore, #tpu.memory_space<semaphore_mem>> -> memref<!tpu.dma_semaphore, #tpu.memory_space<semaphore_mem>>
    tpu.enqueue_indirect_dma source(%dma_start3A_85 : memref<10000x128xf32, #tpu.memory_space<hbm>>) target(%dma_start3A_80 : memref<128x128xf32, #tpu.memory_space<vmem>>) offsets(%dma_start3A_82 : memref<128xi32, #tpu.memory_space<vmem>>) semaphore(%dma_start3A_87 : memref<!tpu.dma_semaphore, #tpu.memory_space<semaphore_mem>>)
    %scan3A_88 = arith.constant 0 : i32
    %scan3A_89 = arith.constant 19 : i32
    %scan3A_90 = arith.addi %scan3A_88, %scan3A_89 : i32
    %scan3A_91 = arith.constant 1 : i32
    scf.for %scan3A_114 = %scan3A_88 to %scan3A_90 step %scan3A_91  : i32 {
      %mul3A_115 = arith.constant 2 : i32
      %mul3A_116 = arith.muli %scan3A_114, %mul3A_115 : i32
      %add3A_117 = arith.constant 0 : i32
      %add3A_118 = arith.addi %add3A_117, %mul3A_116 : i32
      %dma_wait3A_119 = arith.constant 0 : i32
      %dma_wait3A_120 = arith.constant 0 : i32
      %dma_wait3A_121 = arith.constant 0 : i32
      %dma_wait3A_122 = arith.constant 0 : i32
      %dma_wait3A_123 = tpu.memref_slice %arg10[%dma_wait3A_119, %dma_wait3A_121, %dma_wait3A_122] : memref<2x128x128xf32, #tpu.memory_space<vmem>> -> memref<1x128x128xf32, #tpu.memory_space<vmem>>
      %dma_wait3A_124 = tpu.memref_squeeze %dma_wait3A_123 : memref<1x128x128xf32, #tpu.memory_space<vmem>> -> memref<128x128xf32, #tpu.memory_space<vmem>>
      %dma_wait3A_125 = arith.constant 0 : i32
      %dma_wait3A_126 = tpu.memref_slice %arg8[%dma_wait3A_125] : memref<5000xi32, #tpu.memory_space<vmem>> -> memref<128xi32, #tpu.memory_space<vmem>>
      %dma_wait3A_127 = arith.constant 0 : i32
      %dma_wait3A_128 = arith.constant 0 : i32
      %dma_wait3A_129 = tpu.memref_slice %arg2[%dma_wait3A_127, %dma_wait3A_128] : memref<10000x128xf32, #tpu.memory_space<hbm>> -> memref<10000x128xf32, #tpu.memory_space<hbm>>
      %dma_wait3A_130 = tpu.memref_slice %arg11[%dma_wait3A_120] : memref<2x!tpu.dma_semaphore, #tpu.memory_space<semaphore_mem>> -> memref<1x!tpu.dma_semaphore, #tpu.memory_space<semaphore_mem>>
      %dma_wait3A_131 = tpu.memref_squeeze %dma_wait3A_130 : memref<1x!tpu.dma_semaphore, #tpu.memory_space<semaphore_mem>> -> memref<!tpu.dma_semaphore, #tpu.memory_space<semaphore_mem>>
      tpu.wait_indirect_dma semaphore(%dma_wait3A_131 : memref<!tpu.dma_semaphore, #tpu.memory_space<semaphore_mem>>) src(%dma_wait3A_129 : memref<10000x128xf32, #tpu.memory_space<hbm>>) dst(%dma_wait3A_124 : memref<128x128xf32, #tpu.memory_space<vmem>>)
      %add3A_132 = arith.constant 0 : i32
      %add3A_133 = arith.addi %add3A_118, %add3A_132 : i32
      %mul3A_134 = arith.constant 128 : i32
      %mul3A_135 = arith.muli %add3A_133, %mul3A_134 : i32
      %run_scoped3A_136 = arith.constant 0 : i32
      "tpu.region"() ({
        %run_scoped3A_170 = tpu.sem_alloc : memref<!tpu.dma_semaphore, #tpu.memory_space<semaphore_mem>>
        %dma_start3A_171 = arith.constant 0 : i32
        %dma_start3A_172 = arith.constant 0 : i32
        %dma_start3A_173 = tpu.memref_slice %arg10[%run_scoped3A_136, %dma_start3A_171, %dma_start3A_172] : memref<2x128x128xf32, #tpu.memory_space<vmem>> -> memref<1x128x128xf32, #tpu.memory_space<vmem>>
        %dma_start3A_174 = tpu.memref_squeeze %dma_start3A_173 : memref<1x128x128xf32, #tpu.memory_space<vmem>> -> memref<128x128xf32, #tpu.memory_space<vmem>>
        %dma_start3A_175 = tpu.memref_slice %arg9[%mul3A_135] : memref<5000xi32, #tpu.memory_space<vmem>> -> memref<128xi32, #tpu.memory_space<vmem>>
        %dma_start3A_176 = arith.constant 0 : i32
        %dma_start3A_177 = arith.constant 0 : i32
        %dma_start3A_178 = tpu.memref_slice %arg7[%dma_start3A_176, %dma_start3A_177] : memref<10240x128xf32, #tpu.memory_space<vmem_shared>> -> memref<10240x128xf32, #tpu.memory_space<vmem_shared>>
        tpu.enqueue_indirect_dma source(%dma_start3A_174 : memref<128x128xf32, #tpu.memory_space<vmem>>) target(%dma_start3A_178 : memref<10240x128xf32, #tpu.memory_space<vmem_shared>>) offsets(%dma_start3A_175 : memref<128xi32, #tpu.memory_space<vmem>>) semaphore(%run_scoped3A_170 : memref<!tpu.dma_semaphore, #tpu.memory_space<semaphore_mem>>) {add = true}
        %dma_wait3A_179 = arith.constant 0 : i32
        %dma_wait3A_180 = arith.constant 0 : i32
        %dma_wait3A_181 = tpu.memref_slice %arg10[%run_scoped3A_136, %dma_wait3A_179, %dma_wait3A_180] : memref<2x128x128xf32, #tpu.memory_space<vmem>> -> memref<1x128x128xf32, #tpu.memory_space<vmem>>
        %dma_wait3A_182 = tpu.memref_squeeze %dma_wait3A_181 : memref<1x128x128xf32, #tpu.memory_space<vmem>> -> memref<128x128xf32, #tpu.memory_space<vmem>>
        %dma_wait3A_183 = tpu.memref_slice %arg9[%mul3A_135] : memref<5000xi32, #tpu.memory_space<vmem>> -> memref<128xi32, #tpu.memory_space<vmem>>
        %dma_wait3A_184 = arith.constant 0 : i32
        %dma_wait3A_185 = arith.constant 0 : i32
        %dma_wait3A_186 = tpu.memref_slice %arg7[%dma_wait3A_184, %dma_wait3A_185] : memref<10240x128xf32, #tpu.memory_space<vmem_shared>> -> memref<10240x128xf32, #tpu.memory_space<vmem_shared>>
        tpu.wait_indirect_dma semaphore(%run_scoped3A_170 : memref<!tpu.dma_semaphore, #tpu.memory_space<semaphore_mem>>) src(%dma_wait3A_182 : memref<128x128xf32, #tpu.memory_space<vmem>>) dst(%dma_wait3A_186 : memref<10240x128xf32, #tpu.memory_space<vmem_shared>>)
        tpu.yield
      }) : () -> ()
      %add3A_137 = arith.constant 2 : i32
      %add3A_138 = arith.addi %add3A_118, %add3A_137 : i32
      %add3A_139 = arith.constant 0 : i32
      %add3A_140 = arith.addi %add3A_138, %add3A_139 : i32
      %lt3A = arith.constant 39 : i32
      %lt3A_141 = arith.cmpi slt, %add3A_140, %lt3A : i32
      %convert_element_type3A = arith.extui %lt3A_141 : i1 to i32
      %cond3A = arith.constant 0 : i32
      %cond3A_142 = arith.cmpi ne, %convert_element_type3A, %cond3A : i32
      scf.if %cond3A_142 {
        %add3A_170 = arith.constant 2 : i32
        %add3A_171 = arith.addi %add3A_118, %add3A_170 : i32
        %add3A_172 = arith.constant 0 : i32
        %add3A_173 = arith.addi %add3A_171, %add3A_172 : i32
        %mul3A_174 = arith.constant 128 : i32
        %mul3A_175 = arith.muli %add3A_173, %mul3A_174 : i32
        %dma_start3A_176 = arith.constant 0 : i32
        %dma_start3A_177 = arith.constant 0 : i32
        %dma_start3A_178 = arith.constant 0 : i32
        %dma_start3A_179 = arith.constant 0 : i32
        %dma_start3A_180 = tpu.memref_slice %arg10[%dma_start3A_176, %dma_start3A_178, %dma_start3A_179] : memref<2x128x128xf32, #tpu.memory_space<vmem>> -> memref<1x128x128xf32, #tpu.memory_space<vmem>>
        %dma_start3A_181 = tpu.memref_squeeze %dma_start3A_180 : memref<1x128x128xf32, #tpu.memory_space<vmem>> -> memref<128x128xf32, #tpu.memory_space<vmem>>
        %dma_start3A_182 = tpu.memref_slice %arg8[%mul3A_175] : memref<5000xi32, #tpu.memory_space<vmem>> -> memref<128xi32, #tpu.memory_space<vmem>>
        %dma_start3A_183 = arith.constant 0 : i32
        %dma_start3A_184 = arith.constant 0 : i32
        %dma_start3A_185 = tpu.memref_slice %arg2[%dma_start3A_183, %dma_start3A_184] : memref<10000x128xf32, #tpu.memory_space<hbm>> -> memref<10000x128xf32, #tpu.memory_space<hbm>>
        %dma_start3A_186 = tpu.memref_slice %arg11[%dma_start3A_177] : memref<2x!tpu.dma_semaphore, #tpu.memory_space<semaphore_mem>> -> memref<1x!tpu.dma_semaphore, #tpu.memory_space<semaphore_mem>>
        %dma_start3A_187 = tpu.memref_squeeze %dma_start3A_186 : memref<1x!tpu.dma_semaphore, #tpu.memory_space<semaphore_mem>> -> memref<!tpu.dma_semaphore, #tpu.memory_space<semaphore_mem>>
        tpu.enqueue_indirect_dma source(%dma_start3A_185 : memref<10000x128xf32, #tpu.memory_space<hbm>>) target(%dma_start3A_181 : memref<128x128xf32, #tpu.memory_space<vmem>>) offsets(%dma_start3A_182 : memref<128xi32, #tpu.memory_space<vmem>>) semaphore(%dma_start3A_187 : memref<!tpu.dma_semaphore, #tpu.memory_space<semaphore_mem>>)
      } else {
      }
      %dma_wait3A_143 = arith.constant 1 : i32
      %dma_wait3A_144 = arith.constant 1 : i32
      %dma_wait3A_145 = arith.constant 0 : i32
      %dma_wait3A_146 = arith.constant 0 : i32
      %dma_wait3A_147 = tpu.memref_slice %arg10[%dma_wait3A_143, %dma_wait3A_145, %dma_wait3A_146] : memref<2x128x128xf32, #tpu.memory_space<vmem>> -> memref<1x128x128xf32, #tpu.memory_space<vmem>>
      %dma_wait3A_148 = tpu.memref_squeeze %dma_wait3A_147 : memref<1x128x128xf32, #tpu.memory_space<vmem>> -> memref<128x128xf32, #tpu.memory_space<vmem>>
      %dma_wait3A_149 = arith.constant 128 : i32
      %dma_wait3A_150 = tpu.memref_slice %arg8[%dma_wait3A_149] : memref<5000xi32, #tpu.memory_space<vmem>> -> memref<128xi32, #tpu.memory_space<vmem>>
      %dma_wait3A_151 = arith.constant 0 : i32
      %dma_wait3A_152 = arith.constant 0 : i32
      %dma_wait3A_153 = tpu.memref_slice %arg2[%dma_wait3A_151, %dma_wait3A_152] : memref<10000x128xf32, #tpu.memory_space<hbm>> -> memref<10000x128xf32, #tpu.memory_space<hbm>>
      %dma_wait3A_154 = tpu.memref_slice %arg11[%dma_wait3A_144] : memref<2x!tpu.dma_semaphore, #tpu.memory_space<semaphore_mem>> -> memref<1x!tpu.dma_semaphore, #tpu.memory_space<semaphore_mem>>
      %dma_wait3A_155 = tpu.memref_squeeze %dma_wait3A_154 : memref<1x!tpu.dma_semaphore, #tpu.memory_space<semaphore_mem>> -> memref<!tpu.dma_semaphore, #tpu.memory_space<semaphore_mem>>
      tpu.wait_indirect_dma semaphore(%dma_wait3A_155 : memref<!tpu.dma_semaphore, #tpu.memory_space<semaphore_mem>>) src(%dma_wait3A_153 : memref<10000x128xf32, #tpu.memory_space<hbm>>) dst(%dma_wait3A_148 : memref<128x128xf32, #tpu.memory_space<vmem>>)
      %add3A_156 = arith.constant 1 : i32
      %add3A_157 = arith.addi %add3A_118, %add3A_156 : i32
      %mul3A_158 = arith.constant 128 : i32
      %mul3A_159 = arith.muli %add3A_157, %mul3A_158 : i32
      %run_scoped3A_160 = arith.constant 1 : i32
      "tpu.region"() ({
        %run_scoped3A_170 = tpu.sem_alloc : memref<!tpu.dma_semaphore, #tpu.memory_space<semaphore_mem>>
        %dma_start3A_171 = arith.constant 0 : i32
        %dma_start3A_172 = arith.constant 0 : i32
        %dma_start3A_173 = tpu.memref_slice %arg10[%run_scoped3A_160, %dma_start3A_171, %dma_start3A_172] : memref<2x128x128xf32, #tpu.memory_space<vmem>> -> memref<1x128x128xf32, #tpu.memory_space<vmem>>
        %dma_start3A_174 = tpu.memref_squeeze %dma_start3A_173 : memref<1x128x128xf32, #tpu.memory_space<vmem>> -> memref<128x128xf32, #tpu.memory_space<vmem>>
        %dma_start3A_175 = tpu.memref_slice %arg9[%mul3A_159] : memref<5000xi32, #tpu.memory_space<vmem>> -> memref<128xi32, #tpu.memory_space<vmem>>
        %dma_start3A_176 = arith.constant 0 : i32
        %dma_start3A_177 = arith.constant 0 : i32
        %dma_start3A_178 = tpu.memref_slice %arg7[%dma_start3A_176, %dma_start3A_177] : memref<10240x128xf32, #tpu.memory_space<vmem_shared>> -> memref<10240x128xf32, #tpu.memory_space<vmem_shared>>
        tpu.enqueue_indirect_dma source(%dma_start3A_174 : memref<128x128xf32, #tpu.memory_space<vmem>>) target(%dma_start3A_178 : memref<10240x128xf32, #tpu.memory_space<vmem_shared>>) offsets(%dma_start3A_175 : memref<128xi32, #tpu.memory_space<vmem>>) semaphore(%run_scoped3A_170 : memref<!tpu.dma_semaphore, #tpu.memory_space<semaphore_mem>>) {add = true}
        %dma_wait3A_179 = arith.constant 0 : i32
        %dma_wait3A_180 = arith.constant 0 : i32
        %dma_wait3A_181 = tpu.memref_slice %arg10[%run_scoped3A_160, %dma_wait3A_179, %dma_wait3A_180] : memref<2x128x128xf32, #tpu.memory_space<vmem>> -> memref<1x128x128xf32, #tpu.memory_space<vmem>>
        %dma_wait3A_182 = tpu.memref_squeeze %dma_wait3A_181 : memref<1x128x128xf32, #tpu.memory_space<vmem>> -> memref<128x128xf32, #tpu.memory_space<vmem>>
        %dma_wait3A_183 = tpu.memref_slice %arg9[%mul3A_159] : memref<5000xi32, #tpu.memory_space<vmem>> -> memref<128xi32, #tpu.memory_space<vmem>>
        %dma_wait3A_184 = arith.constant 0 : i32
        %dma_wait3A_185 = arith.constant 0 : i32
        %dma_wait3A_186 = tpu.memref_slice %arg7[%dma_wait3A_184, %dma_wait3A_185] : memref<10240x128xf32, #tpu.memory_space<vmem_shared>> -> memref<10240x128xf32, #tpu.memory_space<vmem_shared>>
        tpu.wait_indirect_dma semaphore(%run_scoped3A_170 : memref<!tpu.dma_semaphore, #tpu.memory_space<semaphore_mem>>) src(%dma_wait3A_182 : memref<128x128xf32, #tpu.memory_space<vmem>>) dst(%dma_wait3A_186 : memref<10240x128xf32, #tpu.memory_space<vmem_shared>>)
        tpu.yield
      }) : () -> ()
      %add3A_161 = arith.constant 2 : i32
      %add3A_162 = arith.addi %add3A_118, %add3A_161 : i32
      %add3A_163 = arith.constant 1 : i32
      %add3A_164 = arith.addi %add3A_162, %add3A_163 : i32
      %lt3A_165 = arith.constant 39 : i32
      %lt3A_166 = arith.cmpi slt, %add3A_164, %lt3A_165 : i32
      %convert_element_type3A_167 = arith.extui %lt3A_166 : i1 to i32
      %cond3A_168 = arith.constant 0 : i32
      %cond3A_169 = arith.cmpi ne, %convert_element_type3A_167, %cond3A_168 : i32
      scf.if %cond3A_169 {
        %add3A_170 = arith.constant 2 : i32
        %add3A_171 = arith.addi %add3A_118, %add3A_170 : i32
        %add3A_172 = arith.constant 1 : i32
        %add3A_173 = arith.addi %add3A_171, %add3A_172 : i32
        %mul3A_174 = arith.constant 128 : i32
        %mul3A_175 = arith.muli %add3A_173, %mul3A_174 : i32
        %dma_start3A_176 = arith.constant 1 : i32
        %dma_start3A_177 = arith.constant 1 : i32
        %dma_start3A_178 = arith.constant 0 : i32
        %dma_start3A_179 = arith.constant 0 : i32
        %dma_start3A_180 = tpu.memref_slice %arg10[%dma_start3A_176, %dma_start3A_178, %dma_start3A_179] : memref<2x128x128xf32, #tpu.memory_space<vmem>> -> memref<1x128x128xf32, #tpu.memory_space<vmem>>
        %dma_start3A_181 = tpu.memref_squeeze %dma_start3A_180 : memref<1x128x128xf32, #tpu.memory_space<vmem>> -> memref<128x128xf32, #tpu.memory_space<vmem>>
        %dma_start3A_182 = tpu.memref_slice %arg8[%mul3A_175] : memref<5000xi32, #tpu.memory_space<vmem>> -> memref<128xi32, #tpu.memory_space<vmem>>
        %dma_start3A_183 = arith.constant 0 : i32
        %dma_start3A_184 = arith.constant 0 : i32
        %dma_start3A_185 = tpu.memref_slice %arg2[%dma_start3A_183, %dma_start3A_184] : memref<10000x128xf32, #tpu.memory_space<hbm>> -> memref<10000x128xf32, #tpu.memory_space<hbm>>
        %dma_start3A_186 = tpu.memref_slice %arg11[%dma_start3A_177] : memref<2x!tpu.dma_semaphore, #tpu.memory_space<semaphore_mem>> -> memref<1x!tpu.dma_semaphore, #tpu.memory_space<semaphore_mem>>
        %dma_start3A_187 = tpu.memref_squeeze %dma_start3A_186 : memref<1x!tpu.dma_semaphore, #tpu.memory_space<semaphore_mem>> -> memref<!tpu.dma_semaphore, #tpu.memory_space<semaphore_mem>>
        tpu.enqueue_indirect_dma source(%dma_start3A_185 : memref<10000x128xf32, #tpu.memory_space<hbm>>) target(%dma_start3A_181 : memref<128x128xf32, #tpu.memory_space<vmem>>) offsets(%dma_start3A_182 : memref<128xi32, #tpu.memory_space<vmem>>) semaphore(%dma_start3A_187 : memref<!tpu.dma_semaphore, #tpu.memory_space<semaphore_mem>>)
      } else {
      }
    }
    %scan3A_92 = arith.constant 19 : i32
    %dma_wait3A_93 = arith.constant 0 : i32
    %dma_wait3A_94 = arith.constant 0 : i32
    %dma_wait3A_95 = arith.constant 0 : i32
    %dma_wait3A_96 = arith.constant 0 : i32
    %dma_wait3A_97 = tpu.memref_slice %arg10[%dma_wait3A_93, %dma_wait3A_95, %dma_wait3A_96] : memref<2x128x128xf32, #tpu.memory_space<vmem>> -> memref<1x128x128xf32, #tpu.memory_space<vmem>>
    %dma_wait3A_98 = tpu.memref_squeeze %dma_wait3A_97 : memref<1x128x128xf32, #tpu.memory_space<vmem>> -> memref<128x128xf32, #tpu.memory_space<vmem>>
    %dma_wait3A_99 = arith.constant 0 : i32
    %dma_wait3A_100 = tpu.memref_slice %arg8[%dma_wait3A_99] : memref<5000xi32, #tpu.memory_space<vmem>> -> memref<128xi32, #tpu.memory_space<vmem>>
    %dma_wait3A_101 = arith.constant 0 : i32
    %dma_wait3A_102 = arith.constant 0 : i32
    %dma_wait3A_103 = tpu.memref_slice %arg2[%dma_wait3A_101, %dma_wait3A_102] : memref<10000x128xf32, #tpu.memory_space<hbm>> -> memref<10000x128xf32, #tpu.memory_space<hbm>>
    %dma_wait3A_104 = tpu.memref_slice %arg11[%dma_wait3A_94] : memref<2x!tpu.dma_semaphore, #tpu.memory_space<semaphore_mem>> -> memref<1x!tpu.dma_semaphore, #tpu.memory_space<semaphore_mem>>
    %dma_wait3A_105 = tpu.memref_squeeze %dma_wait3A_104 : memref<1x!tpu.dma_semaphore, #tpu.memory_space<semaphore_mem>> -> memref<!tpu.dma_semaphore, #tpu.memory_space<semaphore_mem>>
    tpu.wait_indirect_dma semaphore(%dma_wait3A_105 : memref<!tpu.dma_semaphore, #tpu.memory_space<semaphore_mem>>) src(%dma_wait3A_103 : memref<10000x128xf32, #tpu.memory_space<hbm>>) dst(%dma_wait3A_98 : memref<128x128xf32, #tpu.memory_space<vmem>>)
    %run_scoped3A_106 = arith.constant 0 : i32
    "tpu.region"() ({
      %run_scoped3A_114 = tpu.sem_alloc : memref<!tpu.dma_semaphore, #tpu.memory_space<semaphore_mem>>
      %dma_start3A_115 = arith.constant 0 : i32
      %dma_start3A_116 = arith.constant 0 : i32
      %dma_start3A_117 = tpu.memref_slice %arg10[%run_scoped3A_106, %dma_start3A_115, %dma_start3A_116] : memref<2x128x128xf32, #tpu.memory_space<vmem>> -> memref<1x128x128xf32, #tpu.memory_space<vmem>>
      %dma_start3A_118 = tpu.memref_squeeze %dma_start3A_117 : memref<1x128x128xf32, #tpu.memory_space<vmem>> -> memref<128x128xf32, #tpu.memory_space<vmem>>
      %dma_start3A_119 = arith.constant 4864 : i32
      %dma_start3A_120 = tpu.memref_slice %arg9[%dma_start3A_119] : memref<5000xi32, #tpu.memory_space<vmem>> -> memref<128xi32, #tpu.memory_space<vmem>>
      %dma_start3A_121 = arith.constant 0 : i32
      %dma_start3A_122 = arith.constant 0 : i32
      %dma_start3A_123 = tpu.memref_slice %arg7[%dma_start3A_121, %dma_start3A_122] : memref<10240x128xf32, #tpu.memory_space<vmem_shared>> -> memref<10240x128xf32, #tpu.memory_space<vmem_shared>>
      tpu.enqueue_indirect_dma source(%dma_start3A_118 : memref<128x128xf32, #tpu.memory_space<vmem>>) target(%dma_start3A_123 : memref<10240x128xf32, #tpu.memory_space<vmem_shared>>) offsets(%dma_start3A_120 : memref<128xi32, #tpu.memory_space<vmem>>) semaphore(%run_scoped3A_114 : memref<!tpu.dma_semaphore, #tpu.memory_space<semaphore_mem>>) {add = true}
      %dma_wait3A_124 = arith.constant 0 : i32
      %dma_wait3A_125 = arith.constant 0 : i32
      %dma_wait3A_126 = tpu.memref_slice %arg10[%run_scoped3A_106, %dma_wait3A_124, %dma_wait3A_125] : memref<2x128x128xf32, #tpu.memory_space<vmem>> -> memref<1x128x128xf32, #tpu.memory_space<vmem>>
      %dma_wait3A_127 = tpu.memref_squeeze %dma_wait3A_126 : memref<1x128x128xf32, #tpu.memory_space<vmem>> -> memref<128x128xf32, #tpu.memory_space<vmem>>
      %dma_wait3A_128 = arith.constant 4864 : i32
      %dma_wait3A_129 = tpu.memref_slice %arg9[%dma_wait3A_128] : memref<5000xi32, #tpu.memory_space<vmem>> -> memref<128xi32, #tpu.memory_space<vmem>>
      %dma_wait3A_130 = arith.constant 0 : i32
      %dma_wait3A_131 = arith.constant 0 : i32
      %dma_wait3A_132 = tpu.memref_slice %arg7[%dma_wait3A_130, %dma_wait3A_131] : memref<10240x128xf32, #tpu.memory_space<vmem_shared>> -> memref<10240x128xf32, #tpu.memory_space<vmem_shared>>
      tpu.wait_indirect_dma semaphore(%run_scoped3A_114 : memref<!tpu.dma_semaphore, #tpu.memory_space<semaphore_mem>>) src(%dma_wait3A_127 : memref<128x128xf32, #tpu.memory_space<vmem>>) dst(%dma_wait3A_132 : memref<10240x128xf32, #tpu.memory_space<vmem_shared>>)
      tpu.yield
    }) : () -> ()
    %run_scoped3A_107 = arith.constant 0 : i32
    "tpu.region"() ({
      %run_scoped3A_114 = tpu.sem_alloc : memref<!tpu.dma_semaphore, #tpu.memory_space<semaphore_mem>>
      %dma_start3A_115 = arith.constant 0 : i32
      %dma_start3A_116 = arith.constant 0 : i32
      %dma_start3A_117 = tpu.memref_slice %arg10[%run_scoped3A_107, %dma_start3A_115, %dma_start3A_116] : memref<2x128x128xf32, #tpu.memory_space<vmem>> -> memref<1x8x128xf32, #tpu.memory_space<vmem>>
      %dma_start3A_118 = tpu.memref_squeeze %dma_start3A_117 : memref<1x8x128xf32, #tpu.memory_space<vmem>> -> memref<8x128xf32, #tpu.memory_space<vmem>>
      %dma_start3A_119 = arith.constant 4992 : i32
      %dma_start3A_120 = tpu.memref_slice %arg8[%dma_start3A_119] : memref<5000xi32, #tpu.memory_space<vmem>> -> memref<8xi32, #tpu.memory_space<vmem>>
      %dma_start3A_121 = arith.constant 0 : i32
      %dma_start3A_122 = arith.constant 0 : i32
      %dma_start3A_123 = tpu.memref_slice %arg2[%dma_start3A_121, %dma_start3A_122] : memref<10000x128xf32, #tpu.memory_space<hbm>> -> memref<10000x128xf32, #tpu.memory_space<hbm>>
      tpu.enqueue_indirect_dma source(%dma_start3A_123 : memref<10000x128xf32, #tpu.memory_space<hbm>>) target(%dma_start3A_118 : memref<8x128xf32, #tpu.memory_space<vmem>>) offsets(%dma_start3A_120 : memref<8xi32, #tpu.memory_space<vmem>>) semaphore(%run_scoped3A_114 : memref<!tpu.dma_semaphore, #tpu.memory_space<semaphore_mem>>)
      %dma_wait3A_124 = arith.constant 0 : i32
      %dma_wait3A_125 = arith.constant 0 : i32
      %dma_wait3A_126 = tpu.memref_slice %arg10[%run_scoped3A_107, %dma_wait3A_124, %dma_wait3A_125] : memref<2x128x128xf32, #tpu.memory_space<vmem>> -> memref<1x8x128xf32, #tpu.memory_space<vmem>>
      %dma_wait3A_127 = tpu.memref_squeeze %dma_wait3A_126 : memref<1x8x128xf32, #tpu.memory_space<vmem>> -> memref<8x128xf32, #tpu.memory_space<vmem>>
      %dma_wait3A_128 = arith.constant 4992 : i32
      %dma_wait3A_129 = tpu.memref_slice %arg8[%dma_wait3A_128] : memref<5000xi32, #tpu.memory_space<vmem>> -> memref<8xi32, #tpu.memory_space<vmem>>
      %dma_wait3A_130 = arith.constant 0 : i32
      %dma_wait3A_131 = arith.constant 0 : i32
      %dma_wait3A_132 = tpu.memref_slice %arg2[%dma_wait3A_130, %dma_wait3A_131] : memref<10000x128xf32, #tpu.memory_space<hbm>> -> memref<10000x128xf32, #tpu.memory_space<hbm>>
      tpu.wait_indirect_dma semaphore(%run_scoped3A_114 : memref<!tpu.dma_semaphore, #tpu.memory_space<semaphore_mem>>) src(%dma_wait3A_132 : memref<10000x128xf32, #tpu.memory_space<hbm>>) dst(%dma_wait3A_127 : memref<8x128xf32, #tpu.memory_space<vmem>>)
      tpu.yield
    }) : () -> ()
    %run_scoped3A_108 = arith.constant 0 : i32
    "tpu.region"() ({
      %run_scoped3A_114 = tpu.sem_alloc : memref<!tpu.dma_semaphore, #tpu.memory_space<semaphore_mem>>
      %dma_start3A_115 = arith.constant 0 : i32
      %dma_start3A_116 = arith.constant 0 : i32
      %dma_start3A_117 = tpu.memref_slice %arg10[%run_scoped3A_108, %dma_start3A_115, %dma_start3A_116] : memref<2x128x128xf32, #tpu.memory_space<vmem>> -> memref<1x8x128xf32, #tpu.memory_space<vmem>>
      %dma_start3A_118 = tpu.memref_squeeze %dma_start3A_117 : memref<1x8x128xf32, #tpu.memory_space<vmem>> -> memref<8x128xf32, #tpu.memory_space<vmem>>
      %dma_start3A_119 = arith.constant 4992 : i32
      %dma_start3A_120 = tpu.memref_slice %arg9[%dma_start3A_119] : memref<5000xi32, #tpu.memory_space<vmem>> -> memref<8xi32, #tpu.memory_space<vmem>>
      %dma_start3A_121 = arith.constant 0 : i32
      %dma_start3A_122 = arith.constant 0 : i32
      %dma_start3A_123 = tpu.memref_slice %arg7[%dma_start3A_121, %dma_start3A_122] : memref<10240x128xf32, #tpu.memory_space<vmem_shared>> -> memref<10240x128xf32, #tpu.memory_space<vmem_shared>>
      tpu.enqueue_indirect_dma source(%dma_start3A_118 : memref<8x128xf32, #tpu.memory_space<vmem>>) target(%dma_start3A_123 : memref<10240x128xf32, #tpu.memory_space<vmem_shared>>) offsets(%dma_start3A_120 : memref<8xi32, #tpu.memory_space<vmem>>) semaphore(%run_scoped3A_114 : memref<!tpu.dma_semaphore, #tpu.memory_space<semaphore_mem>>) {add = true}
      %dma_wait3A_124 = arith.constant 0 : i32
      %dma_wait3A_125 = arith.constant 0 : i32
      %dma_wait3A_126 = tpu.memref_slice %arg10[%run_scoped3A_108, %dma_wait3A_124, %dma_wait3A_125] : memref<2x128x128xf32, #tpu.memory_space<vmem>> -> memref<1x8x128xf32, #tpu.memory_space<vmem>>
      %dma_wait3A_127 = tpu.memref_squeeze %dma_wait3A_126 : memref<1x8x128xf32, #tpu.memory_space<vmem>> -> memref<8x128xf32, #tpu.memory_space<vmem>>
      %dma_wait3A_128 = arith.constant 4992 : i32
      %dma_wait3A_129 = tpu.memref_slice %arg9[%dma_wait3A_128] : memref<5000xi32, #tpu.memory_space<vmem>> -> memref<8xi32, #tpu.memory_space<vmem>>
      %dma_wait3A_130 = arith.constant 0 : i32
      %dma_wait3A_131 = arith.constant 0 : i32
      %dma_wait3A_132 = tpu.memref_slice %arg7[%dma_wait3A_130, %dma_wait3A_131] : memref<10240x128xf32, #tpu.memory_space<vmem_shared>> -> memref<10240x128xf32, #tpu.memory_space<vmem_shared>>
      tpu.wait_indirect_dma semaphore(%run_scoped3A_114 : memref<!tpu.dma_semaphore, #tpu.memory_space<semaphore_mem>>) src(%dma_wait3A_127 : memref<8x128xf32, #tpu.memory_space<vmem>>) dst(%dma_wait3A_132 : memref<10240x128xf32, #tpu.memory_space<vmem_shared>>)
      tpu.yield
    }) : () -> ()
    %barrier3A_109 = arith.constant 0 : index
    tpu.barrier barrier_id(%barrier3A_109)
    %mul3A_110 = arith.constant 640 : i32
    %mul3A_111 = arith.muli %arg1, %mul3A_110 : i32
    %mul3A_112 = arith.constant 640 : i32
    %mul3A_113 = arith.muli %arg1, %mul3A_112 : i32
    "tpu.region"() ({
      %run_scoped3A_114 = tpu.sem_alloc : memref<!tpu.dma_semaphore, #tpu.memory_space<semaphore_mem>>
      %dma_start3A_115 = arith.constant 0 : i32
      %dma_start3A_116 = tpu.memref_slice %arg6[%arg0, %mul3A_113, %dma_start3A_115] : memref<2x10240x128xf32, #tpu.memory_space<hbm>> -> memref<1x640x128xf32, #tpu.memory_space<hbm>>
      %dma_start3A_117 = tpu.memref_squeeze %dma_start3A_116 : memref<1x640x128xf32, #tpu.memory_space<hbm>> -> memref<640x128xf32, #tpu.memory_space<hbm>>
      %dma_start3A_118 = arith.constant 0 : i32
      %dma_start3A_119 = tpu.memref_slice %arg7[%mul3A_111, %dma_start3A_118] : memref<10240x128xf32, #tpu.memory_space<vmem_shared>> -> memref<640x128xf32, #tpu.memory_space<vmem_shared>>
      tpu.enqueue_dma source(%dma_start3A_119 : memref<640x128xf32, #tpu.memory_space<vmem_shared>>) target(%dma_start3A_117 : memref<640x128xf32, #tpu.memory_space<hbm>>) target_semaphore(%run_scoped3A_114 : memref<!tpu.dma_semaphore, #tpu.memory_space<semaphore_mem>>)
      %dma_wait3A_120 = arith.constant 0 : i32
      %dma_wait3A_121 = tpu.memref_slice %arg6[%arg0, %mul3A_113, %dma_wait3A_120] : memref<2x10240x128xf32, #tpu.memory_space<hbm>> -> memref<1x640x128xf32, #tpu.memory_space<hbm>>
      %dma_wait3A_122 = tpu.memref_squeeze %dma_wait3A_121 : memref<1x640x128xf32, #tpu.memory_space<hbm>> -> memref<640x128xf32, #tpu.memory_space<hbm>>
      %dma_wait3A_123 = arith.constant 0 : i32
      %dma_wait3A_124 = tpu.memref_slice %arg7[%mul3A_111, %dma_wait3A_123] : memref<10240x128xf32, #tpu.memory_space<vmem_shared>> -> memref<640x128xf32, #tpu.memory_space<vmem_shared>>
      tpu.wait_dma2 semaphore(%run_scoped3A_114 : memref<!tpu.dma_semaphore, #tpu.memory_space<semaphore_mem>>) src(%dma_wait3A_124 : memref<640x128xf32, #tpu.memory_space<vmem_shared>>) dst(%dma_wait3A_122 : memref<640x128xf32, #tpu.memory_space<hbm>>)
      tpu.yield
    }) : () -> ()
    return
  }
}

#map = affine_map<(d0, d1) -> (0)>
module attributes {stable_mosaic.version = 14 : i64} {
  func.func @_deg_kernel(%arg0: i32, %arg1: i32, %arg2: memref<320000xi32, #tpu.memory_space<hbm>>, %arg3: memref<640xf32, #tpu.memory_space<hbm>>, %arg4: memref<128xf32, #tpu.memory_space<hbm>>, %arg5: memref<20480xf32, #tpu.memory_space<hbm>>, %arg6: memref<10240xf32, #tpu.memory_space<vmem_shared>>, %arg7: memref<2000xi32, #tpu.memory_space<vmem>>, %arg8: memref<128xf32, #tpu.memory_space<vmem>>) attributes {dimension_semantics = [#tpu.dimension_semantics<core_parallel>, #tpu.dimension_semantics<subcore_parallel>], iteration_bounds = array<i64: 2, 16>, scalar_prefetch = 0 : i64, scratch_operands = 3 : i64, tpu.core_type = #tpu.core_type<sc_vector_subcore>, window_params = [{transform_indices = #map}, {transform_indices = #map}, {transform_indices = #map}, {transform_indices = #map}]} {
    %mul3A = arith.constant 16 : i32
    %mul3A_0 = arith.muli %arg0, %mul3A : i32
    %add3A = arith.addi %mul3A_0, %arg1 : i32
    %mul3A_1 = arith.constant 640 : i32
    %mul3A_2 = arith.muli %arg1, %mul3A_1 : i32
    "tpu.region"() ({
      %run_scoped3A = tpu.sem_alloc : memref<!tpu.dma_semaphore, #tpu.memory_space<semaphore_mem>>
      %dma_start3A = tpu.memref_slice %arg6[%mul3A_2] : memref<10240xf32, #tpu.memory_space<vmem_shared>> -> memref<640xf32, #tpu.memory_space<vmem_shared>>
      tpu.enqueue_dma source(%arg3 : memref<640xf32, #tpu.memory_space<hbm>>) target(%dma_start3A : memref<640xf32, #tpu.memory_space<vmem_shared>>) target_semaphore(%run_scoped3A : memref<!tpu.dma_semaphore, #tpu.memory_space<semaphore_mem>>)
      %dma_wait3A = tpu.memref_slice %arg6[%mul3A_2] : memref<10240xf32, #tpu.memory_space<vmem_shared>> -> memref<640xf32, #tpu.memory_space<vmem_shared>>
      tpu.wait_dma2 semaphore(%run_scoped3A : memref<!tpu.dma_semaphore, #tpu.memory_space<semaphore_mem>>) src(%arg3 : memref<640xf32, #tpu.memory_space<hbm>>) dst(%dma_wait3A : memref<640xf32, #tpu.memory_space<vmem_shared>>)
      tpu.yield
    }) : () -> ()
    "tpu.region"() ({
      %run_scoped3A = tpu.sem_alloc : memref<!tpu.dma_semaphore, #tpu.memory_space<semaphore_mem>>
      tpu.enqueue_dma source(%arg4 : memref<128xf32, #tpu.memory_space<hbm>>) target(%arg8 : memref<128xf32, #tpu.memory_space<vmem>>) target_semaphore(%run_scoped3A : memref<!tpu.dma_semaphore, #tpu.memory_space<semaphore_mem>>)
      tpu.wait_dma2 semaphore(%run_scoped3A : memref<!tpu.dma_semaphore, #tpu.memory_space<semaphore_mem>>) src(%arg4 : memref<128xf32, #tpu.memory_space<hbm>>) dst(%arg8 : memref<128xf32, #tpu.memory_space<vmem>>)
      tpu.yield
    }) : () -> ()
    %barrier3A = arith.constant 0 : index
    tpu.barrier barrier_id(%barrier3A)
    %mul3A_3 = arith.constant 10000 : i32
    %mul3A_4 = arith.muli %add3A, %mul3A_3 : i32
    %add3A_5 = arith.constant 0 : i32
    %add3A_6 = arith.addi %mul3A_4, %add3A_5 : i32
    "tpu.region"() ({
      %run_scoped3A = tpu.sem_alloc : memref<!tpu.dma_semaphore, #tpu.memory_space<semaphore_mem>>
      %dma_start3A = tpu.memref_slice %arg2[%add3A_6] : memref<320000xi32, #tpu.memory_space<hbm>> -> memref<2000xi32, #tpu.memory_space<hbm>>
      %dma_start3A_55 = tpu.memref_slice %arg2[%add3A_6] : memref<320000xi32, #tpu.memory_space<hbm>> -> memref<2000xi32, #tpu.memory_space<hbm>>
      tpu.enqueue_dma source(%dma_start3A_55 : memref<2000xi32, #tpu.memory_space<hbm>>) target(%arg7 : memref<2000xi32, #tpu.memory_space<vmem>>) target_semaphore(%run_scoped3A : memref<!tpu.dma_semaphore, #tpu.memory_space<semaphore_mem>>)
      %dma_wait3A = tpu.memref_slice %arg2[%add3A_6] : memref<320000xi32, #tpu.memory_space<hbm>> -> memref<2000xi32, #tpu.memory_space<hbm>>
      %dma_wait3A_56 = tpu.memref_slice %arg2[%add3A_6] : memref<320000xi32, #tpu.memory_space<hbm>> -> memref<2000xi32, #tpu.memory_space<hbm>>
      tpu.wait_dma2 semaphore(%run_scoped3A : memref<!tpu.dma_semaphore, #tpu.memory_space<semaphore_mem>>) src(%dma_wait3A_56 : memref<2000xi32, #tpu.memory_space<hbm>>) dst(%arg7 : memref<2000xi32, #tpu.memory_space<vmem>>)
      tpu.yield
    }) : () -> ()
    %scan3A = arith.constant 0 : i32
    %scan3A_7 = arith.constant 15 : i32
    %scan3A_8 = arith.addi %scan3A, %scan3A_7 : i32
    %scan3A_9 = arith.constant 1 : i32
    scf.for %scan3A_55 = %scan3A to %scan3A_8 step %scan3A_9  : i32 {
      %mul3A_56 = arith.constant 1 : i32
      %mul3A_57 = arith.muli %scan3A_55, %mul3A_56 : i32
      %add3A_58 = arith.constant 0 : i32
      %add3A_59 = arith.addi %add3A_58, %mul3A_57 : i32
      %mul3A_60 = arith.constant 128 : i32
      %mul3A_61 = arith.muli %add3A_59, %mul3A_60 : i32
      "tpu.region"() ({
        %run_scoped3A = tpu.sem_alloc : memref<!tpu.dma_semaphore, #tpu.memory_space<semaphore_mem>>
        %dma_start3A = tpu.memref_slice %arg7[%mul3A_61] : memref<2000xi32, #tpu.memory_space<vmem>> -> memref<128xi32, #tpu.memory_space<vmem>>
        %dma_start3A_62 = arith.constant 0 : i32
        %dma_start3A_63 = tpu.memref_slice %arg6[%dma_start3A_62] : memref<10240xf32, #tpu.memory_space<vmem_shared>> -> memref<10240xf32, #tpu.memory_space<vmem_shared>>
        tpu.enqueue_indirect_dma source(%arg8 : memref<128xf32, #tpu.memory_space<vmem>>) target(%dma_start3A_63 : memref<10240xf32, #tpu.memory_space<vmem_shared>>) offsets(%dma_start3A : memref<128xi32, #tpu.memory_space<vmem>>) semaphore(%run_scoped3A : memref<!tpu.dma_semaphore, #tpu.memory_space<semaphore_mem>>) {add = true}
        %dma_wait3A = tpu.memref_slice %arg7[%mul3A_61] : memref<2000xi32, #tpu.memory_space<vmem>> -> memref<128xi32, #tpu.memory_space<vmem>>
        %dma_wait3A_64 = arith.constant 0 : i32
        %dma_wait3A_65 = tpu.memref_slice %arg6[%dma_wait3A_64] : memref<10240xf32, #tpu.memory_space<vmem_shared>> -> memref<10240xf32, #tpu.memory_space<vmem_shared>>
        tpu.wait_indirect_dma semaphore(%run_scoped3A : memref<!tpu.dma_semaphore, #tpu.memory_space<semaphore_mem>>) src(%arg8 : memref<128xf32, #tpu.memory_space<vmem>>) dst(%dma_wait3A_65 : memref<10240xf32, #tpu.memory_space<vmem_shared>>)
        tpu.yield
      }) : () -> ()
    }
    %scan3A_10 = arith.constant 15 : i32
    "tpu.region"() ({
      %run_scoped3A = tpu.sem_alloc : memref<!tpu.dma_semaphore, #tpu.memory_space<semaphore_mem>>
      %dma_start3A = arith.constant 0 : i32
      %dma_start3A_55 = tpu.memref_slice %arg8[%dma_start3A] : memref<128xf32, #tpu.memory_space<vmem>> -> memref<80xf32, #tpu.memory_space<vmem>>
      %dma_start3A_56 = arith.constant 1920 : i32
      %dma_start3A_57 = tpu.memref_slice %arg7[%dma_start3A_56] : memref<2000xi32, #tpu.memory_space<vmem>> -> memref<80xi32, #tpu.memory_space<vmem>>
      %dma_start3A_58 = arith.constant 0 : i32
      %dma_start3A_59 = tpu.memref_slice %arg6[%dma_start3A_58] : memref<10240xf32, #tpu.memory_space<vmem_shared>> -> memref<10240xf32, #tpu.memory_space<vmem_shared>>
      tpu.enqueue_indirect_dma source(%dma_start3A_55 : memref<80xf32, #tpu.memory_space<vmem>>) target(%dma_start3A_59 : memref<10240xf32, #tpu.memory_space<vmem_shared>>) offsets(%dma_start3A_57 : memref<80xi32, #tpu.memory_space<vmem>>) semaphore(%run_scoped3A : memref<!tpu.dma_semaphore, #tpu.memory_space<semaphore_mem>>) {add = true}
      %dma_wait3A = arith.constant 0 : i32
      %dma_wait3A_60 = tpu.memref_slice %arg8[%dma_wait3A] : memref<128xf32, #tpu.memory_space<vmem>> -> memref<80xf32, #tpu.memory_space<vmem>>
      %dma_wait3A_61 = arith.constant 1920 : i32
      %dma_wait3A_62 = tpu.memref_slice %arg7[%dma_wait3A_61] : memref<2000xi32, #tpu.memory_space<vmem>> -> memref<80xi32, #tpu.memory_space<vmem>>
      %dma_wait3A_63 = arith.constant 0 : i32
      %dma_wait3A_64 = tpu.memref_slice %arg6[%dma_wait3A_63] : memref<10240xf32, #tpu.memory_space<vmem_shared>> -> memref<10240xf32, #tpu.memory_space<vmem_shared>>
      tpu.wait_indirect_dma semaphore(%run_scoped3A : memref<!tpu.dma_semaphore, #tpu.memory_space<semaphore_mem>>) src(%dma_wait3A_60 : memref<80xf32, #tpu.memory_space<vmem>>) dst(%dma_wait3A_64 : memref<10240xf32, #tpu.memory_space<vmem_shared>>)
      tpu.yield
    }) : () -> ()
    %mul3A_11 = arith.constant 10000 : i32
    %mul3A_12 = arith.muli %add3A, %mul3A_11 : i32
    %add3A_13 = arith.constant 2000 : i32
    %add3A_14 = arith.addi %mul3A_12, %add3A_13 : i32
    "tpu.region"() ({
      %run_scoped3A = tpu.sem_alloc : memref<!tpu.dma_semaphore, #tpu.memory_space<semaphore_mem>>
      %dma_start3A = tpu.memref_slice %arg2[%add3A_14] : memref<320000xi32, #tpu.memory_space<hbm>> -> memref<2000xi32, #tpu.memory_space<hbm>>
      %dma_start3A_55 = tpu.memref_slice %arg2[%add3A_14] : memref<320000xi32, #tpu.memory_space<hbm>> -> memref<2000xi32, #tpu.memory_space<hbm>>
      tpu.enqueue_dma source(%dma_start3A_55 : memref<2000xi32, #tpu.memory_space<hbm>>) target(%arg7 : memref<2000xi32, #tpu.memory_space<vmem>>) target_semaphore(%run_scoped3A : memref<!tpu.dma_semaphore, #tpu.memory_space<semaphore_mem>>)
      %dma_wait3A = tpu.memref_slice %arg2[%add3A_14] : memref<320000xi32, #tpu.memory_space<hbm>> -> memref<2000xi32, #tpu.memory_space<hbm>>
      %dma_wait3A_56 = tpu.memref_slice %arg2[%add3A_14] : memref<320000xi32, #tpu.memory_space<hbm>> -> memref<2000xi32, #tpu.memory_space<hbm>>
      tpu.wait_dma2 semaphore(%run_scoped3A : memref<!tpu.dma_semaphore, #tpu.memory_space<semaphore_mem>>) src(%dma_wait3A_56 : memref<2000xi32, #tpu.memory_space<hbm>>) dst(%arg7 : memref<2000xi32, #tpu.memory_space<vmem>>)
      tpu.yield
    }) : () -> ()
    %scan3A_15 = arith.constant 0 : i32
    %scan3A_16 = arith.constant 15 : i32
    %scan3A_17 = arith.addi %scan3A_15, %scan3A_16 : i32
    %scan3A_18 = arith.constant 1 : i32
    scf.for %scan3A_55 = %scan3A_15 to %scan3A_17 step %scan3A_18  : i32 {
      %mul3A_56 = arith.constant 1 : i32
      %mul3A_57 = arith.muli %scan3A_55, %mul3A_56 : i32
      %add3A_58 = arith.constant 0 : i32
      %add3A_59 = arith.addi %add3A_58, %mul3A_57 : i32
      %mul3A_60 = arith.constant 128 : i32
      %mul3A_61 = arith.muli %add3A_59, %mul3A_60 : i32
      "tpu.region"() ({
        %run_scoped3A = tpu.sem_alloc : memref<!tpu.dma_semaphore, #tpu.memory_space<semaphore_mem>>
        %dma_start3A = tpu.memref_slice %arg7[%mul3A_61] : memref<2000xi32, #tpu.memory_space<vmem>> -> memref<128xi32, #tpu.memory_space<vmem>>
        %dma_start3A_62 = arith.constant 0 : i32
        %dma_start3A_63 = tpu.memref_slice %arg6[%dma_start3A_62] : memref<10240xf32, #tpu.memory_space<vmem_shared>> -> memref<10240xf32, #tpu.memory_space<vmem_shared>>
        tpu.enqueue_indirect_dma source(%arg8 : memref<128xf32, #tpu.memory_space<vmem>>) target(%dma_start3A_63 : memref<10240xf32, #tpu.memory_space<vmem_shared>>) offsets(%dma_start3A : memref<128xi32, #tpu.memory_space<vmem>>) semaphore(%run_scoped3A : memref<!tpu.dma_semaphore, #tpu.memory_space<semaphore_mem>>) {add = true}
        %dma_wait3A = tpu.memref_slice %arg7[%mul3A_61] : memref<2000xi32, #tpu.memory_space<vmem>> -> memref<128xi32, #tpu.memory_space<vmem>>
        %dma_wait3A_64 = arith.constant 0 : i32
        %dma_wait3A_65 = tpu.memref_slice %arg6[%dma_wait3A_64] : memref<10240xf32, #tpu.memory_space<vmem_shared>> -> memref<10240xf32, #tpu.memory_space<vmem_shared>>
        tpu.wait_indirect_dma semaphore(%run_scoped3A : memref<!tpu.dma_semaphore, #tpu.memory_space<semaphore_mem>>) src(%arg8 : memref<128xf32, #tpu.memory_space<vmem>>) dst(%dma_wait3A_65 : memref<10240xf32, #tpu.memory_space<vmem_shared>>)
        tpu.yield
      }) : () -> ()
    }
    %scan3A_19 = arith.constant 15 : i32
    "tpu.region"() ({
      %run_scoped3A = tpu.sem_alloc : memref<!tpu.dma_semaphore, #tpu.memory_space<semaphore_mem>>
      %dma_start3A = arith.constant 0 : i32
      %dma_start3A_55 = tpu.memref_slice %arg8[%dma_start3A] : memref<128xf32, #tpu.memory_space<vmem>> -> memref<80xf32, #tpu.memory_space<vmem>>
      %dma_start3A_56 = arith.constant 1920 : i32
      %dma_start3A_57 = tpu.memref_slice %arg7[%dma_start3A_56] : memref<2000xi32, #tpu.memory_space<vmem>> -> memref<80xi32, #tpu.memory_space<vmem>>
      %dma_start3A_58 = arith.constant 0 : i32
      %dma_start3A_59 = tpu.memref_slice %arg6[%dma_start3A_58] : memref<10240xf32, #tpu.memory_space<vmem_shared>> -> memref<10240xf32, #tpu.memory_space<vmem_shared>>
      tpu.enqueue_indirect_dma source(%dma_start3A_55 : memref<80xf32, #tpu.memory_space<vmem>>) target(%dma_start3A_59 : memref<10240xf32, #tpu.memory_space<vmem_shared>>) offsets(%dma_start3A_57 : memref<80xi32, #tpu.memory_space<vmem>>) semaphore(%run_scoped3A : memref<!tpu.dma_semaphore, #tpu.memory_space<semaphore_mem>>) {add = true}
      %dma_wait3A = arith.constant 0 : i32
      %dma_wait3A_60 = tpu.memref_slice %arg8[%dma_wait3A] : memref<128xf32, #tpu.memory_space<vmem>> -> memref<80xf32, #tpu.memory_space<vmem>>
      %dma_wait3A_61 = arith.constant 1920 : i32
      %dma_wait3A_62 = tpu.memref_slice %arg7[%dma_wait3A_61] : memref<2000xi32, #tpu.memory_space<vmem>> -> memref<80xi32, #tpu.memory_space<vmem>>
      %dma_wait3A_63 = arith.constant 0 : i32
      %dma_wait3A_64 = tpu.memref_slice %arg6[%dma_wait3A_63] : memref<10240xf32, #tpu.memory_space<vmem_shared>> -> memref<10240xf32, #tpu.memory_space<vmem_shared>>
      tpu.wait_indirect_dma semaphore(%run_scoped3A : memref<!tpu.dma_semaphore, #tpu.memory_space<semaphore_mem>>) src(%dma_wait3A_60 : memref<80xf32, #tpu.memory_space<vmem>>) dst(%dma_wait3A_64 : memref<10240xf32, #tpu.memory_space<vmem_shared>>)
      tpu.yield
    }) : () -> ()
    %mul3A_20 = arith.constant 10000 : i32
    %mul3A_21 = arith.muli %add3A, %mul3A_20 : i32
    %add3A_22 = arith.constant 4000 : i32
    %add3A_23 = arith.addi %mul3A_21, %add3A_22 : i32
    "tpu.region"() ({
      %run_scoped3A = tpu.sem_alloc : memref<!tpu.dma_semaphore, #tpu.memory_space<semaphore_mem>>
      %dma_start3A = tpu.memref_slice %arg2[%add3A_23] : memref<320000xi32, #tpu.memory_space<hbm>> -> memref<2000xi32, #tpu.memory_space<hbm>>
      %dma_start3A_55 = tpu.memref_slice %arg2[%add3A_23] : memref<320000xi32, #tpu.memory_space<hbm>> -> memref<2000xi32, #tpu.memory_space<hbm>>
      tpu.enqueue_dma source(%dma_start3A_55 : memref<2000xi32, #tpu.memory_space<hbm>>) target(%arg7 : memref<2000xi32, #tpu.memory_space<vmem>>) target_semaphore(%run_scoped3A : memref<!tpu.dma_semaphore, #tpu.memory_space<semaphore_mem>>)
      %dma_wait3A = tpu.memref_slice %arg2[%add3A_23] : memref<320000xi32, #tpu.memory_space<hbm>> -> memref<2000xi32, #tpu.memory_space<hbm>>
      %dma_wait3A_56 = tpu.memref_slice %arg2[%add3A_23] : memref<320000xi32, #tpu.memory_space<hbm>> -> memref<2000xi32, #tpu.memory_space<hbm>>
      tpu.wait_dma2 semaphore(%run_scoped3A : memref<!tpu.dma_semaphore, #tpu.memory_space<semaphore_mem>>) src(%dma_wait3A_56 : memref<2000xi32, #tpu.memory_space<hbm>>) dst(%arg7 : memref<2000xi32, #tpu.memory_space<vmem>>)
      tpu.yield
    }) : () -> ()
    %scan3A_24 = arith.constant 0 : i32
    %scan3A_25 = arith.constant 15 : i32
    %scan3A_26 = arith.addi %scan3A_24, %scan3A_25 : i32
    %scan3A_27 = arith.constant 1 : i32
    scf.for %scan3A_55 = %scan3A_24 to %scan3A_26 step %scan3A_27  : i32 {
      %mul3A_56 = arith.constant 1 : i32
      %mul3A_57 = arith.muli %scan3A_55, %mul3A_56 : i32
      %add3A_58 = arith.constant 0 : i32
      %add3A_59 = arith.addi %add3A_58, %mul3A_57 : i32
      %mul3A_60 = arith.constant 128 : i32
      %mul3A_61 = arith.muli %add3A_59, %mul3A_60 : i32
      "tpu.region"() ({
        %run_scoped3A = tpu.sem_alloc : memref<!tpu.dma_semaphore, #tpu.memory_space<semaphore_mem>>
        %dma_start3A = tpu.memref_slice %arg7[%mul3A_61] : memref<2000xi32, #tpu.memory_space<vmem>> -> memref<128xi32, #tpu.memory_space<vmem>>
        %dma_start3A_62 = arith.constant 0 : i32
        %dma_start3A_63 = tpu.memref_slice %arg6[%dma_start3A_62] : memref<10240xf32, #tpu.memory_space<vmem_shared>> -> memref<10240xf32, #tpu.memory_space<vmem_shared>>
        tpu.enqueue_indirect_dma source(%arg8 : memref<128xf32, #tpu.memory_space<vmem>>) target(%dma_start3A_63 : memref<10240xf32, #tpu.memory_space<vmem_shared>>) offsets(%dma_start3A : memref<128xi32, #tpu.memory_space<vmem>>) semaphore(%run_scoped3A : memref<!tpu.dma_semaphore, #tpu.memory_space<semaphore_mem>>) {add = true}
        %dma_wait3A = tpu.memref_slice %arg7[%mul3A_61] : memref<2000xi32, #tpu.memory_space<vmem>> -> memref<128xi32, #tpu.memory_space<vmem>>
        %dma_wait3A_64 = arith.constant 0 : i32
        %dma_wait3A_65 = tpu.memref_slice %arg6[%dma_wait3A_64] : memref<10240xf32, #tpu.memory_space<vmem_shared>> -> memref<10240xf32, #tpu.memory_space<vmem_shared>>
        tpu.wait_indirect_dma semaphore(%run_scoped3A : memref<!tpu.dma_semaphore, #tpu.memory_space<semaphore_mem>>) src(%arg8 : memref<128xf32, #tpu.memory_space<vmem>>) dst(%dma_wait3A_65 : memref<10240xf32, #tpu.memory_space<vmem_shared>>)
        tpu.yield
      }) : () -> ()
    }
    %scan3A_28 = arith.constant 15 : i32
    "tpu.region"() ({
      %run_scoped3A = tpu.sem_alloc : memref<!tpu.dma_semaphore, #tpu.memory_space<semaphore_mem>>
      %dma_start3A = arith.constant 0 : i32
      %dma_start3A_55 = tpu.memref_slice %arg8[%dma_start3A] : memref<128xf32, #tpu.memory_space<vmem>> -> memref<80xf32, #tpu.memory_space<vmem>>
      %dma_start3A_56 = arith.constant 1920 : i32
      %dma_start3A_57 = tpu.memref_slice %arg7[%dma_start3A_56] : memref<2000xi32, #tpu.memory_space<vmem>> -> memref<80xi32, #tpu.memory_space<vmem>>
      %dma_start3A_58 = arith.constant 0 : i32
      %dma_start3A_59 = tpu.memref_slice %arg6[%dma_start3A_58] : memref<10240xf32, #tpu.memory_space<vmem_shared>> -> memref<10240xf32, #tpu.memory_space<vmem_shared>>
      tpu.enqueue_indirect_dma source(%dma_start3A_55 : memref<80xf32, #tpu.memory_space<vmem>>) target(%dma_start3A_59 : memref<10240xf32, #tpu.memory_space<vmem_shared>>) offsets(%dma_start3A_57 : memref<80xi32, #tpu.memory_space<vmem>>) semaphore(%run_scoped3A : memref<!tpu.dma_semaphore, #tpu.memory_space<semaphore_mem>>) {add = true}
      %dma_wait3A = arith.constant 0 : i32
      %dma_wait3A_60 = tpu.memref_slice %arg8[%dma_wait3A] : memref<128xf32, #tpu.memory_space<vmem>> -> memref<80xf32, #tpu.memory_space<vmem>>
      %dma_wait3A_61 = arith.constant 1920 : i32
      %dma_wait3A_62 = tpu.memref_slice %arg7[%dma_wait3A_61] : memref<2000xi32, #tpu.memory_space<vmem>> -> memref<80xi32, #tpu.memory_space<vmem>>
      %dma_wait3A_63 = arith.constant 0 : i32
      %dma_wait3A_64 = tpu.memref_slice %arg6[%dma_wait3A_63] : memref<10240xf32, #tpu.memory_space<vmem_shared>> -> memref<10240xf32, #tpu.memory_space<vmem_shared>>
      tpu.wait_indirect_dma semaphore(%run_scoped3A : memref<!tpu.dma_semaphore, #tpu.memory_space<semaphore_mem>>) src(%dma_wait3A_60 : memref<80xf32, #tpu.memory_space<vmem>>) dst(%dma_wait3A_64 : memref<10240xf32, #tpu.memory_space<vmem_shared>>)
      tpu.yield
    }) : () -> ()
    %mul3A_29 = arith.constant 10000 : i32
    %mul3A_30 = arith.muli %add3A, %mul3A_29 : i32
    %add3A_31 = arith.constant 6000 : i32
    %add3A_32 = arith.addi %mul3A_30, %add3A_31 : i32
    "tpu.region"() ({
      %run_scoped3A = tpu.sem_alloc : memref<!tpu.dma_semaphore, #tpu.memory_space<semaphore_mem>>
      %dma_start3A = tpu.memref_slice %arg2[%add3A_32] : memref<320000xi32, #tpu.memory_space<hbm>> -> memref<2000xi32, #tpu.memory_space<hbm>>
      %dma_start3A_55 = tpu.memref_slice %arg2[%add3A_32] : memref<320000xi32, #tpu.memory_space<hbm>> -> memref<2000xi32, #tpu.memory_space<hbm>>
      tpu.enqueue_dma source(%dma_start3A_55 : memref<2000xi32, #tpu.memory_space<hbm>>) target(%arg7 : memref<2000xi32, #tpu.memory_space<vmem>>) target_semaphore(%run_scoped3A : memref<!tpu.dma_semaphore, #tpu.memory_space<semaphore_mem>>)
      %dma_wait3A = tpu.memref_slice %arg2[%add3A_32] : memref<320000xi32, #tpu.memory_space<hbm>> -> memref<2000xi32, #tpu.memory_space<hbm>>
      %dma_wait3A_56 = tpu.memref_slice %arg2[%add3A_32] : memref<320000xi32, #tpu.memory_space<hbm>> -> memref<2000xi32, #tpu.memory_space<hbm>>
      tpu.wait_dma2 semaphore(%run_scoped3A : memref<!tpu.dma_semaphore, #tpu.memory_space<semaphore_mem>>) src(%dma_wait3A_56 : memref<2000xi32, #tpu.memory_space<hbm>>) dst(%arg7 : memref<2000xi32, #tpu.memory_space<vmem>>)
      tpu.yield
    }) : () -> ()
    %scan3A_33 = arith.constant 0 : i32
    %scan3A_34 = arith.constant 15 : i32
    %scan3A_35 = arith.addi %scan3A_33, %scan3A_34 : i32
    %scan3A_36 = arith.constant 1 : i32
    scf.for %scan3A_55 = %scan3A_33 to %scan3A_35 step %scan3A_36  : i32 {
      %mul3A_56 = arith.constant 1 : i32
      %mul3A_57 = arith.muli %scan3A_55, %mul3A_56 : i32
      %add3A_58 = arith.constant 0 : i32
      %add3A_59 = arith.addi %add3A_58, %mul3A_57 : i32
      %mul3A_60 = arith.constant 128 : i32
      %mul3A_61 = arith.muli %add3A_59, %mul3A_60 : i32
      "tpu.region"() ({
        %run_scoped3A = tpu.sem_alloc : memref<!tpu.dma_semaphore, #tpu.memory_space<semaphore_mem>>
        %dma_start3A = tpu.memref_slice %arg7[%mul3A_61] : memref<2000xi32, #tpu.memory_space<vmem>> -> memref<128xi32, #tpu.memory_space<vmem>>
        %dma_start3A_62 = arith.constant 0 : i32
        %dma_start3A_63 = tpu.memref_slice %arg6[%dma_start3A_62] : memref<10240xf32, #tpu.memory_space<vmem_shared>> -> memref<10240xf32, #tpu.memory_space<vmem_shared>>
        tpu.enqueue_indirect_dma source(%arg8 : memref<128xf32, #tpu.memory_space<vmem>>) target(%dma_start3A_63 : memref<10240xf32, #tpu.memory_space<vmem_shared>>) offsets(%dma_start3A : memref<128xi32, #tpu.memory_space<vmem>>) semaphore(%run_scoped3A : memref<!tpu.dma_semaphore, #tpu.memory_space<semaphore_mem>>) {add = true}
        %dma_wait3A = tpu.memref_slice %arg7[%mul3A_61] : memref<2000xi32, #tpu.memory_space<vmem>> -> memref<128xi32, #tpu.memory_space<vmem>>
        %dma_wait3A_64 = arith.constant 0 : i32
        %dma_wait3A_65 = tpu.memref_slice %arg6[%dma_wait3A_64] : memref<10240xf32, #tpu.memory_space<vmem_shared>> -> memref<10240xf32, #tpu.memory_space<vmem_shared>>
        tpu.wait_indirect_dma semaphore(%run_scoped3A : memref<!tpu.dma_semaphore, #tpu.memory_space<semaphore_mem>>) src(%arg8 : memref<128xf32, #tpu.memory_space<vmem>>) dst(%dma_wait3A_65 : memref<10240xf32, #tpu.memory_space<vmem_shared>>)
        tpu.yield
      }) : () -> ()
    }
    %scan3A_37 = arith.constant 15 : i32
    "tpu.region"() ({
      %run_scoped3A = tpu.sem_alloc : memref<!tpu.dma_semaphore, #tpu.memory_space<semaphore_mem>>
      %dma_start3A = arith.constant 0 : i32
      %dma_start3A_55 = tpu.memref_slice %arg8[%dma_start3A] : memref<128xf32, #tpu.memory_space<vmem>> -> memref<80xf32, #tpu.memory_space<vmem>>
      %dma_start3A_56 = arith.constant 1920 : i32
      %dma_start3A_57 = tpu.memref_slice %arg7[%dma_start3A_56] : memref<2000xi32, #tpu.memory_space<vmem>> -> memref<80xi32, #tpu.memory_space<vmem>>
      %dma_start3A_58 = arith.constant 0 : i32
      %dma_start3A_59 = tpu.memref_slice %arg6[%dma_start3A_58] : memref<10240xf32, #tpu.memory_space<vmem_shared>> -> memref<10240xf32, #tpu.memory_space<vmem_shared>>
      tpu.enqueue_indirect_dma source(%dma_start3A_55 : memref<80xf32, #tpu.memory_space<vmem>>) target(%dma_start3A_59 : memref<10240xf32, #tpu.memory_space<vmem_shared>>) offsets(%dma_start3A_57 : memref<80xi32, #tpu.memory_space<vmem>>) semaphore(%run_scoped3A : memref<!tpu.dma_semaphore, #tpu.memory_space<semaphore_mem>>) {add = true}
      %dma_wait3A = arith.constant 0 : i32
      %dma_wait3A_60 = tpu.memref_slice %arg8[%dma_wait3A] : memref<128xf32, #tpu.memory_space<vmem>> -> memref<80xf32, #tpu.memory_space<vmem>>
      %dma_wait3A_61 = arith.constant 1920 : i32
      %dma_wait3A_62 = tpu.memref_slice %arg7[%dma_wait3A_61] : memref<2000xi32, #tpu.memory_space<vmem>> -> memref<80xi32, #tpu.memory_space<vmem>>
      %dma_wait3A_63 = arith.constant 0 : i32
      %dma_wait3A_64 = tpu.memref_slice %arg6[%dma_wait3A_63] : memref<10240xf32, #tpu.memory_space<vmem_shared>> -> memref<10240xf32, #tpu.memory_space<vmem_shared>>
      tpu.wait_indirect_dma semaphore(%run_scoped3A : memref<!tpu.dma_semaphore, #tpu.memory_space<semaphore_mem>>) src(%dma_wait3A_60 : memref<80xf32, #tpu.memory_space<vmem>>) dst(%dma_wait3A_64 : memref<10240xf32, #tpu.memory_space<vmem_shared>>)
      tpu.yield
    }) : () -> ()
    %mul3A_38 = arith.constant 10000 : i32
    %mul3A_39 = arith.muli %add3A, %mul3A_38 : i32
    %add3A_40 = arith.constant 8000 : i32
    %add3A_41 = arith.addi %mul3A_39, %add3A_40 : i32
    "tpu.region"() ({
      %run_scoped3A = tpu.sem_alloc : memref<!tpu.dma_semaphore, #tpu.memory_space<semaphore_mem>>
      %dma_start3A = tpu.memref_slice %arg2[%add3A_41] : memref<320000xi32, #tpu.memory_space<hbm>> -> memref<2000xi32, #tpu.memory_space<hbm>>
      %dma_start3A_55 = tpu.memref_slice %arg2[%add3A_41] : memref<320000xi32, #tpu.memory_space<hbm>> -> memref<2000xi32, #tpu.memory_space<hbm>>
      tpu.enqueue_dma source(%dma_start3A_55 : memref<2000xi32, #tpu.memory_space<hbm>>) target(%arg7 : memref<2000xi32, #tpu.memory_space<vmem>>) target_semaphore(%run_scoped3A : memref<!tpu.dma_semaphore, #tpu.memory_space<semaphore_mem>>)
      %dma_wait3A = tpu.memref_slice %arg2[%add3A_41] : memref<320000xi32, #tpu.memory_space<hbm>> -> memref<2000xi32, #tpu.memory_space<hbm>>
      %dma_wait3A_56 = tpu.memref_slice %arg2[%add3A_41] : memref<320000xi32, #tpu.memory_space<hbm>> -> memref<2000xi32, #tpu.memory_space<hbm>>
      tpu.wait_dma2 semaphore(%run_scoped3A : memref<!tpu.dma_semaphore, #tpu.memory_space<semaphore_mem>>) src(%dma_wait3A_56 : memref<2000xi32, #tpu.memory_space<hbm>>) dst(%arg7 : memref<2000xi32, #tpu.memory_space<vmem>>)
      tpu.yield
    }) : () -> ()
    %scan3A_42 = arith.constant 0 : i32
    %scan3A_43 = arith.constant 15 : i32
    %scan3A_44 = arith.addi %scan3A_42, %scan3A_43 : i32
    %scan3A_45 = arith.constant 1 : i32
    scf.for %scan3A_55 = %scan3A_42 to %scan3A_44 step %scan3A_45  : i32 {
      %mul3A_56 = arith.constant 1 : i32
      %mul3A_57 = arith.muli %scan3A_55, %mul3A_56 : i32
      %add3A_58 = arith.constant 0 : i32
      %add3A_59 = arith.addi %add3A_58, %mul3A_57 : i32
      %mul3A_60 = arith.constant 128 : i32
      %mul3A_61 = arith.muli %add3A_59, %mul3A_60 : i32
      "tpu.region"() ({
        %run_scoped3A = tpu.sem_alloc : memref<!tpu.dma_semaphore, #tpu.memory_space<semaphore_mem>>
        %dma_start3A = tpu.memref_slice %arg7[%mul3A_61] : memref<2000xi32, #tpu.memory_space<vmem>> -> memref<128xi32, #tpu.memory_space<vmem>>
        %dma_start3A_62 = arith.constant 0 : i32
        %dma_start3A_63 = tpu.memref_slice %arg6[%dma_start3A_62] : memref<10240xf32, #tpu.memory_space<vmem_shared>> -> memref<10240xf32, #tpu.memory_space<vmem_shared>>
        tpu.enqueue_indirect_dma source(%arg8 : memref<128xf32, #tpu.memory_space<vmem>>) target(%dma_start3A_63 : memref<10240xf32, #tpu.memory_space<vmem_shared>>) offsets(%dma_start3A : memref<128xi32, #tpu.memory_space<vmem>>) semaphore(%run_scoped3A : memref<!tpu.dma_semaphore, #tpu.memory_space<semaphore_mem>>) {add = true}
        %dma_wait3A = tpu.memref_slice %arg7[%mul3A_61] : memref<2000xi32, #tpu.memory_space<vmem>> -> memref<128xi32, #tpu.memory_space<vmem>>
        %dma_wait3A_64 = arith.constant 0 : i32
        %dma_wait3A_65 = tpu.memref_slice %arg6[%dma_wait3A_64] : memref<10240xf32, #tpu.memory_space<vmem_shared>> -> memref<10240xf32, #tpu.memory_space<vmem_shared>>
        tpu.wait_indirect_dma semaphore(%run_scoped3A : memref<!tpu.dma_semaphore, #tpu.memory_space<semaphore_mem>>) src(%arg8 : memref<128xf32, #tpu.memory_space<vmem>>) dst(%dma_wait3A_65 : memref<10240xf32, #tpu.memory_space<vmem_shared>>)
        tpu.yield
      }) : () -> ()
    }
    %scan3A_46 = arith.constant 15 : i32
    "tpu.region"() ({
      %run_scoped3A = tpu.sem_alloc : memref<!tpu.dma_semaphore, #tpu.memory_space<semaphore_mem>>
      %dma_start3A = arith.constant 0 : i32
      %dma_start3A_55 = tpu.memref_slice %arg8[%dma_start3A] : memref<128xf32, #tpu.memory_space<vmem>> -> memref<80xf32, #tpu.memory_space<vmem>>
      %dma_start3A_56 = arith.constant 1920 : i32
      %dma_start3A_57 = tpu.memref_slice %arg7[%dma_start3A_56] : memref<2000xi32, #tpu.memory_space<vmem>> -> memref<80xi32, #tpu.memory_space<vmem>>
      %dma_start3A_58 = arith.constant 0 : i32
      %dma_start3A_59 = tpu.memref_slice %arg6[%dma_start3A_58] : memref<10240xf32, #tpu.memory_space<vmem_shared>> -> memref<10240xf32, #tpu.memory_space<vmem_shared>>
      tpu.enqueue_indirect_dma source(%dma_start3A_55 : memref<80xf32, #tpu.memory_space<vmem>>) target(%dma_start3A_59 : memref<10240xf32, #tpu.memory_space<vmem_shared>>) offsets(%dma_start3A_57 : memref<80xi32, #tpu.memory_space<vmem>>) semaphore(%run_scoped3A : memref<!tpu.dma_semaphore, #tpu.memory_space<semaphore_mem>>) {add = true}
      %dma_wait3A = arith.constant 0 : i32
      %dma_wait3A_60 = tpu.memref_slice %arg8[%dma_wait3A] : memref<128xf32, #tpu.memory_space<vmem>> -> memref<80xf32, #tpu.memory_space<vmem>>
      %dma_wait3A_61 = arith.constant 1920 : i32
      %dma_wait3A_62 = tpu.memref_slice %arg7[%dma_wait3A_61] : memref<2000xi32, #tpu.memory_space<vmem>> -> memref<80xi32, #tpu.memory_space<vmem>>
      %dma_wait3A_63 = arith.constant 0 : i32
      %dma_wait3A_64 = tpu.memref_slice %arg6[%dma_wait3A_63] : memref<10240xf32, #tpu.memory_space<vmem_shared>> -> memref<10240xf32, #tpu.memory_space<vmem_shared>>
      tpu.wait_indirect_dma semaphore(%run_scoped3A : memref<!tpu.dma_semaphore, #tpu.memory_space<semaphore_mem>>) src(%dma_wait3A_60 : memref<80xf32, #tpu.memory_space<vmem>>) dst(%dma_wait3A_64 : memref<10240xf32, #tpu.memory_space<vmem_shared>>)
      tpu.yield
    }) : () -> ()
    %barrier3A_47 = arith.constant 0 : index
    tpu.barrier barrier_id(%barrier3A_47)
    %mul3A_48 = arith.constant 640 : i32
    %mul3A_49 = arith.muli %arg1, %mul3A_48 : i32
    %mul3A_50 = arith.constant 10240 : i32
    %mul3A_51 = arith.muli %arg0, %mul3A_50 : i32
    %mul3A_52 = arith.constant 640 : i32
    %mul3A_53 = arith.muli %arg1, %mul3A_52 : i32
    %add3A_54 = arith.addi %mul3A_51, %mul3A_53 : i32
    "tpu.region"() ({
      %run_scoped3A = tpu.sem_alloc : memref<!tpu.dma_semaphore, #tpu.memory_space<semaphore_mem>>
      %dma_start3A = tpu.memref_slice %arg5[%add3A_54] : memref<20480xf32, #tpu.memory_space<hbm>> -> memref<640xf32, #tpu.memory_space<hbm>>
      %dma_start3A_55 = tpu.memref_slice %arg6[%mul3A_49] : memref<10240xf32, #tpu.memory_space<vmem_shared>> -> memref<640xf32, #tpu.memory_space<vmem_shared>>
      tpu.enqueue_dma source(%dma_start3A_55 : memref<640xf32, #tpu.memory_space<vmem_shared>>) target(%dma_start3A : memref<640xf32, #tpu.memory_space<hbm>>) target_semaphore(%run_scoped3A : memref<!tpu.dma_semaphore, #tpu.memory_space<semaphore_mem>>)
      %dma_wait3A = tpu.memref_slice %arg5[%add3A_54] : memref<20480xf32, #tpu.memory_space<hbm>> -> memref<640xf32, #tpu.memory_space<hbm>>
      %dma_wait3A_56 = tpu.memref_slice %arg6[%mul3A_49] : memref<10240xf32, #tpu.memory_space<vmem_shared>> -> memref<640xf32, #tpu.memory_space<vmem_shared>>
      tpu.wait_dma2 semaphore(%run_scoped3A : memref<!tpu.dma_semaphore, #tpu.memory_space<semaphore_mem>>) src(%dma_wait3A_56 : memref<640xf32, #tpu.memory_space<vmem_shared>>) dst(%dma_wait3A : memref<640xf32, #tpu.memory_space<hbm>>)
      tpu.yield
    }) : () -> ()
    return
  }
}

module attributes {stable_mosaic.version = 14 : i64} {
  func.func @_xw_body(%arg0: i32, %arg1: memref<1024x128xf32, #tpu.memory_space<vmem>>, %arg2: memref<128x128xf32, #tpu.memory_space<vmem>>, %arg3: memref<2x1024xf32, #tpu.memory_space<vmem>>, %arg4: memref<1024x128xf32, #tpu.memory_space<vmem>>) attributes {dimension_semantics = [#tpu.dimension_semantics<arbitrary>], iteration_bounds = array<i64: 10>, scalar_prefetch = 0 : i64, scratch_operands = 0 : i64, tpu.core_type = #tpu.core_type<tc>, window_params = [{transform_indices = @transform_0, window_bounds = array<i64: 1024, 128>}, {pipeline_mode = #tpu.pipeline_mode<synchronous>, transform_indices = @transform_1, window_bounds = array<i64: 128, 128>}, {transform_indices = @transform_2, window_bounds = array<i64: 2, 1024>}, {transform_indices = @transform_3, window_bounds = array<i64: 1024, 128>}]} {
    %get3A = arith.constant 0 : index
    %get3A_0 = arith.constant 0 : index
    %get3A_1 = vector.load %arg1[%get3A, %get3A_0] : memref<1024x128xf32, #tpu.memory_space<vmem>>, vector<1024x128xf32>
    %get3A_2 = arith.constant 0 : index
    %get3A_3 = arith.constant 0 : index
    %get3A_4 = vector.load %arg2[%get3A_2, %get3A_3] : memref<128x128xf32, #tpu.memory_space<vmem>>, vector<128x128xf32>
    %dot_general3A = arith.constant dense<0.000000e+00> : vector<1024x128xf32>
    %dot_general3A_5 = tpu.matmul %get3A_1, %get3A_4, %dot_general3A {dimension_numbers = #tpu.dot_dimension_numbers<[1], [0], [0], [1], [0, 0, 1, 1], [], []>, transpose_lhs_hint = false} : vector<1024x128xf32>, vector<128x128xf32>, vector<1024x128xf32> -> vector<1024x128xf32>
    %get3A_6 = arith.constant 0 : index
    %get3A_7 = arith.constant 0 : index
    %get3A_8 = vector.load %arg3[%get3A_6, %get3A_7] : memref<2x1024xf32, #tpu.memory_space<vmem>>, vector<1x1024xf32>
    %get3A_9 = vector.shape_cast %get3A_8 : vector<1x1024xf32> to vector<1024xf32>
    %get3A_10 = arith.constant 1 : index
    %get3A_11 = arith.constant 0 : index
    %get3A_12 = vector.load %arg3[%get3A_10, %get3A_11] : memref<2x1024xf32, #tpu.memory_space<vmem>>, vector<1x1024xf32>
    %get3A_13 = vector.shape_cast %get3A_12 : vector<1x1024xf32> to vector<1024xf32>
    %add3A = arith.addf %get3A_9, %get3A_13 : vector<1024xf32>
    %max3A = arith.constant 1.000000e+00 : f32
    %max3A_14 = vector.broadcast %max3A : f32 to vector<1024xf32>
    %max3A_15 = arith.maximumf %add3A, %max3A_14 : vector<1024xf32>
    %rsqrt3A = math.rsqrt %max3A_15 : vector<1024xf32>
    %broadcast_in_dim3A = vector.shape_cast %rsqrt3A : vector<1024xf32> to vector<1024x1xf32>
    %mul3A = vector.broadcast %broadcast_in_dim3A : vector<1024x1xf32> to vector<1024x128xf32>
    %mul3A_16 = arith.mulf %dot_general3A_5, %mul3A : vector<1024x128xf32>
    %swap3A = arith.constant 0 : index
    %swap3A_17 = arith.constant 0 : index
    %swap3A_18 = vector.load %arg4[%swap3A, %swap3A_17] : memref<1024x128xf32, #tpu.memory_space<vmem>>, vector<1024x128xf32>
    tpu.vector_store %arg4[%swap3A, %swap3A_17], %mul3A_16 {strides = array<i32>} : memref<1024x128xf32, #tpu.memory_space<vmem>>, vector<1024x128xf32>,
    return
  }
  func.func @transform_0(%arg0: i32) -> (i32, i32) {
    %c0_i32 = arith.constant 0 : i32
    %c0_i32_0 = arith.constant 0 : i32
    return %arg0, %c0_i32 : i32, i32
  }
  func.func @transform_1(%arg0: i32) -> (i32, i32) {
    %c0_i32 = arith.constant 0 : i32
    %c0_i32_0 = arith.constant 0 : i32
    %c0_i32_1 = arith.constant 0 : i32
    return %c0_i32, %c0_i32_0 : i32, i32
  }
  func.func @transform_2(%arg0: i32) -> (i32, i32) {
    %c0_i32 = arith.constant 0 : i32
    %c0_i32_0 = arith.constant 0 : i32
    return %c0_i32, %arg0 : i32, i32
  }
  func.func @transform_3(%arg0: i32) -> (i32, i32) {
    %c0_i32 = arith.constant 0 : i32
    %c0_i32_0 = arith.constant 0 : i32
    return %arg0, %c0_i32 : i32, i32
  }
}

module attributes {stable_mosaic.version = 14 : i64} {
  func.func @_fin_body(%arg0: i32, %arg1: memref<2x1024x128xf32, #tpu.memory_space<vmem>>, %arg2: memref<2x1024xf32, #tpu.memory_space<vmem>>, %arg3: memref<1024x128xf32, #tpu.memory_space<vmem>>) attributes {dimension_semantics = [#tpu.dimension_semantics<arbitrary>], iteration_bounds = array<i64: 10>, scalar_prefetch = 0 : i64, scratch_operands = 0 : i64, tpu.core_type = #tpu.core_type<tc>, window_params = [{transform_indices = @transform_0, window_bounds = array<i64: 2, 1024, 128>}, {transform_indices = @transform_1, window_bounds = array<i64: 2, 1024>}, {transform_indices = @transform_2, window_bounds = array<i64: 1024, 128>}]} {
    %get3A = arith.constant 0 : index
    %get3A_0 = arith.constant 0 : index
    %get3A_1 = arith.constant 0 : index
    %get3A_2 = vector.load %arg1[%get3A, %get3A_0, %get3A_1] : memref<2x1024x128xf32, #tpu.memory_space<vmem>>, vector<1x1024x128xf32>
    %get3A_3 = vector.shape_cast %get3A_2 : vector<1x1024x128xf32> to vector<1024x128xf32>
    %get3A_4 = arith.constant 1 : index
    %get3A_5 = arith.constant 0 : index
    %get3A_6 = arith.constant 0 : index
    %get3A_7 = vector.load %arg1[%get3A_4, %get3A_5, %get3A_6] : memref<2x1024x128xf32, #tpu.memory_space<vmem>>, vector<1x1024x128xf32>
    %get3A_8 = vector.shape_cast %get3A_7 : vector<1x1024x128xf32> to vector<1024x128xf32>
    %add3A = arith.addf %get3A_3, %get3A_8 : vector<1024x128xf32>
    %get3A_9 = arith.constant 0 : index
    %get3A_10 = arith.constant 0 : index
    %get3A_11 = vector.load %arg2[%get3A_9, %get3A_10] : memref<2x1024xf32, #tpu.memory_space<vmem>>, vector<1x1024xf32>
    %get3A_12 = vector.shape_cast %get3A_11 : vector<1x1024xf32> to vector<1024xf32>
    %get3A_13 = arith.constant 1 : index
    %get3A_14 = arith.constant 0 : index
    %get3A_15 = vector.load %arg2[%get3A_13, %get3A_14] : memref<2x1024xf32, #tpu.memory_space<vmem>>, vector<1x1024xf32>
    %get3A_16 = vector.shape_cast %get3A_15 : vector<1x1024xf32> to vector<1024xf32>
    %add3A_17 = arith.addf %get3A_12, %get3A_16 : vector<1024xf32>
    %max3A = arith.constant 1.000000e+00 : f32
    %max3A_18 = vector.broadcast %max3A : f32 to vector<1024xf32>
    %max3A_19 = arith.maximumf %add3A_17, %max3A_18 : vector<1024xf32>
    %rsqrt3A = math.rsqrt %max3A_19 : vector<1024xf32>
    %broadcast_in_dim3A = vector.shape_cast %rsqrt3A : vector<1024xf32> to vector<1024x1xf32>
    %mul3A = vector.broadcast %broadcast_in_dim3A : vector<1024x1xf32> to vector<1024x128xf32>
    %mul3A_20 = arith.mulf %add3A, %mul3A : vector<1024x128xf32>
    %swap3A = arith.constant 0 : index
    %swap3A_21 = arith.constant 0 : index
    %swap3A_22 = vector.load %arg3[%swap3A, %swap3A_21] : memref<1024x128xf32, #tpu.memory_space<vmem>>, vector<1024x128xf32>
    tpu.vector_store %arg3[%swap3A, %swap3A_21], %mul3A_20 {strides = array<i32>} : memref<1024x128xf32, #tpu.memory_space<vmem>>, vector<1024x128xf32>,
    return
  }
  func.func @transform_0(%arg0: i32) -> (i32, i32, i32) {
    %c0_i32 = arith.constant 0 : i32
    %c0_i32_0 = arith.constant 0 : i32
    %c0_i32_1 = arith.constant 0 : i32
    return %c0_i32, %arg0, %c0_i32_0 : i32, i32, i32
  }
  func.func @transform_1(%arg0: i32) -> (i32, i32) {
    %c0_i32 = arith.constant 0 : i32
    %c0_i32_0 = arith.constant 0 : i32
    return %c0_i32, %arg0 : i32, i32
  }
  func.func @transform_2(%arg0: i32) -> (i32, i32) {
    %c0_i32 = arith.constant 0 : i32
    %c0_i32_0 = arith.constant 0 : i32
    return %arg0, %c0_i32 : i32, i32
  }
}

</mosaic_0001>

<sc_bundles>
// kernel: kernel.6.cloned.1.call-start
scs
__scs_entry_jumppad:
0x0: {  	(pc) =	sbr.rel $0x88, $3  }
0x1: {  	(tag) =	ssettag $0x0;
	lr =	simm.s32 $0x1  }
0x2: {  	[smem:$0x3F9E] =	sst lr;
	_ =	strace $0xD0000000  }
0x3: {  	_ = 	snop  }
0x4: {  	_ = 	snop  }
0x5: {  	_ = 	snop  }
0x6: {  	_ = 	snop  }
0x7: {  	_ = 	snop  }
__scs_overlays_trampoline_lowered:
0x8: {  	[smem:$0x3FAD] =	sst s0  }
0x9: {  	[smem:$0x3FAE] =	sst s1  }
0xa: {  	[smem:$0x3FAF] =	sst s2  }
0xb: {  	[smem:$0x3FB0] =	sst s3  }
0xc: {  	[smem:$0x3FB1] =	sst s4  }
0xd: {  	[smem:$0x3FB2] =	sst s5  }
0xe: {  	[smem:$0x3FB3] =	sst s6  }
0xf: {  	[smem:$0x3FB4] =	sst s7  }
0x10: {  	[smem:$0x3FB5] =	sst s8  }
0x11: {  	[smem:$0x3FB6] =	sst s9;
	s0 =	simm.s32 @!p0 $0x0  }
0x12: {  	s1 =	sld [smem:$0x3F9C];
	s0 =	simm.s32 @p0 $0x1  }
0x13: {  	[smem:$0x3FB7] =	sst s0;
	s0 =	simm.s32 @!p1 $0x0  }
0x14: {  	s2 =	sld [smem:$0x3F9B];
	s0 =	simm.s32 @p1 $0x1  }
0x15: {  	[smem:$0x3FB8] =	sst s0;
	s0 =	simm.s32 @!p2 $0x0  }
0x16: {  	s3 =	sld [smem:$0x3FDB];
	s0 =	simm.s32 @p2 $0x1  }
0x17: {  	s4 =	simm.s32 $0x1BF5;
	[smem:$0x3FBA] =	sst s0  }
0x18: {  	s0 =	sld [smem:$0x3F9D];
	_ =	swait.ge [sflag:s4], $0x0  }
0x19: {  	s7 =	sld [smem:$0x3F9E]  }
0x1a: {  	s8 =	sadd.s32 $0xFFFFE003, lr  }
0x1b: {  	s9 =	sadd.s32 $0xFFFFFEF7, lr;
	s5 =	simm.s32 $0xFFFFFFFF;
	p2 =	slt.u32 s8, $0xFFFFF086  }
0x1c: {  	p1 =	slt.u32 s9, $0xF7A;
	s5 =	simm.s32 @!p2 $0x0  }
0x1d: {  	s5 =	simm.s32 @p1 $0x1;
	p0 =	seq.s32 s7, s2  }
0x1e: {  	s7 =	smul.u32 @!p0 $0xF7A, s2;
	p2 =	seq.s32 @!p0 s5, $0x0  }
0x1f: {  	s9 =	smul.u32 $0xF7A, s1;
	s8 =	simm.s32 @!p0 $0x1BF5;
	p2 =	por !p2, p0  }
0x20: {  	[sflag:s8] =	ssyncset.s32 @!p0 $0xFFFFF086;
	s6 =	sadd.s32 @!p0 s3, s7;
	s7 =	simm.s32 @!p0 $0x108  }
0x21: {  	s3 =	sadd.s32 s3, s9;
	s6 =	sadd.s32 @!p0 $0x88, s6;
	s7 =	simm.s32 @p2 $0x1082  }
0x22: {  	[simem:s7], [sflag:s8] =	dma.local @!p0 [hbm:s6], $0xF7A  }
0x23: {  	s9 =	sor.u32 $0xD0000000, s2;
	s6 =	simm.s32 $0x108;
	_ =	swait.ge @!p0 [sflag:s8], $0x0  }
0x24: {  	s3 =	sadd.s32 $0x88, s3;
	s6 =	simm.s32 @!p1 $0x1082;
	[sflag:s4] =	ssyncset.s32 $0xFFFFF086  }
0x25: {  	[simem:s6], [sflag:s4] =	dma.local [hbm:s3], $0xF7A  }
0x26: {  	[smem:$0x3F9E] =	sst s1;
	(tag) =	ssettag s2;
	_ =	strace s9  }
0x27: {  	s1 =	sld [smem:$0x3FAE]  }
0x28: {  	s2 =	sld [smem:$0x3FAF]  }
0x29: {  	s4 =	sld [smem:$0x3FB1]  }
0x2a: {  	p0 =	seq.s32 s5, $0x0;
	s5 =	sld [smem:$0x3FB2]  }
0x2b: {  	s6 =	sld [smem:$0x3FB3]  }
0x2c: {  	s7 =	sld [smem:$0x3FB4]  }
0x2d: {  	s3 =	simm.s32 $0x108;
	s8 =	sld [smem:$0x3FB5]  }
0x2e: {  	s3 =	simm.s32 @!p0 $0x1082;
	s9 =	sld [smem:$0x3FB6]  }
0x2f: {  	lr =	sadd.s32 s0, s3;
	s0 =	sld [smem:$0x3FAD]  }
0x30: {  	s3 =	sld [smem:$0x3FB0]  }
0x31: {  	[smem:$0x3FB9] =	sst s10  }
0x32: {  	s10 =	sld [smem:$0x3FB7];
	_ =	sdelay $0x3  }
0x33: {  	p0 =	seq.s32 s10, $0x1;
	s10 =	sld [smem:$0x3FB9];
	_ =	sdelay $0x3  }
0x34: {  	[smem:$0x3FB9] =	sst s10  }
0x35: {  	s10 =	sld [smem:$0x3FB8];
	_ =	sdelay $0x3  }
0x36: {  	p1 =	seq.s32 s10, $0x1;
	s10 =	sld [smem:$0x3FB9];
	_ =	sdelay $0x3  }
0x37: {  	[smem:$0x3FB9] =	sst s10  }
0x38: {  	s10 =	sld [smem:$0x3FBA]  }
0x39: {  	_ = 	snop;
	(pc) =	sbr.ind lr, $3  }
0x3a: {  	_ = 	snop  }
0x3b: {  	_ = 	snop  }
0x3c: {  	p2 =	seq.s32 s10, $0x1;
	s10 =	sld [smem:$0x3FB9]  }
0x3d: {  	_ =	shalt  }
0x3e: {  	_ =	shalt  }
0x3f: {  	_ =	shalt  }
0x40: {  	_ =	shalt  }
0x41: {  	_ =	shalt  }
0x42: {  	_ =	shalt  }
0x43: {  	_ =	shalt  }
0x44: {  	_ =	shalt  }
0x45: {  	_ =	shalt  }
0x46: {  	_ =	shalt  }
0x47: {  	_ =	shalt  }
0x48: {  	_ =	shalt  }
0x49: {  	_ =	shalt  }
0x4a: {  	_ =	shalt  }
0x4b: {  	_ =	shalt  }
0x4c: {  	_ =	shalt  }
0x4d: {  	_ =	shalt  }
0x4e: {  	_ =	shalt  }
0x4f: {  	_ =	shalt  }
0x50: {  	_ =	shalt  }
0x51: {  	_ =	shalt  }
0x52: {  	_ =	shalt  }
0x53: {  	_ =	shalt  }
0x54: {  	_ =	shalt  }
0x55: {  	_ =	shalt  }
0x56: {  	_ =	shalt  }
0x57: {  	_ =	shalt  }
0x58: {  	_ =	shalt  }
0x59: {  	_ =	shalt  }
0x5a: {  	_ =	shalt  }
0x5b: {  	_ =	shalt  }
0x5c: {  	_ =	shalt  }
0x5d: {  	_ =	shalt  }
0x5e: {  	_ =	shalt  }
0x5f: {  	_ =	shalt  }
0x60: {  	_ =	shalt  }
0x61: {  	_ =	shalt  }
0x62: {  	_ =	shalt  }
0x63: {  	_ =	shalt  }
0x64: {  	_ =	shalt  }
0x65: {  	_ =	shalt  }
0x66: {  	_ =	shalt  }
0x67: {  	_ =	shalt  }
0x68: {  	_ =	shalt  }
0x69: {  	_ =	shalt  }
0x6a: {  	_ =	shalt  }
0x6b: {  	_ =	shalt  }
0x6c: {  	_ =	shalt  }
0x6d: {  	_ =	shalt  }
0x6e: {  	_ =	shalt  }
0x6f: {  	_ =	shalt  }
0x70: {  	_ =	shalt  }
0x71: {  	_ =	shalt  }
0x72: {  	_ =	shalt  }
0x73: {  	_ =	shalt  }
0x74: {  	_ =	shalt  }
0x75: {  	_ =	shalt  }
0x76: {  	_ =	shalt  }
0x77: {  	_ =	shalt  }
0x78: {  	_ =	shalt  }
0x79: {  	_ =	shalt  }
0x7a: {  	_ =	shalt  }
0x7b: {  	_ =	shalt  }
0x7c: {  	_ =	shalt  }
0x7d: {  	_ =	shalt  }
0x7e: {  	_ =	shalt  }
0x7f: {  	_ =	shalt  }
0x80: {  	_ =	shalt  }
0x81: {  	_ =	shalt  }
0x82: {  	_ =	shalt  }
0x83: {  	_ =	shalt  }
0x84: {  	_ =	shalt  }
0x85: {  	_ =	shalt  }
0x86: {  	_ =	shalt  }
0x87: {  	_ =	shalt  }
.Lfunc_end0:
.L_simem_size_0:
called_computation_lowered:
.L_overlay_start_0:
0x88: {  	s2 =	sld [smem:$0x3FD9]  }
0x89: {  	s3 =	sld [smem:$0x3FFE];
	_ =	sdelay $0x1  }
0x8a: {  	s1 =	srdreg.scid  }
0x8b: {  	s0 =	sand.u32 $0x1, s1  }
0x8c: {  	s17 =	sshll.u32 s0, $0xA;
	s2 =	sadd.s32 s3, s2  }
0x8d: {  	s2 =	sadd.s32 s2, s17  }
0x8e: {  	[smem:$0x3FC5] =	sst s2  }
0x8f: {  	_ = 	snop  }
0x90: {  	s2 =	sld [smem:$0x3FD0];
	(tm) =	ssettm $0x1  }
0x91: {  	s18 =	sld [smem:$0x3FFB];
	_ =	sdelay $0x3  }
0x92: {  	_ =	strace s18  }
0x93: {  	s3 =	sld [smem:$0x3FFC];
	_ =	sdelay $0x3  }
0x94: {  	_ =	strace s3  }
0x95: {  	s3 =	sld [smem:$0x3FFD];
	_ =	sdelay $0x3  }
0x96: {  	_ =	strace s3  }
0x97: {  	_ =	strace $0x8FFFFFFF  }
0x98: {  	s19 =	sld [smem:$0x3FDB];
	_ =	sdelay $0x1  }
0x99: {  	s4 =	simm.s32 $_scs_section_size  }
0x9a: {  	s5 =	simm.s32 $_size__tile_overlayer_lowered;
	s6 =	simm.s32 $_tile_overlayer_lowered  }
0x9b: {  	s22 =	simm.s32 $0x1BFF;
	s21 =	sshll.u32 s6, $0x1;
	s3 =	sadd.s32 s4, s19  }
0x9c: {  	s7 =	simm.s32 $0x0;
	s20 =	sshll.u32 s5, $0x1;
	s5 =	sadd.s32 s21, s3  }
0x9d: {  	[timem:s7], [sflag:s22] =	dma.local [hbm:s5], s20  }
0x9e: {  	_ =	swait.ge [sflag:s22], s20  }
0x9f: {  	s4 =	ssub.s32 $0x0, s20;
	[sflag:s22] =	ssyncset.done $0x0  }
0xa0: {  	[sflag:s22] =	ssyncadd.s32 s4;
	_ =	sdelay $0x1  }
0xa1: {  	s23 =	simm.s32 $0x1B8B  }
0xa2: {  	_ =	swait.ge [sflag:s23], $0x1  }
0xa3: {  	[sflag:s23] =	ssyncset.done $0x0  }
0xa4: {  	s25 =	simm.s32 $0x1B8E;
	s24 =	sld [smem:$0x3FFE];
	[sflag:s23] =	ssyncadd.s32 $0xFFFFFFFF  }
0xa5: {  	s26 =	simm.s32 $execute0_lowered;
	[smem:$0x3FD2] =	sst s25  }
0xa6: {  	s5 =	sshll.u32 s26, $0x1;
	_ =	strace $0x80000046;
	[dreg:$0x1] =	wrdreg $0xFFFFFFFF  }
0xa7: {  	s28 =	simm.s32 $_size_execute0_lowered;
	s3 =	sadd.s32 s3, s5;
	[dreg:$0x0] =	wrdreg $0x0  }
0xa8: {  	s5 =	sshll.u32 s28, $0x1;
	[dreg:$0x2] =	wrdreg s3  }
0xa9: {  	[dreg:$0x3] =	wrdreg s5  }
0xaa: {  	[dreg:$0x4] =	wrdreg $0xC0  }
0xab: {  	_ =	task [dreg:s7], $0x5FFFF  }
0xac: {  	[dreg:$0x1] =	wrdreg $0xFFFFFFFF  }
0xad: {  	[dreg:$0x0] =	wrdreg $0x60  }
0xae: {  	[dreg:$0x2] =	wrdreg s24  }
0xaf: {  	[dreg:$0x3] =	wrdreg s2  }
0xb0: {  	[dreg:$0x4] =	wrdreg $0x0  }
0xb1: {  	[dreg:$0x5] =	wrdreg $0x9  }
0xb2: {  	_ =	task.clear_ibuf [dreg:s7], $0x6FFFF;
	_ =	strace $0x90000046  }
0xb3: {  	s29 =	simm.s32 $0x9;
	_ =	strace $0x80000048  }
0xb4: {  	_ =	swait.ge [sflag:s29], $0x1  }
0xb5: {  	[sflag:s29] =	ssyncadd.s32 $0xFFFFFFFF  }
0xb6: {  	_ =	strace $0x90000048  }
0xb7: {  	_ =	sfence  }
0xb8: {  	s30 =	sld [smem:$0x0];
	_ =	sdelay $0x2  }
0xb9: {  	s31 =	sshll.u32 s1, $0xD;
	s1 =	sshrl.u32 s1, $0x2  }
0xba: {  	s3 =	sand.u32 $0x4000, s31;
	s1 =	sadd.s32 s1, s30  }
0xbb: {  	s0 =	sor.u32 s3, s0;
	s1 =	sshll.u32 s1, $0x11  }
0xbc: {  	s0 =	sor.u32 s1, s0  }
0xbd: {  	s0 =	sadd.s32 $0x8F2B, s0  }
0xbe: {  	[sflag:s0] =	ssyncadd.remote.s32 $0x1  }
0xbf: {  	_ =	sfence.sel $0xFFFF  }
0xc0: {  	[dreg:$0x0] =	wrdreg $0xFFFFFFFF;
	(pc) =	sbr.abs _section_cstart, $3  }
0xc1: {  	[dreg:$0x1] =	wrdreg $0xFFFFFFFF  }
0xc2: {  	_ =	task.clear_ibuf [dreg:s7], $0x2FFFF;
	_ =	strace $0x9FFFFFFF  }
0xc3: {  	(tm) =	ssettm $0x7FFFFFFF  }
tec
execute0_lowered:
.L_overlay_start_1:
0x0: {  	(tag) =	ssettag $0x1  }
0x1: {  	s1 =	srdreg.scid  }
0x2: {  	s31 =	sand.u32 $0x1, s1  }
0x3: {  	s4 =	rddreg [dreg:$0x0];
	s0 =	stileid.u32;
	s1 =	sshll.u32 s31, $0x4  }
0x4: {  	s2 =	rddreg [dreg:$0x2];
	s3 =	simm.s32 $0x0;
	s1 =	sor.u32 s0, s1  }
0x5: {  	[smem:$0x7FF] =	sst s3;
	s5 =	sadd.s32 $0x14C00, s4;
	s1 =	smul.u32 $0x2710, s1  }
0x6: {  	s25 =	sadd.s32 $0x14A00, s4;
	s26 =	sshll.u32 s0, $0x6;
	_ =	strace $0x80000047  }
0x7: {  	[dreg:$0x4] =	wrdreg s5;
	s6 =	sshrl.u32 s1, $0x3;
	s1 =	smul.u32 $0x280, s0  }
0x8: {  	[dreg:$0x5] =	wrdreg s25;
	s5 =	simm.s32 $0x1;
	s30 =	sadd.s32 s6, s4  }
0x9: {  	s7 =	rddreg [dreg:$0x4];
	s0 =	sadd.s32 s1, s2;
	s6 =	sadd.s32 $0xAC00, s30  }
0xa: {  	s4 =	sor.u32 $0x1C01, s26;
	[dreg:$0x6] =	wrdreg s6;
	s6 =	sshrl.u32 s0, $0x3  }
0xb: {  	[spmem:s6], [sflag:s4] =	dma.local [hbm:s7], $0x50  }
0xc: {  	_ =	swait.ge [sflag:s5], $0x50  }
0xd: {  	[sflag:s5] =	ssyncset.done $0x0  }
0xe: {  	s7 =	simm.s32 $0xA80;
	s8 =	rddreg [dreg:$0x5];
	[sflag:s5] =	ssyncadd.s32 $0xFFFFFFB0  }
0xf: {  	[tilespmem:s7], [sflag:$0x1] =	stream.linear.gather [hbm4b:s8+s3], $0x80, $0x38;
	[tilespmem:$0xB00] =	vst v63  }
0x10: {  	_ =	swait.ge [sflag:s5], $0x80  }
0x11: {  	[sflag:s5] =	ssyncset.done $0x0  }
0x12: {  	[sflag:s5] =	ssyncadd.s32 $0xFFFFFF80  }
0x13: {  	[bflag:$0x0] =	sbarrier.arrive $0xFFFF  }
0x14: {  	s8 =	simm.s32 $0x280;
	s9 =	rddreg [dreg:$0x6]  }
0x15: {  	[tilespmem:s8], [sflag:$0x1] =	stream.linear.gather [hbm4b:s9+s3], $0x7D0, $0x38;
	[tilespmem:$0xB00] =	vst v63  }
0x16: {  	_ =	swait.ge [sflag:s5], $0x7D0  }
0x17: {  	[sflag:s5] =	ssyncset.done $0x0  }
0x18: {  	s9 =	simm.s32 $0x80;
	[sflag:s5] =	ssyncadd.s32 $0xFFFFF830  }
0x19: {  	[spmem:s2] =	stream.indirect.scatter.add.f32 [tilespmem:s7], [sflag:$0x1], $0x1, s8, s9, $0xb8;
	[tilespmem:$0xB00] =	vst v63  }
0x1a: {  	_ =	swait.ge [sflag:s5], $0x80  }
0x1b: {  	[sflag:s5] =	ssyncset.done $0x0  }
0x1c: {  	s10 =	simm.s32 $0x300;
	[sflag:s5] =	ssyncadd.s32 $0xFFFFFF80  }
0x1d: {  	[spmem:s2] =	stream.indirect.scatter.add.f32 [tilespmem:s7], [sflag:$0x1], $0x1, s10, s9, $0xb8;
	[tilespmem:$0xB00] =	vst v63  }
0x1e: {  	_ =	swait.ge [sflag:s5], $0x80  }
0x1f: {  	[sflag:s5] =	ssyncset.done $0x0  }
0x20: {  	s11 =	simm.s32 $0x380;
	[sflag:s5] =	ssyncadd.s32 $0xFFFFFF80  }
0x21: {  	[spmem:s2] =	stream.indirect.scatter.add.f32 [tilespmem:s7], [sflag:$0x1], $0x1, s11, s9, $0xb8;
	[tilespmem:$0xB00] =	vst v63  }
0x22: {  	_ =	swait.ge [sflag:s5], $0x80  }
0x23: {  	[sflag:s5] =	ssyncset.done $0x0  }
0x24: {  	s12 =	simm.s32 $0x400;
	[sflag:s5] =	ssyncadd.s32 $0xFFFFFF80  }
0x25: {  	[spmem:s2] =	stream.indirect.scatter.add.f32 [tilespmem:s7], [sflag:$0x1], $0x1, s12, s9, $0xb8;
	[tilespmem:$0xB00] =	vst v63  }
0x26: {  	_ =	swait.ge [sflag:s5], $0x80  }
0x27: {  	[sflag:s5] =	ssyncset.done $0x0  }
0x28: {  	s13 =	simm.s32 $0x480;
	[sflag:s5] =	ssyncadd.s32 $0xFFFFFF80  }
0x29: {  	[spmem:s2] =	stream.indirect.scatter.add.f32 [tilespmem:s7], [sflag:$0x1], $0x1, s13, s9, $0xb8;
	[tilespmem:$0xB00] =	vst v63  }
0x2a: {  	_ =	swait.ge [sflag:s5], $0x80  }
0x2b: {  	[sflag:s5] =	ssyncset.done $0x0  }
0x2c: {  	s14 =	simm.s32 $0x500;
	[sflag:s5] =	ssyncadd.s32 $0xFFFFFF80  }
0x2d: {  	[spmem:s2] =	stream.indirect.scatter.add.f32 [tilespmem:s7], [sflag:$0x1], $0x1, s14, s9, $0xb8;
	[tilespmem:$0xB00] =	vst v63  }
0x2e: {  	_ =	swait.ge [sflag:s5], $0x80  }
0x2f: {  	[sflag:s5] =	ssyncset.done $0x0  }
0x30: {  	s15 =	simm.s32 $0x580;
	[sflag:s5] =	ssyncadd.s32 $0xFFFFFF80  }
0x31: {  	[spmem:s2] =	stream.indirect.scatter.add.f32 [tilespmem:s7], [sflag:$0x1], $0x1, s15, s9, $0xb8;
	[tilespmem:$0xB00] =	vst v63  }
0x32: {  	_ =	swait.ge [sflag:s5], $0x80  }
0x33: {  	[sflag:s5] =	ssyncset.done $0x0  }
0x34: {  	s16 =	simm.s32 $0x600;
	[sflag:s5] =	ssyncadd.s32 $0xFFFFFF80  }
0x35: {  	[spmem:s2] =	stream.indirect.scatter.add.f32 [tilespmem:s7], [sflag:$0x1], $0x1, s16, s9, $0xb8;
	[tilespmem:$0xB00] =	vst v63  }
0x36: {  	_ =	swait.ge [sflag:s5], $0x80  }
0x37: {  	[sflag:s5] =	ssyncset.done $0x0  }
0x38: {  	s17 =	simm.s32 $0x680;
	[sflag:s5] =	ssyncadd.s32 $0xFFFFFF80  }
0x39: {  	[spmem:s2] =	stream.indirect.scatter.add.f32 [tilespmem:s7], [sflag:$0x1], $0x1, s17, s9, $0xb8;
	[tilespmem:$0xB00] =	vst v63  }
0x3a: {  	_ =	swait.ge [sflag:s5], $0x80  }
0x3b: {  	[sflag:s5] =	ssyncset.done $0x0  }
0x3c: {  	s18 =	simm.s32 $0x700;
	[sflag:s5] =	ssyncadd.s32 $0xFFFFFF80  }
0x3d: {  	[spmem:s2] =	stream.indirect.scatter.add.f32 [tilespmem:s7], [sflag:$0x1], $0x1, s18, s9, $0xb8;
	[tilespmem:$0xB00] =	vst v63  }
0x3e: {  	_ =	swait.ge [sflag:s5], $0x80  }
0x3f: {  	[sflag:s5] =	ssyncset.done $0x0  }
0x40: {  	s19 =	simm.s32 $0x780;
	[sflag:s5] =	ssyncadd.s32 $0xFFFFFF80  }
0x41: {  	[spmem:s2] =	stream.indirect.scatter.add.f32 [tilespmem:s7], [sflag:$0x1], $0x1, s19, s9, $0xb8;
	[tilespmem:$0xB00] =	vst v63  }
0x42: {  	_ =	swait.ge [sflag:s5], $0x80  }
0x43: {  	[sflag:s5] =	ssyncset.done $0x0  }
0x44: {  	s20 =	simm.s32 $0x800;
	[sflag:s5] =	ssyncadd.s32 $0xFFFFFF80  }
0x45: {  	[spmem:s2] =	stream.indirect.scatter.add.f32 [tilespmem:s7], [sflag:$0x1], $0x1, s20, s9, $0xb8;
	[tilespmem:$0xB00] =	vst v63  }
0x46: {  	_ =	swait.ge [sflag:s5], $0x80  }
0x47: {  	[sflag:s5] =	ssyncset.done $0x0  }
0x48: {  	s21 =	simm.s32 $0x880;
	[sflag:s5] =	ssyncadd.s32 $0xFFFFFF80  }
0x49: {  	[spmem:s2] =	stream.indirect.scatter.add.f32 [tilespmem:s7], [sflag:$0x1], $0x1, s21, s9, $0xb8;
	[tilespmem:$0xB00] =	vst v63  }
0x4a: {  	_ =	swait.ge [sflag:s5], $0x80  }
0x4b: {  	[sflag:s5] =	ssyncset.done $0x0  }
0x4c: {  	s22 =	simm.s32 $0x900;
	[sflag:s5] =	ssyncadd.s32 $0xFFFFFF80  }
0x4d: {  	[spmem:s2] =	stream.indirect.scatter.add.f32 [tilespmem:s7], [sflag:$0x1], $0x1, s22, s9, $0xb8;
	[tilespmem:$0xB00] =	vst v63  }
0x4e: {  	_ =	swait.ge [sflag:s5], $0x80  }
0x4f: {  	[sflag:s5] =	ssyncset.done $0x0  }
0x50: {  	s23 =	simm.s32 $0x980;
	[sflag:s5] =	ssyncadd.s32 $0xFFFFFF80  }
0x51: {  	[spmem:s2] =	stream.indirect.scatter.add.f32 [tilespmem:s7], [sflag:$0x1], $0x1, s23, s9, $0xb8;
	[tilespmem:$0xB00] =	vst v63  }
0x52: {  	_ =	swait.ge [sflag:s5], $0x80  }
0x53: {  	[sflag:s5] =	ssyncset.done $0x0  }
0x54: {  	s24 =	simm.s32 $0x50;
	s25 =	simm.s32 $0xA00;
	[sflag:s5] =	ssyncadd.s32 $0xFFFFFF80  }
0x55: {  	[spmem:s2] =	stream.indirect.scatter.add.f32 [tilespmem:s7], [sflag:$0x1], $0x1, s25, s24, $0xb8;
	[tilespmem:$0xB00] =	vst v63  }
0x56: {  	_ =	swait.ge [sflag:s5], $0x50  }
0x57: {  	[sflag:s5] =	ssyncset.done $0x0  }
0x58: {  	s26 =	sadd.s32 $0xACFA, s30;
	[sflag:s5] =	ssyncadd.s32 $0xFFFFFFB0  }
0x59: {  	[tilespmem:s8], [sflag:$0x1] =	stream.linear.gather [hbm4b:s26+s3], $0x7D0, $0x38;
	[tilespmem:$0xB00] =	vst v63  }
0x5a: {  	_ =	swait.ge [sflag:s5], $0x7D0  }
0x5b: {  	[sflag:s5] =	ssyncset.done $0x0  }
0x5c: {  	[sflag:s5] =	ssyncadd.s32 $0xFFFFF830  }
0x5d: {  	[spmem:s2] =	stream.indirect.scatter.add.f32 [tilespmem:s7], [sflag:$0x1], $0x1, s8, s9, $0xb8;
	[tilespmem:$0xB00] =	vst v63  }
0x5e: {  	_ =	swait.ge [sflag:s5], $0x80  }
0x5f: {  	[sflag:s5] =	ssyncset.done $0x0  }
0x60: {  	[sflag:s5] =	ssyncadd.s32 $0xFFFFFF80  }
0x61: {  	[spmem:s2] =	stream.indirect.scatter.add.f32 [tilespmem:s7], [sflag:$0x1], $0x1, s10, s9, $0xb8;
	[tilespmem:$0xB00] =	vst v63  }
0x62: {  	_ =	swait.ge [sflag:s5], $0x80  }
0x63: {  	[sflag:s5] =	ssyncset.done $0x0  }
0x64: {  	[sflag:s5] =	ssyncadd.s32 $0xFFFFFF80  }
0x65: {  	[spmem:s2] =	stream.indirect.scatter.add.f32 [tilespmem:s7], [sflag:$0x1], $0x1, s11, s9, $0xb8;
	[tilespmem:$0xB00] =	vst v63  }
0x66: {  	_ =	swait.ge [sflag:s5], $0x80  }
0x67: {  	[sflag:s5] =	ssyncset.done $0x0  }
0x68: {  	[sflag:s5] =	ssyncadd.s32 $0xFFFFFF80  }
0x69: {  	[spmem:s2] =	stream.indirect.scatter.add.f32 [tilespmem:s7], [sflag:$0x1], $0x1, s12, s9, $0xb8;
	[tilespmem:$0xB00] =	vst v63  }
0x6a: {  	_ =	swait.ge [sflag:s5], $0x80  }
0x6b: {  	[sflag:s5] =	ssyncset.done $0x0  }
0x6c: {  	[sflag:s5] =	ssyncadd.s32 $0xFFFFFF80  }
0x6d: {  	[spmem:s2] =	stream.indirect.scatter.add.f32 [tilespmem:s7], [sflag:$0x1], $0x1, s13, s9, $0xb8;
	[tilespmem:$0xB00] =	vst v63  }
0x6e: {  	_ =	swait.ge [sflag:s5], $0x80  }
0x6f: {  	[sflag:s5] =	ssyncset.done $0x0  }
0x70: {  	[sflag:s5] =	ssyncadd.s32 $0xFFFFFF80  }
0x71: {  	[spmem:s2] =	stream.indirect.scatter.add.f32 [tilespmem:s7], [sflag:$0x1], $0x1, s14, s9, $0xb8;
	[tilespmem:$0xB00] =	vst v63  }
0x72: {  	_ =	swait.ge [sflag:s5], $0x80  }
0x73: {  	[sflag:s5] =	ssyncset.done $0x0  }
0x74: {  	[sflag:s5] =	ssyncadd.s32 $0xFFFFFF80  }
0x75: {  	[spmem:s2] =	stream.indirect.scatter.add.f32 [tilespmem:s7], [sflag:$0x1], $0x1, s15, s9, $0xb8;
	[tilespmem:$0xB00] =	vst v63  }
0x76: {  	_ =	swait.ge [sflag:s5], $0x80  }
0x77: {  	[sflag:s5] =	ssyncset.done $0x0  }
0x78: {  	[sflag:s5] =	ssyncadd.s32 $0xFFFFFF80  }
0x79: {  	[spmem:s2] =	stream.indirect.scatter.add.f32 [tilespmem:s7], [sflag:$0x1], $0x1, s16, s9, $0xb8;
	[tilespmem:$0xB00] =	vst v63  }
0x7a: {  	_ =	swait.ge [sflag:s5], $0x80  }
0x7b: {  	[sflag:s5] =	ssyncset.done $0x0  }
0x7c: {  	[sflag:s5] =	ssyncadd.s32 $0xFFFFFF80  }
0x7d: {  	[spmem:s2] =	stream.indirect.scatter.add.f32 [tilespmem:s7], [sflag:$0x1], $0x1, s17, s9, $0xb8;
	[tilespmem:$0xB00] =	vst v63  }
0x7e: {  	_ =	swait.ge [sflag:s5], $0x80  }
0x7f: {  	[sflag:s5] =	ssyncset.done $0x0  }
0x80: {  	[sflag:s5] =	ssyncadd.s32 $0xFFFFFF80  }
0x81: {  	[spmem:s2] =	stream.indirect.scatter.add.f32 [tilespmem:s7], [sflag:$0x1], $0x1, s18, s9, $0xb8;
	[tilespmem:$0xB00] =	vst v63  }
0x82: {  	_ =	swait.ge [sflag:s5], $0x80  }
0x83: {  	[sflag:s5] =	ssyncset.done $0x0  }
0x84: {  	[sflag:s5] =	ssyncadd.s32 $0xFFFFFF80  }
0x85: {  	[spmem:s2] =	stream.indirect.scatter.add.f32 [tilespmem:s7], [sflag:$0x1], $0x1, s19, s9, $0xb8;
	[tilespmem:$0xB00] =	vst v63  }
0x86: {  	_ =	swait.ge [sflag:s5], $0x80  }
0x87: {  	[sflag:s5] =	ssyncset.done $0x0  }
0x88: {  	[sflag:s5] =	ssyncadd.s32 $0xFFFFFF80  }
0x89: {  	[spmem:s2] =	stream.indirect.scatter.add.f32 [tilespmem:s7], [sflag:$0x1], $0x1, s20, s9, $0xb8;
	[tilespmem:$0xB00] =	vst v63  }
0x8a: {  	_ =	swait.ge [sflag:s5], $0x80  }
0x8b: {  	[sflag:s5] =	ssyncset.done $0x0  }
0x8c: {  	[sflag:s5] =	ssyncadd.s32 $0xFFFFFF80  }
0x8d: {  	[spmem:s2] =	stream.indirect.scatter.add.f32 [tilespmem:s7], [sflag:$0x1], $0x1, s21, s9, $0xb8;
	[tilespmem:$0xB00] =	vst v63  }
0x8e: {  	_ =	swait.ge [sflag:s5], $0x80  }
0x8f: {  	[sflag:s5] =	ssyncset.done $0x0  }
0x90: {  	[sflag:s5] =	ssyncadd.s32 $0xFFFFFF80  }
0x91: {  	[spmem:s2] =	stream.indirect.scatter.add.f32 [tilespmem:s7], [sflag:$0x1], $0x1, s22, s9, $0xb8;
	[tilespmem:$0xB00] =	vst v63  }
0x92: {  	_ =	swait.ge [sflag:s5], $0x80  }
0x93: {  	[sflag:s5] =	ssyncset.done $0x0  }
0x94: {  	[sflag:s5] =	ssyncadd.s32 $0xFFFFFF80  }
0x95: {  	[spmem:s2] =	stream.indirect.scatter.add.f32 [tilespmem:s7], [sflag:$0x1], $0x1, s23, s9, $0xb8;
	[tilespmem:$0xB00] =	vst v63  }
0x96: {  	_ =	swait.ge [sflag:s5], $0x80  }
0x97: {  	[sflag:s5] =	ssyncset.done $0x0  }
0x98: {  	[sflag:s5] =	ssyncadd.s32 $0xFFFFFF80  }
0x99: {  	[spmem:s2] =	stream.indirect.scatter.add.f32 [tilespmem:s7], [sflag:$0x1], $0x1, s25, s24, $0xb8;
	[tilespmem:$0xB00] =	vst v63  }
0x9a: {  	_ =	swait.ge [sflag:s5], $0x50  }
0x9b: {  	[sflag:s5] =	ssyncset.done $0x0  }
0x9c: {  	s28 =	sadd.s32 $0xADF4, s30;
	[sflag:s5] =	ssyncadd.s32 $0xFFFFFFB0  }
0x9d: {  	[tilespmem:s8], [sflag:$0x1] =	stream.linear.gather [hbm4b:s28+s3], $0x7D0, $0x38;
	[tilespmem:$0xB00] =	vst v63  }
0x9e: {  	_ =	swait.ge [sflag:s5], $0x7D0  }
0x9f: {  	[sflag:s5] =	ssyncset.done $0x0  }
0xa0: {  	[sflag:s5] =	ssyncadd.s32 $0xFFFFF830  }
0xa1: {  	[spmem:s2] =	stream.indirect.scatter.add.f32 [tilespmem:s7], [sflag:$0x1], $0x1, s8, s9, $0xb8;
	[tilespmem:$0xB00] =	vst v63  }
0xa2: {  	_ =	swait.ge [sflag:s5], $0x80  }
0xa3: {  	[sflag:s5] =	ssyncset.done $0x0  }
0xa4: {  	[sflag:s5] =	ssyncadd.s32 $0xFFFFFF80  }
0xa5: {  	[spmem:s2] =	stream.indirect.scatter.add.f32 [tilespmem:s7], [sflag:$0x1], $0x1, s10, s9, $0xb8;
	[tilespmem:$0xB00] =	vst v63  }
0xa6: {  	_ =	swait.ge [sflag:s5], $0x80  }
0xa7: {  	[sflag:s5] =	ssyncset.done $0x0  }
0xa8: {  	[sflag:s5] =	ssyncadd.s32 $0xFFFFFF80  }
0xa9: {  	[spmem:s2] =	stream.indirect.scatter.add.f32 [tilespmem:s7], [sflag:$0x1], $0x1, s11, s9, $0xb8;
	[tilespmem:$0xB00] =	vst v63  }
0xaa: {  	_ =	swait.ge [sflag:s5], $0x80  }
0xab: {  	[sflag:s5] =	ssyncset.done $0x0  }
0xac: {  	[sflag:s5] =	ssyncadd.s32 $0xFFFFFF80  }
0xad: {  	[spmem:s2] =	stream.indirect.scatter.add.f32 [tilespmem:s7], [sflag:$0x1], $0x1, s12, s9, $0xb8;
	[tilespmem:$0xB00] =	vst v63  }
0xae: {  	_ =	swait.ge [sflag:s5], $0x80  }
0xaf: {  	[sflag:s5] =	ssyncset.done $0x0  }
0xb0: {  	[sflag:s5] =	ssyncadd.s32 $0xFFFFFF80  }
0xb1: {  	[spmem:s2] =	stream.indirect.scatter.add.f32 [tilespmem:s7], [sflag:$0x1], $0x1, s13, s9, $0xb8;
	[tilespmem:$0xB00] =	vst v63  }
0xb2: {  	_ =	swait.ge [sflag:s5], $0x80  }
0xb3: {  	[sflag:s5] =	ssyncset.done $0x0  }
0xb4: {  	[sflag:s5] =	ssyncadd.s32 $0xFFFFFF80  }
0xb5: {  	[spmem:s2] =	stream.indirect.scatter.add.f32 [tilespmem:s7], [sflag:$0x1], $0x1, s14, s9, $0xb8;
	[tilespmem:$0xB00] =	vst v63  }
0xb6: {  	_ =	swait.ge [sflag:s5], $0x80  }
0xb7: {  	[sflag:s5] =	ssyncset.done $0x0  }
0xb8: {  	[sflag:s5] =	ssyncadd.s32 $0xFFFFFF80  }
0xb9: {  	[spmem:s2] =	stream.indirect.scatter.add.f32 [tilespmem:s7], [sflag:$0x1], $0x1, s15, s9, $0xb8;
	[tilespmem:$0xB00] =	vst v63  }
0xba: {  	_ =	swait.ge [sflag:s5], $0x80  }
0xbb: {  	[sflag:s5] =	ssyncset.done $0x0  }
0xbc: {  	[sflag:s5] =	ssyncadd.s32 $0xFFFFFF80  }
0xbd: {  	[spmem:s2] =	stream.indirect.scatter.add.f32 [tilespmem:s7], [sflag:$0x1], $0x1, s16, s9, $0xb8;
	[tilespmem:$0xB00] =	vst v63  }
0xbe: {  	_ =	swait.ge [sflag:s5], $0x80  }
0xbf: {  	[sflag:s5] =	ssyncset.done $0x0  }
0xc0: {  	[sflag:s5] =	ssyncadd.s32 $0xFFFFFF80  }
0xc1: {  	[spmem:s2] =	stream.indirect.scatter.add.f32 [tilespmem:s7], [sflag:$0x1], $0x1, s17, s9, $0xb8;
	[tilespmem:$0xB00] =	vst v63  }
0xc2: {  	_ =	swait.ge [sflag:s5], $0x80  }
0xc3: {  	[sflag:s5] =	ssyncset.done $0x0  }
0xc4: {  	[sflag:s5] =	ssyncadd.s32 $0xFFFFFF80  }
0xc5: {  	[spmem:s2] =	stream.indirect.scatter.add.f32 [tilespmem:s7], [sflag:$0x1], $0x1, s18, s9, $0xb8;
	[tilespmem:$0xB00] =	vst v63  }
0xc6: {  	_ =	swait.ge [sflag:s5], $0x80  }
0xc7: {  	[sflag:s5] =	ssyncset.done $0x0  }
0xc8: {  	[sflag:s5] =	ssyncadd.s32 $0xFFFFFF80  }
0xc9: {  	[spmem:s2] =	stream.indirect.scatter.add.f32 [tilespmem:s7], [sflag:$0x1], $0x1, s19, s9, $0xb8;
	[tilespmem:$0xB00] =	vst v63  }
0xca: {  	_ =	swait.ge [sflag:s5], $0x80  }
0xcb: {  	[sflag:s5] =	ssyncset.done $0x0  }
0xcc: {  	[sflag:s5] =	ssyncadd.s32 $0xFFFFFF80  }
0xcd: {  	[spmem:s2] =	stream.indirect.scatter.add.f32 [tilespmem:s7], [sflag:$0x1], $0x1, s20, s9, $0xb8;
	[tilespmem:$0xB00] =	vst v63  }
0xce: {  	_ =	swait.ge [sflag:s5], $0x80  }
0xcf: {  	[sflag:s5] =	ssyncset.done $0x0  }
0xd0: {  	[sflag:s5] =	ssyncadd.s32 $0xFFFFFF80  }
0xd1: {  	[spmem:s2] =	stream.indirect.scatter.add.f32 [tilespmem:s7], [sflag:$0x1], $0x1, s21, s9, $0xb8;
	[tilespmem:$0xB00] =	vst v63  }
0xd2: {  	_ =	swait.ge [sflag:s5], $0x80  }
0xd3: {  	[sflag:s5] =	ssyncset.done $0x0  }
0xd4: {  	[sflag:s5] =	ssyncadd.s32 $0xFFFFFF80  }
0xd5: {  	[spmem:s2] =	stream.indirect.scatter.add.f32 [tilespmem:s7], [sflag:$0x1], $0x1, s22, s9, $0xb8;
	[tilespmem:$0xB00] =	vst v63  }
0xd6: {  	_ =	swait.ge [sflag:s5], $0x80  }
0xd7: {  	[sflag:s5] =	ssyncset.done $0x0  }
0xd8: {  	[sflag:s5] =	ssyncadd.s32 $0xFFFFFF80  }
0xd9: {  	[spmem:s2] =	stream.indirect.scatter.add.f32 [tilespmem:s7], [sflag:$0x1], $0x1, s23, s9, $0xb8;
	[tilespmem:$0xB00] =	vst v63  }
0xda: {  	_ =	swait.ge [sflag:s5], $0x80  }
0xdb: {  	[sflag:s5] =	ssyncset.done $0x0  }
0xdc: {  	[sflag:s5] =	ssyncadd.s32 $0xFFFFFF80  }
0xdd: {  	[spmem:s2] =	stream.indirect.scatter.add.f32 [tilespmem:s7], [sflag:$0x1], $0x1, s25, s24, $0xb8;
	[tilespmem:$0xB00] =	vst v63  }
0xde: {  	_ =	swait.ge [sflag:s5], $0x50  }
0xdf: {  	[sflag:s5] =	ssyncset.done $0x0  }
0xe0: {  	s29 =	sadd.s32 $0xAEEE, s30;
	[sflag:s5] =	ssyncadd.s32 $0xFFFFFFB0  }
0xe1: {  	[tilespmem:s8], [sflag:$0x1] =	stream.linear.gather [hbm4b:s29+s3], $0x7D0, $0x38;
	[tilespmem:$0xB00] =	vst v63  }
0xe2: {  	_ =	swait.ge [sflag:s5], $0x7D0  }
0xe3: {  	[sflag:s5] =	ssyncset.done $0x0  }
0xe4: {  	[sflag:s5] =	ssyncadd.s32 $0xFFFFF830  }
0xe5: {  	[spmem:s2] =	stream.indirect.scatter.add.f32 [tilespmem:s7], [sflag:$0x1], $0x1, s8, s9, $0xb8;
	[tilespmem:$0xB00] =	vst v63  }
0xe6: {  	_ =	swait.ge [sflag:s5], $0x80  }
0xe7: {  	[sflag:s5] =	ssyncset.done $0x0  }
0xe8: {  	[sflag:s5] =	ssyncadd.s32 $0xFFFFFF80  }
0xe9: {  	[spmem:s2] =	stream.indirect.scatter.add.f32 [tilespmem:s7], [sflag:$0x1], $0x1, s10, s9, $0xb8;
	[tilespmem:$0xB00] =	vst v63  }
0xea: {  	_ =	swait.ge [sflag:s5], $0x80  }
0xeb: {  	[sflag:s5] =	ssyncset.done $0x0  }
0xec: {  	[sflag:s5] =	ssyncadd.s32 $0xFFFFFF80  }
0xed: {  	[spmem:s2] =	stream.indirect.scatter.add.f32 [tilespmem:s7], [sflag:$0x1], $0x1, s11, s9, $0xb8;
	[tilespmem:$0xB00] =	vst v63  }
0xee: {  	_ =	swait.ge [sflag:s5], $0x80  }
0xef: {  	[sflag:s5] =	ssyncset.done $0x0  }
0xf0: {  	[sflag:s5] =	ssyncadd.s32 $0xFFFFFF80  }
0xf1: {  	[spmem:s2] =	stream.indirect.scatter.add.f32 [tilespmem:s7], [sflag:$0x1], $0x1, s12, s9, $0xb8;
	[tilespmem:$0xB00] =	vst v63  }
0xf2: {  	_ =	swait.ge [sflag:s5], $0x80  }
0xf3: {  	[sflag:s5] =	ssyncset.done $0x0  }
0xf4: {  	[sflag:s5] =	ssyncadd.s32 $0xFFFFFF80  }
0xf5: {  	[spmem:s2] =	stream.indirect.scatter.add.f32 [tilespmem:s7], [sflag:$0x1], $0x1, s13, s9, $0xb8;
	[tilespmem:$0xB00] =	vst v63  }
0xf6: {  	_ =	swait.ge [sflag:s5], $0x80  }
0xf7: {  	[sflag:s5] =	ssyncset.done $0x0  }
0xf8: {  	[sflag:s5] =	ssyncadd.s32 $0xFFFFFF80  }
0xf9: {  	[spmem:s2] =	stream.indirect.scatter.add.f32 [tilespmem:s7], [sflag:$0x1], $0x1, s14, s9, $0xb8;
	[tilespmem:$0xB00] =	vst v63  }
0xfa: {  	_ =	swait.ge [sflag:s5], $0x80  }
0xfb: {  	[sflag:s5] =	ssyncset.done $0x0  }
0xfc: {  	[sflag:s5] =	ssyncadd.s32 $0xFFFFFF80  }
0xfd: {  	[spmem:s2] =	stream.indirect.scatter.add.f32 [tilespmem:s7], [sflag:$0x1], $0x1, s15, s9, $0xb8;
	[tilespmem:$0xB00] =	vst v63  }
0xfe: {  	_ =	swait.ge [sflag:s5], $0x80  }
0xff: {  	[sflag:s5] =	ssyncset.done $0x0  }
0x100: {  	[sflag:s5] =	ssyncadd.s32 $0xFFFFFF80  }
0x101: {  	[spmem:s2] =	stream.indirect.scatter.add.f32 [tilespmem:s7], [sflag:$0x1], $0x1, s16, s9, $0xb8;
	[tilespmem:$0xB00] =	vst v63  }
0x102: {  	_ =	swait.ge [sflag:s5], $0x80  }
0x103: {  	[sflag:s5] =	ssyncset.done $0x0  }
0x104: {  	[sflag:s5] =	ssyncadd.s32 $0xFFFFFF80  }
0x105: {  	[spmem:s2] =	stream.indirect.scatter.add.f32 [tilespmem:s7], [sflag:$0x1], $0x1, s17, s9, $0xb8;
	[tilespmem:$0xB00] =	vst v63  }
0x106: {  	_ =	swait.ge [sflag:s5], $0x80  }
0x107: {  	[sflag:s5] =	ssyncset.done $0x0  }
0x108: {  	[sflag:s5] =	ssyncadd.s32 $0xFFFFFF80  }
0x109: {  	[spmem:s2] =	stream.indirect.scatter.add.f32 [tilespmem:s7], [sflag:$0x1], $0x1, s18, s9, $0xb8;
	[tilespmem:$0xB00] =	vst v63  }
0x10a: {  	_ =	swait.ge [sflag:s5], $0x80  }
0x10b: {  	[sflag:s5] =	ssyncset.done $0x0  }
0x10c: {  	[sflag:s5] =	ssyncadd.s32 $0xFFFFFF80  }
0x10d: {  	[spmem:s2] =	stream.indirect.scatter.add.f32 [tilespmem:s7], [sflag:$0x1], $0x1, s19, s9, $0xb8;
	[tilespmem:$0xB00] =	vst v63  }
0x10e: {  	_ =	swait.ge [sflag:s5], $0x80  }
0x10f: {  	[sflag:s5] =	ssyncset.done $0x0  }
0x110: {  	[sflag:s5] =	ssyncadd.s32 $0xFFFFFF80  }
0x111: {  	[spmem:s2] =	stream.indirect.scatter.add.f32 [tilespmem:s7], [sflag:$0x1], $0x1, s20, s9, $0xb8;
	[tilespmem:$0xB00] =	vst v63  }
0x112: {  	_ =	swait.ge [sflag:s5], $0x80  }
0x113: {  	[sflag:s5] =	ssyncset.done $0x0  }
0x114: {  	[sflag:s5] =	ssyncadd.s32 $0xFFFFFF80  }
0x115: {  	[spmem:s2] =	stream.indirect.scatter.add.f32 [tilespmem:s7], [sflag:$0x1], $0x1, s21, s9, $0xb8;
	[tilespmem:$0xB00] =	vst v63  }
0x116: {  	_ =	swait.ge [sflag:s5], $0x80  }
0x117: {  	[sflag:s5] =	ssyncset.done $0x0  }
0x118: {  	[sflag:s5] =	ssyncadd.s32 $0xFFFFFF80  }
0x119: {  	[spmem:s2] =	stream.indirect.scatter.add.f32 [tilespmem:s7], [sflag:$0x1], $0x1, s22, s9, $0xb8;
	[tilespmem:$0xB00] =	vst v63  }
0x11a: {  	_ =	swait.ge [sflag:s5], $0x80  }
0x11b: {  	[sflag:s5] =	ssyncset.done $0x0  }
0x11c: {  	[sflag:s5] =	ssyncadd.s32 $0xFFFFFF80  }
0x11d: {  	[spmem:s2] =	stream.indirect.scatter.add.f32 [tilespmem:s7], [sflag:$0x1], $0x1, s23, s9, $0xb8;
	[tilespmem:$0xB00] =	vst v63  }
0x11e: {  	_ =	swait.ge [sflag:s5], $0x80  }
0x11f: {  	[sflag:s5] =	ssyncset.done $0x0  }
0x120: {  	[sflag:s5] =	ssyncadd.s32 $0xFFFFFF80  }
0x121: {  	[spmem:s2] =	stream.indirect.scatter.add.f32 [tilespmem:s7], [sflag:$0x1], $0x1, s25, s24, $0xb8;
	[tilespmem:$0xB00] =	vst v63  }
0x122: {  	_ =	swait.ge [sflag:s5], $0x50  }
0x123: {  	[sflag:s5] =	ssyncset.done $0x0  }
0x124: {  	s30 =	sadd.s32 $0xAFE8, s30;
	[sflag:s5] =	ssyncadd.s32 $0xFFFFFFB0  }
0x125: {  	[tilespmem:s8], [sflag:$0x1] =	stream.linear.gather [hbm4b:s30+s3], $0x7D0, $0x38;
	[tilespmem:$0xB00] =	vst v63  }
0x126: {  	_ =	swait.ge [sflag:s5], $0x7D0  }
0x127: {  	[sflag:s5] =	ssyncset.done $0x0  }
0x128: {  	[sflag:s5] =	ssyncadd.s32 $0xFFFFF830  }
0x129: {  	[spmem:s2] =	stream.indirect.scatter.add.f32 [tilespmem:s7], [sflag:$0x1], $0x1, s8, s9, $0xb8;
	[tilespmem:$0xB00] =	vst v63  }
0x12a: {  	_ =	swait.ge [sflag:s5], $0x80  }
0x12b: {  	[sflag:s5] =	ssyncset.done $0x0  }
0x12c: {  	[sflag:s5] =	ssyncadd.s32 $0xFFFFFF80  }
0x12d: {  	[spmem:s2] =	stream.indirect.scatter.add.f32 [tilespmem:s7], [sflag:$0x1], $0x1, s10, s9, $0xb8;
	[tilespmem:$0xB00] =	vst v63  }
0x12e: {  	_ =	swait.ge [sflag:s5], $0x80  }
0x12f: {  	[sflag:s5] =	ssyncset.done $0x0  }
0x130: {  	[sflag:s5] =	ssyncadd.s32 $0xFFFFFF80  }
0x131: {  	[spmem:s2] =	stream.indirect.scatter.add.f32 [tilespmem:s7], [sflag:$0x1], $0x1, s11, s9, $0xb8;
	[tilespmem:$0xB00] =	vst v63  }
0x132: {  	_ =	swait.ge [sflag:s5], $0x80  }
0x133: {  	[sflag:s5] =	ssyncset.done $0x0  }
0x134: {  	[sflag:s5] =	ssyncadd.s32 $0xFFFFFF80  }
0x135: {  	[spmem:s2] =	stream.indirect.scatter.add.f32 [tilespmem:s7], [sflag:$0x1], $0x1, s12, s9, $0xb8;
	[tilespmem:$0xB00] =	vst v63  }
0x136: {  	_ =	swait.ge [sflag:s5], $0x80  }
0x137: {  	[sflag:s5] =	ssyncset.done $0x0  }
0x138: {  	[sflag:s5] =	ssyncadd.s32 $0xFFFFFF80  }
0x139: {  	[spmem:s2] =	stream.indirect.scatter.add.f32 [tilespmem:s7], [sflag:$0x1], $0x1, s13, s9, $0xb8;
	[tilespmem:$0xB00] =	vst v63  }
0x13a: {  	_ =	swait.ge [sflag:s5], $0x80  }
0x13b: {  	[sflag:s5] =	ssyncset.done $0x0  }
0x13c: {  	[sflag:s5] =	ssyncadd.s32 $0xFFFFFF80  }
0x13d: {  	[spmem:s2] =	stream.indirect.scatter.add.f32 [tilespmem:s7], [sflag:$0x1], $0x1, s14, s9, $0xb8;
	[tilespmem:$0xB00] =	vst v63  }
0x13e: {  	_ =	swait.ge [sflag:s5], $0x80  }
0x13f: {  	[sflag:s5] =	ssyncset.done $0x0  }
0x140: {  	[sflag:s5] =	ssyncadd.s32 $0xFFFFFF80  }
0x141: {  	[spmem:s2] =	stream.indirect.scatter.add.f32 [tilespmem:s7], [sflag:$0x1], $0x1, s15, s9, $0xb8;
	[tilespmem:$0xB00] =	vst v63  }
0x142: {  	_ =	swait.ge [sflag:s5], $0x80  }
0x143: {  	[sflag:s5] =	ssyncset.done $0x0  }
0x144: {  	[sflag:s5] =	ssyncadd.s32 $0xFFFFFF80  }
0x145: {  	[spmem:s2] =	stream.indirect.scatter.add.f32 [tilespmem:s7], [sflag:$0x1], $0x1, s16, s9, $0xb8;
	[tilespmem:$0xB00] =	vst v63  }
0x146: {  	_ =	swait.ge [sflag:s5], $0x80  }
0x147: {  	[sflag:s5] =	ssyncset.done $0x0  }
0x148: {  	[sflag:s5] =	ssyncadd.s32 $0xFFFFFF80  }
0x149: {  	[spmem:s2] =	stream.indirect.scatter.add.f32 [tilespmem:s7], [sflag:$0x1], $0x1, s17, s9, $0xb8;
	[tilespmem:$0xB00] =	vst v63  }
0x14a: {  	_ =	swait.ge [sflag:s5], $0x80  }
0x14b: {  	[sflag:s5] =	ssyncset.done $0x0  }
0x14c: {  	[sflag:s5] =	ssyncadd.s32 $0xFFFFFF80  }
0x14d: {  	[spmem:s2] =	stream.indirect.scatter.add.f32 [tilespmem:s7], [sflag:$0x1], $0x1, s18, s9, $0xb8;
	[tilespmem:$0xB00] =	vst v63  }
0x14e: {  	_ =	swait.ge [sflag:s5], $0x80  }
0x14f: {  	[sflag:s5] =	ssyncset.done $0x0  }
0x150: {  	[sflag:s5] =	ssyncadd.s32 $0xFFFFFF80  }
0x151: {  	[spmem:s2] =	stream.indirect.scatter.add.f32 [tilespmem:s7], [sflag:$0x1], $0x1, s19, s9, $0xb8;
	[tilespmem:$0xB00] =	vst v63  }
0x152: {  	_ =	swait.ge [sflag:s5], $0x80  }
0x153: {  	[sflag:s5] =	ssyncset.done $0x0  }
0x154: {  	[sflag:s5] =	ssyncadd.s32 $0xFFFFFF80  }
0x155: {  	[spmem:s2] =	stream.indirect.scatter.add.f32 [tilespmem:s7], [sflag:$0x1], $0x1, s20, s9, $0xb8;
	[tilespmem:$0xB00] =	vst v63  }
0x156: {  	_ =	swait.ge [sflag:s5], $0x80  }
0x157: {  	[sflag:s5] =	ssyncset.done $0x0  }
0x158: {  	[sflag:s5] =	ssyncadd.s32 $0xFFFFFF80  }
0x159: {  	[spmem:s2] =	stream.indirect.scatter.add.f32 [tilespmem:s7], [sflag:$0x1], $0x1, s21, s9, $0xb8;
	[tilespmem:$0xB00] =	vst v63  }
0x15a: {  	_ =	swait.ge [sflag:s5], $0x80  }
0x15b: {  	[sflag:s5] =	ssyncset.done $0x0  }
0x15c: {  	[sflag:s5] =	ssyncadd.s32 $0xFFFFFF80  }
0x15d: {  	[spmem:s2] =	stream.indirect.scatter.add.f32 [tilespmem:s7], [sflag:$0x1], $0x1, s22, s9, $0xb8;
	[tilespmem:$0xB00] =	vst v63  }
0x15e: {  	_ =	swait.ge [sflag:s5], $0x80  }
0x15f: {  	[sflag:s5] =	ssyncset.done $0x0  }
0x160: {  	s0 =	smul.u32 $0x2800, s31;
	[sflag:s5] =	ssyncadd.s32 $0xFFFFFF80  }
0x161: {  	[spmem:s2] =	stream.indirect.scatter.add.f32 [tilespmem:s7], [sflag:$0x1], $0x1, s23, s9, $0xb8;
	[tilespmem:$0xB00] =	vst v63  }
0x162: {  	s31 =	ssub.s32 $0x2, s31;
	_ =	swait.ge [sflag:s5], $0x80  }
0x163: {  	s0 =	sadd.s32 s1, s0;
	s1 =	sshrl.u32 s31, $0x1;
	[sflag:s5] =	ssyncset.done $0x0  }
0x164: {  	s1 =	ssub.s32 s31, s1;
	[sflag:s5] =	ssyncadd.s32 $0xFFFFFF80  }
0x165: {  	[spmem:s2] =	stream.indirect.scatter.add.f32 [tilespmem:s7], [sflag:$0x1], $0x1, s25, s24, $0xb8;
	[tilespmem:$0xB00] =	vst v63  }
0x166: {  	s1 =	smax.u32 s1, $0x1;
	_ =	swait.ge [sflag:s5], $0x50  }
0x167: {  	p0 =	sne.s32 s1, $0x1;
	[sflag:s5] =	ssyncset.done $0x0  }
.Ltmp0:
0x168: {  	[sflag:s5] =	ssyncadd.s32 $0xFFFFFFB0;
	(pc) =	sbr.rel @!p0 .LBB2_2-.Ltmp0, $4  }
0x169: {  	s0 =	sshrl.u32 s0, $0x3;
	s31 =	rddreg [dreg:$0x1]  }
0x16a: {  	[bflag:$0x0] =	sbarrier.arrive $0xFFFF;
	s31 =	sadd.s32 s31, s0  }
0x16b: {  	[hbm:s31], [sflag:s4] =	dma.local [spmem:s6], $0x50  }
0x16c: {  	s0 =	sadd.s32 $0xFFFFFFFF, s1;
	_ =	swait.ge [sflag:s5], $0x50  }
.LBB2_1:
0x16d: {  	[sflag:s5] =	ssyncset.done $0x0  }
0x16e: {  	s1 =	rddreg [dreg:$0x4];
	[sflag:s5] =	ssyncadd.s32 $0xFFFFFFB0  }
0x16f: {  	[spmem:s6], [sflag:s4] =	dma.local [hbm:s1], $0x50  }
0x170: {  	_ =	swait.ge [sflag:s5], $0x50  }
0x171: {  	[sflag:s5] =	ssyncset.done $0x0  }
0x172: {  	s1 =	rddreg [dreg:$0x5];
	[sflag:s5] =	ssyncadd.s32 $0xFFFFFFB0  }
0x173: {  	[tilespmem:s7], [sflag:$0x1] =	stream.linear.gather [hbm4b:s1+s3], $0x80, $0x38;
	[tilespmem:$0xB00] =	vst v63  }
0x174: {  	_ =	swait.ge [sflag:s5], $0x80  }
0x175: {  	[sflag:s5] =	ssyncset.done $0x0  }
0x176: {  	[sflag:s5] =	ssyncadd.s32 $0xFFFFFF80  }
0x177: {  	[bflag:$0x0] =	sbarrier.arrive $0xFFFF  }
0x178: {  	s1 =	rddreg [dreg:$0x6]  }
0x179: {  	[tilespmem:s8], [sflag:$0x1] =	stream.linear.gather [hbm4b:s1+s3], $0x7D0, $0x38;
	[tilespmem:$0xB00] =	vst v63  }
0x17a: {  	_ =	swait.ge [sflag:s5], $0x7D0  }
0x17b: {  	[sflag:s5] =	ssyncset.done $0x0  }
0x17c: {  	[sflag:s5] =	ssyncadd.s32 $0xFFFFF830  }
0x17d: {  	[spmem:s2] =	stream.indirect.scatter.add.f32 [tilespmem:s7], [sflag:$0x1], $0x1, s8, s9, $0xb8;
	[tilespmem:$0xB00] =	vst v63  }
0x17e: {  	_ =	swait.ge [sflag:s5], $0x80  }
0x17f: {  	[sflag:s5] =	ssyncset.done $0x0  }
0x180: {  	[sflag:s5] =	ssyncadd.s32 $0xFFFFFF80  }
0x181: {  	[spmem:s2] =	stream.indirect.scatter.add.f32 [tilespmem:s7], [sflag:$0x1], $0x1, s10, s9, $0xb8;
	[tilespmem:$0xB00] =	vst v63  }
0x182: {  	_ =	swait.ge [sflag:s5], $0x80  }
0x183: {  	[sflag:s5] =	ssyncset.done $0x0  }
0x184: {  	[sflag:s5] =	ssyncadd.s32 $0xFFFFFF80  }
0x185: {  	[spmem:s2] =	stream.indirect.scatter.add.f32 [tilespmem:s7], [sflag:$0x1], $0x1, s11, s9, $0xb8;
	[tilespmem:$0xB00] =	vst v63  }
0x186: {  	_ =	swait.ge [sflag:s5], $0x80  }
0x187: {  	[sflag:s5] =	ssyncset.done $0x0  }
0x188: {  	[sflag:s5] =	ssyncadd.s32 $0xFFFFFF80  }
0x189: {  	[spmem:s2] =	stream.indirect.scatter.add.f32 [tilespmem:s7], [sflag:$0x1], $0x1, s12, s9, $0xb8;
	[tilespmem:$0xB00] =	vst v63  }
0x18a: {  	_ =	swait.ge [sflag:s5], $0x80  }
0x18b: {  	[sflag:s5] =	ssyncset.done $0x0  }
0x18c: {  	[sflag:s5] =	ssyncadd.s32 $0xFFFFFF80  }
0x18d: {  	[spmem:s2] =	stream.indirect.scatter.add.f32 [tilespmem:s7], [sflag:$0x1], $0x1, s13, s9, $0xb8;
	[tilespmem:$0xB00] =	vst v63  }
0x18e: {  	_ =	swait.ge [sflag:s5], $0x80  }
0x18f: {  	[sflag:s5] =	ssyncset.done $0x0  }
0x190: {  	[sflag:s5] =	ssyncadd.s32 $0xFFFFFF80  }
0x191: {  	[spmem:s2] =	stream.indirect.scatter.add.f32 [tilespmem:s7], [sflag:$0x1], $0x1, s14, s9, $0xb8;
	[tilespmem:$0xB00] =	vst v63  }
0x192: {  	_ =	swait.ge [sflag:s5], $0x80  }
0x193: {  	[sflag:s5] =	ssyncset.done $0x0  }
0x194: {  	[sflag:s5] =	ssyncadd.s32 $0xFFFFFF80  }
0x195: {  	[spmem:s2] =	stream.indirect.scatter.add.f32 [tilespmem:s7], [sflag:$0x1], $0x1, s15, s9, $0xb8;
	[tilespmem:$0xB00] =	vst v63  }
0x196: {  	_ =	swait.ge [sflag:s5], $0x80  }
0x197: {  	[sflag:s5] =	ssyncset.done $0x0  }
0x198: {  	[sflag:s5] =	ssyncadd.s32 $0xFFFFFF80  }
0x199: {  	[spmem:s2] =	stream.indirect.scatter.add.f32 [tilespmem:s7], [sflag:$0x1], $0x1, s16, s9, $0xb8;
	[tilespmem:$0xB00] =	vst v63  }
0x19a: {  	_ =	swait.ge [sflag:s5], $0x80  }
0x19b: {  	[sflag:s5] =	ssyncset.done $0x0  }
0x19c: {  	[sflag:s5] =	ssyncadd.s32 $0xFFFFFF80  }
0x19d: {  	[spmem:s2] =	stream.indirect.scatter.add.f32 [tilespmem:s7], [sflag:$0x1], $0x1, s17, s9, $0xb8;
	[tilespmem:$0xB00] =	vst v63  }
0x19e: {  	_ =	swait.ge [sflag:s5], $0x80  }
0x19f: {  	[sflag:s5] =	ssyncset.done $0x0  }
0x1a0: {  	[sflag:s5] =	ssyncadd.s32 $0xFFFFFF80  }
0x1a1: {  	[spmem:s2] =	stream.indirect.scatter.add.f32 [tilespmem:s7], [sflag:$0x1], $0x1, s18, s9, $0xb8;
	[tilespmem:$0xB00] =	vst v63  }
0x1a2: {  	_ =	swait.ge [sflag:s5], $0x80  }
0x1a3: {  	[sflag:s5] =	ssyncset.done $0x0  }
0x1a4: {  	[sflag:s5] =	ssyncadd.s32 $0xFFFFFF80  }
0x1a5: {  	[spmem:s2] =	stream.indirect.scatter.add.f32 [tilespmem:s7], [sflag:$0x1], $0x1, s19, s9, $0xb8;
	[tilespmem:$0xB00] =	vst v63  }
0x1a6: {  	_ =	swait.ge [sflag:s5], $0x80  }
0x1a7: {  	[sflag:s5] =	ssyncset.done $0x0  }
0x1a8: {  	[sflag:s5] =	ssyncadd.s32 $0xFFFFFF80  }
0x1a9: {  	[spmem:s2] =	stream.indirect.scatter.add.f32 [tilespmem:s7], [sflag:$0x1], $0x1, s20, s9, $0xb8;
	[tilespmem:$0xB00] =	vst v63  }
0x1aa: {  	_ =	swait.ge [sflag:s5], $0x80  }
0x1ab: {  	[sflag:s5] =	ssyncset.done $0x0  }
0x1ac: {  	[sflag:s5] =	ssyncadd.s32 $0xFFFFFF80  }
0x1ad: {  	[spmem:s2] =	stream.indirect.scatter.add.f32 [tilespmem:s7], [sflag:$0x1], $0x1, s21, s9, $0xb8;
	[tilespmem:$0xB00] =	vst v63  }
0x1ae: {  	_ =	swait.ge [sflag:s5], $0x80  }
0x1af: {  	[sflag:s5] =	ssyncset.done $0x0  }
0x1b0: {  	[sflag:s5] =	ssyncadd.s32 $0xFFFFFF80  }
0x1b1: {  	[spmem:s2] =	stream.indirect.scatter.add.f32 [tilespmem:s7], [sflag:$0x1], $0x1, s22, s9, $0xb8;
	[tilespmem:$0xB00] =	vst v63  }
0x1b2: {  	_ =	swait.ge [sflag:s5], $0x80  }
0x1b3: {  	[sflag:s5] =	ssyncset.done $0x0  }
0x1b4: {  	[sflag:s5] =	ssyncadd.s32 $0xFFFFFF80  }
0x1b5: {  	[spmem:s2] =	stream.indirect.scatter.add.f32 [tilespmem:s7], [sflag:$0x1], $0x1, s23, s9, $0xb8;
	[tilespmem:$0xB00] =	vst v63  }
0x1b6: {  	_ =	swait.ge [sflag:s5], $0x80  }
0x1b7: {  	[sflag:s5] =	ssyncset.done $0x0  }
0x1b8: {  	[sflag:s5] =	ssyncadd.s32 $0xFFFFFF80  }
0x1b9: {  	[spmem:s2] =	stream.indirect.scatter.add.f32 [tilespmem:s7], [sflag:$0x1], $0x1, s25, s24, $0xb8;
	[tilespmem:$0xB00] =	vst v63  }
0x1ba: {  	_ =	swait.ge [sflag:s5], $0x50  }
0x1bb: {  	[sflag:s5] =	ssyncset.done $0x0  }
0x1bc: {  	[sflag:s5] =	ssyncadd.s32 $0xFFFFFFB0  }
0x1bd: {  	[tilespmem:s8], [sflag:$0x1] =	stream.linear.gather [hbm4b:s26+s3], $0x7D0, $0x38;
	[tilespmem:$0xB00] =	vst v63  }
0x1be: {  	_ =	swait.ge [sflag:s5], $0x7D0  }
0x1bf: {  	[sflag:s5] =	ssyncset.done $0x0  }
0x1c0: {  	[sflag:s5] =	ssyncadd.s32 $0xFFFFF830  }
0x1c1: {  	[spmem:s2] =	stream.indirect.scatter.add.f32 [tilespmem:s7], [sflag:$0x1], $0x1, s8, s9, $0xb8;
	[tilespmem:$0xB00] =	vst v63  }
0x1c2: {  	_ =	swait.ge [sflag:s5], $0x80  }
0x1c3: {  	[sflag:s5] =	ssyncset.done $0x0  }
0x1c4: {  	[sflag:s5] =	ssyncadd.s32 $0xFFFFFF80  }
0x1c5: {  	[spmem:s2] =	stream.indirect.scatter.add.f32 [tilespmem:s7], [sflag:$0x1], $0x1, s10, s9, $0xb8;
	[tilespmem:$0xB00] =	vst v63  }
0x1c6: {  	_ =	swait.ge [sflag:s5], $0x80  }
0x1c7: {  	[sflag:s5] =	ssyncset.done $0x0  }
0x1c8: {  	[sflag:s5] =	ssyncadd.s32 $0xFFFFFF80  }
0x1c9: {  	[spmem:s2] =	stream.indirect.scatter.add.f32 [tilespmem:s7], [sflag:$0x1], $0x1, s11, s9, $0xb8;
	[tilespmem:$0xB00] =	vst v63  }
0x1ca: {  	_ =	swait.ge [sflag:s5], $0x80  }
0x1cb: {  	[sflag:s5] =	ssyncset.done $0x0  }
0x1cc: {  	[sflag:s5] =	ssyncadd.s32 $0xFFFFFF80  }
0x1cd: {  	[spmem:s2] =	stream.indirect.scatter.add.f32 [tilespmem:s7], [sflag:$0x1], $0x1, s12, s9, $0xb8;
	[tilespmem:$0xB00] =	vst v63  }
0x1ce: {  	_ =	swait.ge [sflag:s5], $0x80  }
0x1cf: {  	[sflag:s5] =	ssyncset.done $0x0  }
0x1d0: {  	[sflag:s5] =	ssyncadd.s32 $0xFFFFFF80  }
0x1d1: {  	[spmem:s2] =	stream.indirect.scatter.add.f32 [tilespmem:s7], [sflag:$0x1], $0x1, s13, s9, $0xb8;
	[tilespmem:$0xB00] =	vst v63  }
0x1d2: {  	_ =	swait.ge [sflag:s5], $0x80  }
0x1d3: {  	[sflag:s5] =	ssyncset.done $0x0  }
0x1d4: {  	[sflag:s5] =	ssyncadd.s32 $0xFFFFFF80  }
0x1d5: {  	[spmem:s2] =	stream.indirect.scatter.add.f32 [tilespmem:s7], [sflag:$0x1], $0x1, s14, s9, $0xb8;
	[tilespmem:$0xB00] =	vst v63  }
0x1d6: {  	_ =	swait.ge [sflag:s5], $0x80  }
0x1d7: {  	[sflag:s5] =	ssyncset.done $0x0  }
0x1d8: {  	[sflag:s5] =	ssyncadd.s32 $0xFFFFFF80  }
0x1d9: {  	[spmem:s2] =	stream.indirect.scatter.add.f32 [tilespmem:s7], [sflag:$0x1], $0x1, s15, s9, $0xb8;
	[tilespmem:$0xB00] =	vst v63  }
0x1da: {  	_ =	swait.ge [sflag:s5], $0x80  }
0x1db: {  	[sflag:s5] =	ssyncset.done $0x0  }
0x1dc: {  	[sflag:s5] =	ssyncadd.s32 $0xFFFFFF80  }
0x1dd: {  	[spmem:s2] =	stream.indirect.scatter.add.f32 [tilespmem:s7], [sflag:$0x1], $0x1, s16, s9, $0xb8;
	[tilespmem:$0xB00] =	vst v63  }
0x1de: {  	_ =	swait.ge [sflag:s5], $0x80  }
0x1df: {  	[sflag:s5] =	ssyncset.done $0x0  }
0x1e0: {  	[sflag:s5] =	ssyncadd.s32 $0xFFFFFF80  }
0x1e1: {  	[spmem:s2] =	stream.indirect.scatter.add.f32 [tilespmem:s7], [sflag:$0x1], $0x1, s17, s9, $0xb8;
	[tilespmem:$0xB00] =	vst v63  }
0x1e2: {  	_ =	swait.ge [sflag:s5], $0x80  }
0x1e3: {  	[sflag:s5] =	ssyncset.done $0x0  }
0x1e4: {  	[sflag:s5] =	ssyncadd.s32 $0xFFFFFF80  }
0x1e5: {  	[spmem:s2] =	stream.indirect.scatter.add.f32 [tilespmem:s7], [sflag:$0x1], $0x1, s18, s9, $0xb8;
	[tilespmem:$0xB00] =	vst v63  }
0x1e6: {  	_ =	swait.ge [sflag:s5], $0x80  }
0x1e7: {  	[sflag:s5] =	ssyncset.done $0x0  }
0x1e8: {  	[sflag:s5] =	ssyncadd.s32 $0xFFFFFF80  }
0x1e9: {  	[spmem:s2] =	stream.indirect.scatter.add.f32 [tilespmem:s7], [sflag:$0x1], $0x1, s19, s9, $0xb8;
	[tilespmem:$0xB00] =	vst v63  }
0x1ea: {  	_ =	swait.ge [sflag:s5], $0x80  }
0x1eb: {  	[sflag:s5] =	ssyncset.done $0x0  }
0x1ec: {  	[sflag:s5] =	ssyncadd.s32 $0xFFFFFF80  }
0x1ed: {  	[spmem:s2] =	stream.indirect.scatter.add.f32 [tilespmem:s7], [sflag:$0x1], $0x1, s20, s9, $0xb8;
	[tilespmem:$0xB00] =	vst v63  }
0x1ee: {  	_ =	swait.ge [sflag:s5], $0x80  }
0x1ef: {  	[sflag:s5] =	ssyncset.done $0x0  }
0x1f0: {  	[sflag:s5] =	ssyncadd.s32 $0xFFFFFF80  }
0x1f1: {  	[spmem:s2] =	stream.indirect.scatter.add.f32 [tilespmem:s7], [sflag:$0x1], $0x1, s21, s9, $0xb8;
	[tilespmem:$0xB00] =	vst v63  }
0x1f2: {  	_ =	swait.ge [sflag:s5], $0x80  }
0x1f3: {  	[sflag:s5] =	ssyncset.done $0x0  }
0x1f4: {  	[sflag:s5] =	ssyncadd.s32 $0xFFFFFF80  }
0x1f5: {  	[spmem:s2] =	stream.indirect.scatter.add.f32 [tilespmem:s7], [sflag:$0x1], $0x1, s22, s9, $0xb8;
	[tilespmem:$0xB00] =	vst v63  }
0x1f6: {  	_ =	swait.ge [sflag:s5], $0x80  }
0x1f7: {  	[sflag:s5] =	ssyncset.done $0x0  }
0x1f8: {  	[sflag:s5] =	ssyncadd.s32 $0xFFFFFF80  }
0x1f9: {  	[spmem:s2] =	stream.indirect.scatter.add.f32 [tilespmem:s7], [sflag:$0x1], $0x1, s23, s9, $0xb8;
	[tilespmem:$0xB00] =	vst v63  }
0x1fa: {  	_ =	swait.ge [sflag:s5], $0x80  }
0x1fb: {  	[sflag:s5] =	ssyncset.done $0x0  }
0x1fc: {  	[sflag:s5] =	ssyncadd.s32 $0xFFFFFF80  }
0x1fd: {  	[spmem:s2] =	stream.indirect.scatter.add.f32 [tilespmem:s7], [sflag:$0x1], $0x1, s25, s24, $0xb8;
	[tilespmem:$0xB00] =	vst v63  }
0x1fe: {  	_ =	swait.ge [sflag:s5], $0x50  }
0x1ff: {  	[sflag:s5] =	ssyncset.done $0x0  }
0x200: {  	[sflag:s5] =	ssyncadd.s32 $0xFFFFFFB0  }
0x201: {  	[tilespmem:s8], [sflag:$0x1] =	stream.linear.gather [hbm4b:s28+s3], $0x7D0, $0x38;
	[tilespmem:$0xB00] =	vst v63  }
0x202: {  	_ =	swait.ge [sflag:s5], $0x7D0  }
0x203: {  	[sflag:s5] =	ssyncset.done $0x0  }
0x204: {  	[sflag:s5] =	ssyncadd.s32 $0xFFFFF830  }
0x205: {  	[spmem:s2] =	stream.indirect.scatter.add.f32 [tilespmem:s7], [sflag:$0x1], $0x1, s8, s9, $0xb8;
	[tilespmem:$0xB00] =	vst v63  }
0x206: {  	_ =	swait.ge [sflag:s5], $0x80  }
0x207: {  	[sflag:s5] =	ssyncset.done $0x0  }
0x208: {  	[sflag:s5] =	ssyncadd.s32 $0xFFFFFF80  }
0x209: {  	[spmem:s2] =	stream.indirect.scatter.add.f32 [tilespmem:s7], [sflag:$0x1], $0x1, s10, s9, $0xb8;
	[tilespmem:$0xB00] =	vst v63  }
0x20a: {  	_ =	swait.ge [sflag:s5], $0x80  }
0x20b: {  	[sflag:s5] =	ssyncset.done $0x0  }
0x20c: {  	[sflag:s5] =	ssyncadd.s32 $0xFFFFFF80  }
0x20d: {  	[spmem:s2] =	stream.indirect.scatter.add.f32 [tilespmem:s7], [sflag:$0x1], $0x1, s11, s9, $0xb8;
	[tilespmem:$0xB00] =	vst v63  }
0x20e: {  	_ =	swait.ge [sflag:s5], $0x80  }
0x20f: {  	[sflag:s5] =	ssyncset.done $0x0  }
0x210: {  	[sflag:s5] =	ssyncadd.s32 $0xFFFFFF80  }
0x211: {  	[spmem:s2] =	stream.indirect.scatter.add.f32 [tilespmem:s7], [sflag:$0x1], $0x1, s12, s9, $0xb8;
	[tilespmem:$0xB00] =	vst v63  }
0x212: {  	_ =	swait.ge [sflag:s5], $0x80  }
0x213: {  	[sflag:s5] =	ssyncset.done $0x0  }
0x214: {  	[sflag:s5] =	ssyncadd.s32 $0xFFFFFF80  }
0x215: {  	[spmem:s2] =	stream.indirect.scatter.add.f32 [tilespmem:s7], [sflag:$0x1], $0x1, s13, s9, $0xb8;
	[tilespmem:$0xB00] =	vst v63  }
0x216: {  	_ =	swait.ge [sflag:s5], $0x80  }
0x217: {  	[sflag:s5] =	ssyncset.done $0x0  }
0x218: {  	[sflag:s5] =	ssyncadd.s32 $0xFFFFFF80  }
0x219: {  	[spmem:s2] =	stream.indirect.scatter.add.f32 [tilespmem:s7], [sflag:$0x1], $0x1, s14, s9, $0xb8;
	[tilespmem:$0xB00] =	vst v63  }
0x21a: {  	_ =	swait.ge [sflag:s5], $0x80  }
0x21b: {  	[sflag:s5] =	ssyncset.done $0x0  }
0x21c: {  	[sflag:s5] =	ssyncadd.s32 $0xFFFFFF80  }
0x21d: {  	[spmem:s2] =	stream.indirect.scatter.add.f32 [tilespmem:s7], [sflag:$0x1], $0x1, s15, s9, $0xb8;
	[tilespmem:$0xB00] =	vst v63  }
0x21e: {  	_ =	swait.ge [sflag:s5], $0x80  }
0x21f: {  	[sflag:s5] =	ssyncset.done $0x0  }
0x220: {  	[sflag:s5] =	ssyncadd.s32 $0xFFFFFF80  }
0x221: {  	[spmem:s2] =	stream.indirect.scatter.add.f32 [tilespmem:s7], [sflag:$0x1], $0x1, s16, s9, $0xb8;
	[tilespmem:$0xB00] =	vst v63  }
0x222: {  	_ =	swait.ge [sflag:s5], $0x80  }
0x223: {  	[sflag:s5] =	ssyncset.done $0x0  }
0x224: {  	[sflag:s5] =	ssyncadd.s32 $0xFFFFFF80  }
0x225: {  	[spmem:s2] =	stream.indirect.scatter.add.f32 [tilespmem:s7], [sflag:$0x1], $0x1, s17, s9, $0xb8;
	[tilespmem:$0xB00] =	vst v63  }
0x226: {  	_ =	swait.ge [sflag:s5], $0x80  }
0x227: {  	[sflag:s5] =	ssyncset.done $0x0  }
0x228: {  	[sflag:s5] =	ssyncadd.s32 $0xFFFFFF80  }
0x229: {  	[spmem:s2] =	stream.indirect.scatter.add.f32 [tilespmem:s7], [sflag:$0x1], $0x1, s18, s9, $0xb8;
	[tilespmem:$0xB00] =	vst v63  }
0x22a: {  	_ =	swait.ge [sflag:s5], $0x80  }
0x22b: {  	[sflag:s5] =	ssyncset.done $0x0  }
0x22c: {  	[sflag:s5] =	ssyncadd.s32 $0xFFFFFF80  }
0x22d: {  	[spmem:s2] =	stream.indirect.scatter.add.f32 [tilespmem:s7], [sflag:$0x1], $0x1, s19, s9, $0xb8;
	[tilespmem:$0xB00] =	vst v63  }
0x22e: {  	_ =	swait.ge [sflag:s5], $0x80  }
0x22f: {  	[sflag:s5] =	ssyncset.done $0x0  }
0x230: {  	[sflag:s5] =	ssyncadd.s32 $0xFFFFFF80  }
0x231: {  	[spmem:s2] =	stream.indirect.scatter.add.f32 [tilespmem:s7], [sflag:$0x1], $0x1, s20, s9, $0xb8;
	[tilespmem:$0xB00] =	vst v63  }
0x232: {  	_ =	swait.ge [sflag:s5], $0x80  }
0x233: {  	[sflag:s5] =	ssyncset.done $0x0  }
0x234: {  	[sflag:s5] =	ssyncadd.s32 $0xFFFFFF80  }
0x235: {  	[spmem:s2] =	stream.indirect.scatter.add.f32 [tilespmem:s7], [sflag:$0x1], $0x1, s21, s9, $0xb8;
	[tilespmem:$0xB00] =	vst v63  }
0x236: {  	_ =	swait.ge [sflag:s5], $0x80  }
0x237: {  	[sflag:s5] =	ssyncset.done $0x0  }
0x238: {  	[sflag:s5] =	ssyncadd.s32 $0xFFFFFF80  }
0x239: {  	[spmem:s2] =	stream.indirect.scatter.add.f32 [tilespmem:s7], [sflag:$0x1], $0x1, s22, s9, $0xb8;
	[tilespmem:$0xB00] =	vst v63  }
0x23a: {  	_ =	swait.ge [sflag:s5], $0x80  }
0x23b: {  	[sflag:s5] =	ssyncset.done $0x0  }
0x23c: {  	[sflag:s5] =	ssyncadd.s32 $0xFFFFFF80  }
0x23d: {  	[spmem:s2] =	stream.indirect.scatter.add.f32 [tilespmem:s7], [sflag:$0x1], $0x1, s23, s9, $0xb8;
	[tilespmem:$0xB00] =	vst v63  }
0x23e: {  	_ =	swait.ge [sflag:s5], $0x80  }
0x23f: {  	[sflag:s5] =	ssyncset.done $0x0  }
0x240: {  	[sflag:s5] =	ssyncadd.s32 $0xFFFFFF80  }
0x241: {  	[spmem:s2] =	stream.indirect.scatter.add.f32 [tilespmem:s7], [sflag:$0x1], $0x1, s25, s24, $0xb8;
	[tilespmem:$0xB00] =	vst v63  }
0x242: {  	_ =	swait.ge [sflag:s5], $0x50  }
0x243: {  	[sflag:s5] =	ssyncset.done $0x0  }
0x244: {  	[sflag:s5] =	ssyncadd.s32 $0xFFFFFFB0  }
0x245: {  	[tilespmem:s8], [sflag:$0x1] =	stream.linear.gather [hbm4b:s29+s3], $0x7D0, $0x38;
	[tilespmem:$0xB00] =	vst v63  }
0x246: {  	_ =	swait.ge [sflag:s5], $0x7D0  }
0x247: {  	[sflag:s5] =	ssyncset.done $0x0  }
0x248: {  	[sflag:s5] =	ssyncadd.s32 $0xFFFFF830  }
0x249: {  	[spmem:s2] =	stream.indirect.scatter.add.f32 [tilespmem:s7], [sflag:$0x1], $0x1, s8, s9, $0xb8;
	[tilespmem:$0xB00] =	vst v63  }
0x24a: {  	_ =	swait.ge [sflag:s5], $0x80  }
0x24b: {  	[sflag:s5] =	ssyncset.done $0x0  }
0x24c: {  	[sflag:s5] =	ssyncadd.s32 $0xFFFFFF80  }
0x24d: {  	[spmem:s2] =	stream.indirect.scatter.add.f32 [tilespmem:s7], [sflag:$0x1], $0x1, s10, s9, $0xb8;
	[tilespmem:$0xB00] =	vst v63  }
0x24e: {  	_ =	swait.ge [sflag:s5], $0x80  }
0x24f: {  	[sflag:s5] =	ssyncset.done $0x0  }
0x250: {  	[sflag:s5] =	ssyncadd.s32 $0xFFFFFF80  }
0x251: {  	[spmem:s2] =	stream.indirect.scatter.add.f32 [tilespmem:s7], [sflag:$0x1], $0x1, s11, s9, $0xb8;
	[tilespmem:$0xB00] =	vst v63  }
0x252: {  	_ =	swait.ge [sflag:s5], $0x80  }
0x253: {  	[sflag:s5] =	ssyncset.done $0x0  }
0x254: {  	[sflag:s5] =	ssyncadd.s32 $0xFFFFFF80  }
0x255: {  	[spmem:s2] =	stream.indirect.scatter.add.f32 [tilespmem:s7], [sflag:$0x1], $0x1, s12, s9, $0xb8;
	[tilespmem:$0xB00] =	vst v63  }
0x256: {  	_ =	swait.ge [sflag:s5], $0x80  }
0x257: {  	[sflag:s5] =	ssyncset.done $0x0  }
0x258: {  	[sflag:s5] =	ssyncadd.s32 $0xFFFFFF80  }
0x259: {  	[spmem:s2] =	stream.indirect.scatter.add.f32 [tilespmem:s7], [sflag:$0x1], $0x1, s13, s9, $0xb8;
	[tilespmem:$0xB00] =	vst v63  }
0x25a: {  	_ =	swait.ge [sflag:s5], $0x80  }
0x25b: {  	[sflag:s5] =	ssyncset.done $0x0  }
0x25c: {  	[sflag:s5] =	ssyncadd.s32 $0xFFFFFF80  }
0x25d: {  	[spmem:s2] =	stream.indirect.scatter.add.f32 [tilespmem:s7], [sflag:$0x1], $0x1, s14, s9, $0xb8;
	[tilespmem:$0xB00] =	vst v63  }
0x25e: {  	_ =	swait.ge [sflag:s5], $0x80  }
0x25f: {  	[sflag:s5] =	ssyncset.done $0x0  }
0x260: {  	[sflag:s5] =	ssyncadd.s32 $0xFFFFFF80  }
0x261: {  	[spmem:s2] =	stream.indirect.scatter.add.f32 [tilespmem:s7], [sflag:$0x1], $0x1, s15, s9, $0xb8;
	[tilespmem:$0xB00] =	vst v63  }
0x262: {  	_ =	swait.ge [sflag:s5], $0x80  }
0x263: {  	[sflag:s5] =	ssyncset.done $0x0  }
0x264: {  	[sflag:s5] =	ssyncadd.s32 $0xFFFFFF80  }
0x265: {  	[spmem:s2] =	stream.indirect.scatter.add.f32 [tilespmem:s7], [sflag:$0x1], $0x1, s16, s9, $0xb8;
	[tilespmem:$0xB00] =	vst v63  }
0x266: {  	_ =	swait.ge [sflag:s5], $0x80  }
0x267: {  	[sflag:s5] =	ssyncset.done $0x0  }
0x268: {  	[sflag:s5] =	ssyncadd.s32 $0xFFFFFF80  }
0x269: {  	[spmem:s2] =	stream.indirect.scatter.add.f32 [tilespmem:s7], [sflag:$0x1], $0x1, s17, s9, $0xb8;
	[tilespmem:$0xB00] =	vst v63  }
0x26a: {  	_ =	swait.ge [sflag:s5], $0x80  }
0x26b: {  	[sflag:s5] =	ssyncset.done $0x0  }
0x26c: {  	[sflag:s5] =	ssyncadd.s32 $0xFFFFFF80  }
0x26d: {  	[spmem:s2] =	stream.indirect.scatter.add.f32 [tilespmem:s7], [sflag:$0x1], $0x1, s18, s9, $0xb8;
	[tilespmem:$0xB00] =	vst v63  }
0x26e: {  	_ =	swait.ge [sflag:s5], $0x80  }
0x26f: {  	[sflag:s5] =	ssyncset.done $0x0  }
0x270: {  	[sflag:s5] =	ssyncadd.s32 $0xFFFFFF80  }
0x271: {  	[spmem:s2] =	stream.indirect.scatter.add.f32 [tilespmem:s7], [sflag:$0x1], $0x1, s19, s9, $0xb8;
	[tilespmem:$0xB00] =	vst v63  }
0x272: {  	_ =	swait.ge [sflag:s5], $0x80  }
0x273: {  	[sflag:s5] =	ssyncset.done $0x0  }
0x274: {  	[sflag:s5] =	ssyncadd.s32 $0xFFFFFF80  }
0x275: {  	[spmem:s2] =	stream.indirect.scatter.add.f32 [tilespmem:s7], [sflag:$0x1], $0x1, s20, s9, $0xb8;
	[tilespmem:$0xB00] =	vst v63  }
0x276: {  	_ =	swait.ge [sflag:s5], $0x80  }
0x277: {  	[sflag:s5] =	ssyncset.done $0x0  }
0x278: {  	[sflag:s5] =	ssyncadd.s32 $0xFFFFFF80  }
0x279: {  	[spmem:s2] =	stream.indirect.scatter.add.f32 [tilespmem:s7], [sflag:$0x1], $0x1, s21, s9, $0xb8;
	[tilespmem:$0xB00] =	vst v63  }
0x27a: {  	_ =	swait.ge [sflag:s5], $0x80  }
0x27b: {  	[sflag:s5] =	ssyncset.done $0x0  }
0x27c: {  	[sflag:s5] =	ssyncadd.s32 $0xFFFFFF80  }
0x27d: {  	[spmem:s2] =	stream.indirect.scatter.add.f32 [tilespmem:s7], [sflag:$0x1], $0x1, s22, s9, $0xb8;
	[tilespmem:$0xB00] =	vst v63  }
0x27e: {  	_ =	swait.ge [sflag:s5], $0x80  }
0x27f: {  	[sflag:s5] =	ssyncset.done $0x0  }
0x280: {  	[sflag:s5] =	ssyncadd.s32 $0xFFFFFF80  }
0x281: {  	[spmem:s2] =	stream.indirect.scatter.add.f32 [tilespmem:s7], [sflag:$0x1], $0x1, s23, s9, $0xb8;
	[tilespmem:$0xB00] =	vst v63  }
0x282: {  	_ =	swait.ge [sflag:s5], $0x80  }
0x283: {  	[sflag:s5] =	ssyncset.done $0x0  }
0x284: {  	[sflag:s5] =	ssyncadd.s32 $0xFFFFFF80  }
0x285: {  	[spmem:s2] =	stream.indirect.scatter.add.f32 [tilespmem:s7], [sflag:$0x1], $0x1, s25, s24, $0xb8;
	[tilespmem:$0xB00] =	vst v63  }
0x286: {  	_ =	swait.ge [sflag:s5], $0x50  }
0x287: {  	[sflag:s5] =	ssyncset.done $0x0  }
0x288: {  	[sflag:s5] =	ssyncadd.s32 $0xFFFFFFB0  }
0x289: {  	[tilespmem:s8], [sflag:$0x1] =	stream.linear.gather [hbm4b:s30+s3], $0x7D0, $0x38;
	[tilespmem:$0xB00] =	vst v63  }
0x28a: {  	_ =	swait.ge [sflag:s5], $0x7D0  }
0x28b: {  	[sflag:s5] =	ssyncset.done $0x0  }
0x28c: {  	[sflag:s5] =	ssyncadd.s32 $0xFFFFF830  }
0x28d: {  	[spmem:s2] =	stream.indirect.scatter.add.f32 [tilespmem:s7], [sflag:$0x1], $0x1, s8, s9, $0xb8;
	[tilespmem:$0xB00] =	vst v63  }
0x28e: {  	_ =	swait.ge [sflag:s5], $0x80  }
0x28f: {  	[sflag:s5] =	ssyncset.done $0x0  }
0x290: {  	[sflag:s5] =	ssyncadd.s32 $0xFFFFFF80  }
0x291: {  	[spmem:s2] =	stream.indirect.scatter.add.f32 [tilespmem:s7], [sflag:$0x1], $0x1, s10, s9, $0xb8;
	[tilespmem:$0xB00] =	vst v63  }
0x292: {  	_ =	swait.ge [sflag:s5], $0x80  }
0x293: {  	[sflag:s5] =	ssyncset.done $0x0  }
0x294: {  	[sflag:s5] =	ssyncadd.s32 $0xFFFFFF80  }
0x295: {  	[spmem:s2] =	stream.indirect.scatter.add.f32 [tilespmem:s7], [sflag:$0x1], $0x1, s11, s9, $0xb8;
	[tilespmem:$0xB00] =	vst v63  }
0x296: {  	_ =	swait.ge [sflag:s5], $0x80  }
0x297: {  	[sflag:s5] =	ssyncset.done $0x0  }
0x298: {  	[sflag:s5] =	ssyncadd.s32 $0xFFFFFF80  }
0x299: {  	[spmem:s2] =	stream.indirect.scatter.add.f32 [tilespmem:s7], [sflag:$0x1], $0x1, s12, s9, $0xb8;
	[tilespmem:$0xB00] =	vst v63  }
0x29a: {  	_ =	swait.ge [sflag:s5], $0x80  }
0x29b: {  	[sflag:s5] =	ssyncset.done $0x0  }
0x29c: {  	[sflag:s5] =	ssyncadd.s32 $0xFFFFFF80  }
0x29d: {  	[spmem:s2] =	stream.indirect.scatter.add.f32 [tilespmem:s7], [sflag:$0x1], $0x1, s13, s9, $0xb8;
	[tilespmem:$0xB00] =	vst v63  }
0x29e: {  	_ =	swait.ge [sflag:s5], $0x80  }
0x29f: {  	[sflag:s5] =	ssyncset.done $0x0  }
0x2a0: {  	[sflag:s5] =	ssyncadd.s32 $0xFFFFFF80  }
0x2a1: {  	[spmem:s2] =	stream.indirect.scatter.add.f32 [tilespmem:s7], [sflag:$0x1], $0x1, s14, s9, $0xb8;
	[tilespmem:$0xB00] =	vst v63  }
0x2a2: {  	_ =	swait.ge [sflag:s5], $0x80  }
0x2a3: {  	[sflag:s5] =	ssyncset.done $0x0  }
0x2a4: {  	[sflag:s5] =	ssyncadd.s32 $0xFFFFFF80  }
0x2a5: {  	[spmem:s2] =	stream.indirect.scatter.add.f32 [tilespmem:s7], [sflag:$0x1], $0x1, s15, s9, $0xb8;
	[tilespmem:$0xB00] =	vst v63  }
0x2a6: {  	_ =	swait.ge [sflag:s5], $0x80  }
0x2a7: {  	[sflag:s5] =	ssyncset.done $0x0  }
0x2a8: {  	[sflag:s5] =	ssyncadd.s32 $0xFFFFFF80  }
0x2a9: {  	[spmem:s2] =	stream.indirect.scatter.add.f32 [tilespmem:s7], [sflag:$0x1], $0x1, s16, s9, $0xb8;
	[tilespmem:$0xB00] =	vst v63  }
0x2aa: {  	_ =	swait.ge [sflag:s5], $0x80  }
0x2ab: {  	[sflag:s5] =	ssyncset.done $0x0  }
0x2ac: {  	[sflag:s5] =	ssyncadd.s32 $0xFFFFFF80  }
0x2ad: {  	[spmem:s2] =	stream.indirect.scatter.add.f32 [tilespmem:s7], [sflag:$0x1], $0x1, s17, s9, $0xb8;
	[tilespmem:$0xB00] =	vst v63  }
0x2ae: {  	_ =	swait.ge [sflag:s5], $0x80  }
0x2af: {  	[sflag:s5] =	ssyncset.done $0x0  }
0x2b0: {  	[sflag:s5] =	ssyncadd.s32 $0xFFFFFF80  }
0x2b1: {  	[spmem:s2] =	stream.indirect.scatter.add.f32 [tilespmem:s7], [sflag:$0x1], $0x1, s18, s9, $0xb8;
	[tilespmem:$0xB00] =	vst v63  }
0x2b2: {  	_ =	swait.ge [sflag:s5], $0x80  }
0x2b3: {  	[sflag:s5] =	ssyncset.done $0x0  }
0x2b4: {  	[sflag:s5] =	ssyncadd.s32 $0xFFFFFF80  }
0x2b5: {  	[spmem:s2] =	stream.indirect.scatter.add.f32 [tilespmem:s7], [sflag:$0x1], $0x1, s19, s9, $0xb8;
	[tilespmem:$0xB00] =	vst v63  }
0x2b6: {  	_ =	swait.ge [sflag:s5], $0x80  }
0x2b7: {  	[sflag:s5] =	ssyncset.done $0x0  }
0x2b8: {  	[sflag:s5] =	ssyncadd.s32 $0xFFFFFF80  }
0x2b9: {  	[spmem:s2] =	stream.indirect.scatter.add.f32 [tilespmem:s7], [sflag:$0x1], $0x1, s20, s9, $0xb8;
	[tilespmem:$0xB00] =	vst v63  }
0x2ba: {  	_ =	swait.ge [sflag:s5], $0x80  }
0x2bb: {  	[sflag:s5] =	ssyncset.done $0x0  }
0x2bc: {  	[sflag:s5] =	ssyncadd.s32 $0xFFFFFF80  }
0x2bd: {  	[spmem:s2] =	stream.indirect.scatter.add.f32 [tilespmem:s7], [sflag:$0x1], $0x1, s21, s9, $0xb8;
	[tilespmem:$0xB00] =	vst v63  }
0x2be: {  	_ =	swait.ge [sflag:s5], $0x80  }
0x2bf: {  	[sflag:s5] =	ssyncset.done $0x0  }
0x2c0: {  	[sflag:s5] =	ssyncadd.s32 $0xFFFFFF80  }
0x2c1: {  	[spmem:s2] =	stream.indirect.scatter.add.f32 [tilespmem:s7], [sflag:$0x1], $0x1, s22, s9, $0xb8;
	[tilespmem:$0xB00] =	vst v63  }
0x2c2: {  	_ =	swait.ge [sflag:s5], $0x80  }
0x2c3: {  	[sflag:s5] =	ssyncset.done $0x0  }
0x2c4: {  	[sflag:s5] =	ssyncadd.s32 $0xFFFFFF80  }
0x2c5: {  	[spmem:s2] =	stream.indirect.scatter.add.f32 [tilespmem:s7], [sflag:$0x1], $0x1, s23, s9, $0xb8;
	[tilespmem:$0xB00] =	vst v63  }
0x2c6: {  	_ =	swait.ge [sflag:s5], $0x80  }
0x2c7: {  	[sflag:s5] =	ssyncset.done $0x0  }
0x2c8: {  	[sflag:s5] =	ssyncadd.s32 $0xFFFFFF80  }
0x2c9: {  	[spmem:s2] =	stream.indirect.scatter.add.f32 [tilespmem:s7], [sflag:$0x1], $0x1, s25, s24, $0xb8;
	[tilespmem:$0xB00] =	vst v63  }
0x2ca: {  	p0 =	sne.s32 s0, $0x1;
	_ =	swait.ge [sflag:s5], $0x50  }
.Ltmp1:
0x2cb: {  	[sflag:s5] =	ssyncset.done $0x0;
	(pc) =	sbr.rel @p0 .LBB2_1-.Ltmp1, $4  }
0x2cc: {  	[sflag:s5] =	ssyncadd.s32 $0xFFFFFFB0  }
0x2cd: {  	[bflag:$0x0] =	sbarrier.arrive $0xFFFF  }
0x2ce: {  	[hbm:s31], [sflag:s4] =	dma.local [spmem:s6], $0x50  }
0x2cf: {  	s0 =	sadd.s32 $0xFFFFFFFF, s0;
	_ =	swait.ge [sflag:s5], $0x50  }
.LBB2_2:
0x2d0: {  	[sflag:s5] =	ssyncset.done $0x0  }
0x2d1: {  	[sflag:s5] =	ssyncadd.s32 $0xFFFFFFB0  }
0x2d2: {  	_ =	sfence.sel $0x180000  }
0x2d3: {  	[bflag:$0x0] =	sbarrier.arrive $0xFFFF  }
0x2d4: {  	_ =	strace $0x90000047  }
0x2d5: {  	s0 =	stileid.u32;
	[bflag:$0x2] =	sbarrier.arrive $0xFFFF  }
0x2d6: {  	p0 =	sne.s32 s0, $0x0;
	s0 =	rddreg [dreg:$0x3]  }
0x2d7: {  	s0 =	sadd.s32 @!p0 $0x100000, s0  }
0x2d8: {  	[sflag:s0] =	ssyncadd.tile.s32 @!p0 $0x1;
	_ =	shalt  }
.Lfunc_end2:
_tile_overlayer_lowered:
.L_overlay_start_2:
0x2d9: {  	(tag) =	ssettag $0x2  }
0x2da: {  	s0 =	rddreg [dreg:$0x0];
	s2 =	stileid.u32  }
0x2db: {  	s1 =	rddreg [dreg:$0x1];
	p0 =	sne.s32 s2, $0x0  }
0x2dc: {  	s3 =	rddreg [dreg:$0x2];
	[bflag:$0x3] =	sbarrier.arrive $0xFFFF;
	s2 =	simm.s32 @!p0 $0x1C01  }
0x2dd: {  	[timem:s3], [sflag:s2] =	dma.local @!p0 [hbm:s0], s1  }
0x2de: {  	s0 =	simm.s32 @!p0 $0x1  }
0x2df: {  	_ =	swait.ge @!p0 [sflag:s0], s1  }
0x2e0: {  	s1 =	ssub.s32 @!p0 $0x0, s1;
	[sflag:s0] =	ssyncset.done @!p0 $0x0  }
0x2e1: {  	[sflag:s0] =	ssyncadd.s32 @!p0 s1  }
0x2e2: {  	[bflag:$0x3] =	sbarrier.arrive $0xFFFF  }
0x2e3: {  	_ =	shalt  }

// kernel: kernel.9.cloned.1.call-start
scs
__scs_entry_jumppad:
0x0: {  	(pc) =	sbr.rel $0x88, $3  }
0x1: {  	(tag) =	ssettag $0x0;
	lr =	simm.s32 $0x1  }
0x2: {  	[smem:$0x3F9E] =	sst lr;
	_ =	strace $0xD0000000  }
0x3: {  	_ = 	snop  }
0x4: {  	_ = 	snop  }
0x5: {  	_ = 	snop  }
0x6: {  	_ = 	snop  }
0x7: {  	_ = 	snop  }
__scs_overlays_trampoline_lowered:
0x8: {  	[smem:$0x3FAD] =	sst s0  }
0x9: {  	[smem:$0x3FAE] =	sst s1  }
0xa: {  	[smem:$0x3FAF] =	sst s2  }
0xb: {  	[smem:$0x3FB0] =	sst s3  }
0xc: {  	[smem:$0x3FB1] =	sst s4  }
0xd: {  	[smem:$0x3FB2] =	sst s5  }
0xe: {  	[smem:$0x3FB3] =	sst s6  }
0xf: {  	[smem:$0x3FB4] =	sst s7  }
0x10: {  	[smem:$0x3FB5] =	sst s8  }
0x11: {  	[smem:$0x3FB6] =	sst s9;
	s0 =	simm.s32 @!p0 $0x0  }
0x12: {  	s1 =	sld [smem:$0x3F9C];
	s0 =	simm.s32 @p0 $0x1  }
0x13: {  	[smem:$0x3FB7] =	sst s0;
	s0 =	simm.s32 @!p1 $0x0  }
0x14: {  	s2 =	sld [smem:$0x3F9B];
	s0 =	simm.s32 @p1 $0x1  }
0x15: {  	[smem:$0x3FB8] =	sst s0;
	s0 =	simm.s32 @!p2 $0x0  }
0x16: {  	s3 =	sld [smem:$0x3FDB];
	s0 =	simm.s32 @p2 $0x1  }
0x17: {  	s4 =	simm.s32 $0x1BF5;
	[smem:$0x3FBA] =	sst s0  }
0x18: {  	s0 =	sld [smem:$0x3F9D];
	_ =	swait.ge [sflag:s4], $0x0  }
0x19: {  	s7 =	sld [smem:$0x3F9E]  }
0x1a: {  	s8 =	sadd.s32 $0xFFFFE003, lr  }
0x1b: {  	s9 =	sadd.s32 $0xFFFFFEF7, lr;
	s5 =	simm.s32 $0xFFFFFFFF;
	p2 =	slt.u32 s8, $0xFFFFF086  }
0x1c: {  	p1 =	slt.u32 s9, $0xF7A;
	s5 =	simm.s32 @!p2 $0x0  }
0x1d: {  	s5 =	simm.s32 @p1 $0x1;
	p0 =	seq.s32 s7, s2  }
0x1e: {  	s7 =	smul.u32 @!p0 $0xF7A, s2;
	p2 =	seq.s32 @!p0 s5, $0x0  }
0x1f: {  	s9 =	smul.u32 $0xF7A, s1;
	s8 =	simm.s32 @!p0 $0x1BF5;
	p2 =	por !p2, p0  }
0x20: {  	[sflag:s8] =	ssyncset.s32 @!p0 $0xFFFFF086;
	s6 =	sadd.s32 @!p0 s3, s7;
	s7 =	simm.s32 @!p0 $0x108  }
0x21: {  	s3 =	sadd.s32 s3, s9;
	s6 =	sadd.s32 @!p0 $0x88, s6;
	s7 =	simm.s32 @p2 $0x1082  }
0x22: {  	[simem:s7], [sflag:s8] =	dma.local @!p0 [hbm:s6], $0xF7A  }
0x23: {  	s9 =	sor.u32 $0xD0000000, s2;
	s6 =	simm.s32 $0x108;
	_ =	swait.ge @!p0 [sflag:s8], $0x0  }
0x24: {  	s3 =	sadd.s32 $0x88, s3;
	s6 =	simm.s32 @!p1 $0x1082;
	[sflag:s4] =	ssyncset.s32 $0xFFFFF086  }
0x25: {  	[simem:s6], [sflag:s4] =	dma.local [hbm:s3], $0xF7A  }
0x26: {  	[smem:$0x3F9E] =	sst s1;
	(tag) =	ssettag s2;
	_ =	strace s9  }
0x27: {  	s1 =	sld [smem:$0x3FAE]  }
0x28: {  	s2 =	sld [smem:$0x3FAF]  }
0x29: {  	s4 =	sld [smem:$0x3FB1]  }
0x2a: {  	p0 =	seq.s32 s5, $0x0;
	s5 =	sld [smem:$0x3FB2]  }
0x2b: {  	s6 =	sld [smem:$0x3FB3]  }
0x2c: {  	s7 =	sld [smem:$0x3FB4]  }
0x2d: {  	s3 =	simm.s32 $0x108;
	s8 =	sld [smem:$0x3FB5]  }
0x2e: {  	s3 =	simm.s32 @!p0 $0x1082;
	s9 =	sld [smem:$0x3FB6]  }
0x2f: {  	lr =	sadd.s32 s0, s3;
	s0 =	sld [smem:$0x3FAD]  }
0x30: {  	s3 =	sld [smem:$0x3FB0]  }
0x31: {  	[smem:$0x3FB9] =	sst s10  }
0x32: {  	s10 =	sld [smem:$0x3FB7];
	_ =	sdelay $0x3  }
0x33: {  	p0 =	seq.s32 s10, $0x1;
	s10 =	sld [smem:$0x3FB9];
	_ =	sdelay $0x3  }
0x34: {  	[smem:$0x3FB9] =	sst s10  }
0x35: {  	s10 =	sld [smem:$0x3FB8];
	_ =	sdelay $0x3  }
0x36: {  	p1 =	seq.s32 s10, $0x1;
	s10 =	sld [smem:$0x3FB9];
	_ =	sdelay $0x3  }
0x37: {  	[smem:$0x3FB9] =	sst s10  }
0x38: {  	s10 =	sld [smem:$0x3FBA]  }
0x39: {  	_ = 	snop;
	(pc) =	sbr.ind lr, $3  }
0x3a: {  	_ = 	snop  }
0x3b: {  	_ = 	snop  }
0x3c: {  	p2 =	seq.s32 s10, $0x1;
	s10 =	sld [smem:$0x3FB9]  }
0x3d: {  	_ =	shalt  }
0x3e: {  	_ =	shalt  }
0x3f: {  	_ =	shalt  }
0x40: {  	_ =	shalt  }
0x41: {  	_ =	shalt  }
0x42: {  	_ =	shalt  }
0x43: {  	_ =	shalt  }
0x44: {  	_ =	shalt  }
0x45: {  	_ =	shalt  }
0x46: {  	_ =	shalt  }
0x47: {  	_ =	shalt  }
0x48: {  	_ =	shalt  }
0x49: {  	_ =	shalt  }
0x4a: {  	_ =	shalt  }
0x4b: {  	_ =	shalt  }
0x4c: {  	_ =	shalt  }
0x4d: {  	_ =	shalt  }
0x4e: {  	_ =	shalt  }
0x4f: {  	_ =	shalt  }
0x50: {  	_ =	shalt  }
0x51: {  	_ =	shalt  }
0x52: {  	_ =	shalt  }
0x53: {  	_ =	shalt  }
0x54: {  	_ =	shalt  }
0x55: {  	_ =	shalt  }
0x56: {  	_ =	shalt  }
0x57: {  	_ =	shalt  }
0x58: {  	_ =	shalt  }
0x59: {  	_ =	shalt  }
0x5a: {  	_ =	shalt  }
0x5b: {  	_ =	shalt  }
0x5c: {  	_ =	shalt  }
0x5d: {  	_ =	shalt  }
0x5e: {  	_ =	shalt  }
0x5f: {  	_ =	shalt  }
0x60: {  	_ =	shalt  }
0x61: {  	_ =	shalt  }
0x62: {  	_ =	shalt  }
0x63: {  	_ =	shalt  }
0x64: {  	_ =	shalt  }
0x65: {  	_ =	shalt  }
0x66: {  	_ =	shalt  }
0x67: {  	_ =	shalt  }
0x68: {  	_ =	shalt  }
0x69: {  	_ =	shalt  }
0x6a: {  	_ =	shalt  }
0x6b: {  	_ =	shalt  }
0x6c: {  	_ =	shalt  }
0x6d: {  	_ =	shalt  }
0x6e: {  	_ =	shalt  }
0x6f: {  	_ =	shalt  }
0x70: {  	_ =	shalt  }
0x71: {  	_ =	shalt  }
0x72: {  	_ =	shalt  }
0x73: {  	_ =	shalt  }
0x74: {  	_ =	shalt  }
0x75: {  	_ =	shalt  }
0x76: {  	_ =	shalt  }
0x77: {  	_ =	shalt  }
0x78: {  	_ =	shalt  }
0x79: {  	_ =	shalt  }
0x7a: {  	_ =	shalt  }
0x7b: {  	_ =	shalt  }
0x7c: {  	_ =	shalt  }
0x7d: {  	_ =	shalt  }
0x7e: {  	_ =	shalt  }
0x7f: {  	_ =	shalt  }
0x80: {  	_ =	shalt  }
0x81: {  	_ =	shalt  }
0x82: {  	_ =	shalt  }
0x83: {  	_ =	shalt  }
0x84: {  	_ =	shalt  }
0x85: {  	_ =	shalt  }
0x86: {  	_ =	shalt  }
0x87: {  	_ =	shalt  }
.Lfunc_end0:
.L_simem_size_0:
called_computation.1_lowered:
.L_overlay_start_0:
0x88: {  	s2 =	sld [smem:$0x3FD9]  }
0x89: {  	s3 =	sld [smem:$0x3FFE];
	_ =	sdelay $0x1  }
0x8a: {  	s1 =	srdreg.scid  }
0x8b: {  	s0 =	sand.u32 $0x1, s1  }
0x8c: {  	s17 =	sshll.u32 s0, $0xA;
	s2 =	sadd.s32 s3, s2  }
0x8d: {  	s2 =	sadd.s32 s2, s17  }
0x8e: {  	[smem:$0x3FC5] =	sst s2  }
0x8f: {  	_ = 	snop  }
0x90: {  	s2 =	sld [smem:$0x3FD0];
	(tm) =	ssettm $0x1  }
0x91: {  	s18 =	sld [smem:$0x3FFB];
	_ =	sdelay $0x3  }
0x92: {  	_ =	strace s18  }
0x93: {  	s3 =	sld [smem:$0x3FFC];
	_ =	sdelay $0x3  }
0x94: {  	_ =	strace s3  }
0x95: {  	s3 =	sld [smem:$0x3FFD];
	_ =	sdelay $0x3  }
0x96: {  	_ =	strace s3  }
0x97: {  	_ =	strace $0x8FFFFFFF  }
0x98: {  	s19 =	sld [smem:$0x3FDB];
	_ =	sdelay $0x1  }
0x99: {  	s4 =	simm.s32 $_scs_section_size  }
0x9a: {  	s5 =	simm.s32 $_size__tile_overlayer_lowered;
	s6 =	simm.s32 $_tile_overlayer_lowered  }
0x9b: {  	s22 =	simm.s32 $0x1BFF;
	s21 =	sshll.u32 s6, $0x1;
	s3 =	sadd.s32 s4, s19  }
0x9c: {  	s7 =	simm.s32 $0x0;
	s20 =	sshll.u32 s5, $0x1;
	s5 =	sadd.s32 s21, s3  }
0x9d: {  	[timem:s7], [sflag:s22] =	dma.local [hbm:s5], s20  }
0x9e: {  	_ =	swait.ge [sflag:s22], s20  }
0x9f: {  	s4 =	ssub.s32 $0x0, s20;
	[sflag:s22] =	ssyncset.done $0x0  }
0xa0: {  	[sflag:s22] =	ssyncadd.s32 s4;
	_ =	sdelay $0x1  }
0xa1: {  	s23 =	simm.s32 $0x1B8B  }
0xa2: {  	_ =	swait.ge [sflag:s23], $0x1  }
0xa3: {  	[sflag:s23] =	ssyncset.done $0x0  }
0xa4: {  	s25 =	simm.s32 $0x1B8E;
	s24 =	sld [smem:$0x3FFE];
	[sflag:s23] =	ssyncadd.s32 $0xFFFFFFFF  }
0xa5: {  	s26 =	simm.s32 $execute0_lowered;
	[smem:$0x3FD2] =	sst s25  }
0xa6: {  	s5 =	sshll.u32 s26, $0x1;
	_ =	strace $0x80000049;
	[dreg:$0x1] =	wrdreg $0xFFFFFFFF  }
0xa7: {  	s28 =	simm.s32 $_size_execute0_lowered;
	s3 =	sadd.s32 s3, s5;
	[dreg:$0x0] =	wrdreg $0x0  }
0xa8: {  	s5 =	sshll.u32 s28, $0x1;
	[dreg:$0x2] =	wrdreg s3  }
0xa9: {  	[dreg:$0x3] =	wrdreg s5  }
0xaa: {  	[dreg:$0x4] =	wrdreg $0xC0  }
0xab: {  	_ =	task [dreg:s7], $0x5FFFF  }
0xac: {  	[dreg:$0x1] =	wrdreg $0xFFFFFFFF  }
0xad: {  	[dreg:$0x0] =	wrdreg $0x60  }
0xae: {  	[dreg:$0x2] =	wrdreg s2  }
0xaf: {  	[dreg:$0x3] =	wrdreg s24  }
0xb0: {  	[dreg:$0x4] =	wrdreg $0x0  }
0xb1: {  	[dreg:$0x5] =	wrdreg $0x9  }
0xb2: {  	_ =	task.clear_ibuf [dreg:s7], $0x6FFFF;
	_ =	strace $0x90000049  }
0xb3: {  	s29 =	simm.s32 $0x9;
	_ =	strace $0x8000004B  }
0xb4: {  	_ =	swait.ge [sflag:s29], $0x1  }
0xb5: {  	[sflag:s29] =	ssyncadd.s32 $0xFFFFFFFF  }
0xb6: {  	_ =	strace $0x9000004B  }
0xb7: {  	_ =	sfence  }
0xb8: {  	s30 =	sld [smem:$0x0];
	_ =	sdelay $0x2  }
0xb9: {  	s31 =	sshll.u32 s1, $0xD;
	s1 =	sshrl.u32 s1, $0x2  }
0xba: {  	s3 =	sand.u32 $0x4000, s31;
	s1 =	sadd.s32 s1, s30  }
0xbb: {  	s0 =	sor.u32 s3, s0;
	s1 =	sshll.u32 s1, $0x11  }
0xbc: {  	s0 =	sor.u32 s1, s0  }
0xbd: {  	s0 =	sadd.s32 $0x8F2B, s0  }
0xbe: {  	[sflag:s0] =	ssyncadd.remote.s32 $0x1  }
0xbf: {  	_ =	sfence.sel $0xFFFF  }
0xc0: {  	[dreg:$0x0] =	wrdreg $0xFFFFFFFF;
	(pc) =	sbr.abs _section_cstart, $3  }
0xc1: {  	[dreg:$0x1] =	wrdreg $0xFFFFFFFF  }
0xc2: {  	_ =	task.clear_ibuf [dreg:s7], $0x2FFFF;
	_ =	strace $0x9FFFFFFF  }
0xc3: {  	(tm) =	ssettm $0x7FFFFFFF  }
tec
execute0_lowered:
.L_overlay_start_1:
0x0: {  	(tag) =	ssettag $0x1  }
0x1: {  	s1 =	rddreg [dreg:$0x0]  }
0x2: {  	s0 =	rddreg [dreg:$0x1]  }
0x3: {  	s2 =	rddreg [dreg:$0x2];
	s3 =	srdreg.scid  }
0x4: {  	s5 =	simm.s32 $0x0;
	s4 =	stileid.u32;
	s14 =	simm.s32 $0x3  }
0x5: {  	s15 =	simm.s32 $0x14000;
	s16 =	simm.s32 $0x15400;
	s17 =	simm.s32 $0x80  }
0x6: {  	s18 =	simm.s32 $0x16800;
	s19 =	simm.s32 $0x14080;
	s20 =	simm.s32 $0x1A800  }
0x7: {  	s21 =	simm.s32 $0x1;
	s28 =	simm.s32 $0x8;
	s29 =	simm.s32 $0x15380  }
0x8: {  	s30 =	simm.s32 $0x16780;
	s31 =	simm.s32 $0x0;
	s3 =	sand.u32 $0x1, s3  }
0x9: {  	[smem:$0x7FF] =	sst s5;
	s7 =	smul.u32 $0x14000, s4;
	s9 =	sadd.s32 $0xE00, s0  }
0xa: {  	s10 =	sadd.s32 $0xAC00, s0;
	s5 =	sadd.s32 $0x14A00, s0;
	s8 =	smul.u32 $0x50000, s4  }
0xb: {  	s6 =	smul.u32 $0x140000, s3;
	s22 =	sshll.u32 s3, $0x4;
	s3 =	ssub.s32 $0x2, s3  }
0xc: {  	s24 =	sshll.u32 s4, $0x6;
	_ =	strace $0x8000004A;
	s11 =	sshrl.u32 s3, $0x1  }
0xd: {  	s23 =	sshrl.u32 s8, $0x2;
	s6 =	sadd.s32 s7, s6;
	s7 =	sor.u32 s4, s22  }
0xe: {  	s3 =	ssub.s32 s3, s11;
	s13 =	sadd.s32 s23, s2;
	s22 =	simm.s32 $0x2  }
0xf: {  	s23 =	simm.s32 $0x16600;
	s6 =	sshrl.u32 s6, $0x3;
	s7 =	smul.u32 $0x2710, s7  }
0x10: {  	s13 =	sshrl.u32 s13, $0x3;
	s0 =	sadd.s32 s6, s0;
	s6 =	sor.u32 $0x1C03, s24  }
0x11: {  	s24 =	simm.s32 $0x15300;
	s25 =	sadd.s32 $0x1388, s7;
	s26 =	sshrl.u32 s7, $0x3  }
0x12: {  	s11 =	sadd.s32 $0x17200, s0;
	s12 =	sshrl.u32 s25, $0x3;
	s7 =	sadd.s32 s9, s26  }
0x13: {  	s8 =	sadd.s32 s10, s26;
	s25 =	simm.s32 $0x16680;
	s26 =	simm.s32 $0x16700  }
0x14: {  	s9 =	sadd.s32 s9, s12;
	s10 =	sadd.s32 s10, s12;
	s12 =	smax.u32 s3, $0x1  }
.LBB2_1:
0x15: {  	[spmem:s13], [sflag:s6] =	dma.local [hbm:s5], $0x2800  }
0x16: {  	_ =	swait.ge [sflag:s14], $0x2800  }
0x17: {  	[sflag:s14] =	ssyncset.done $0x0  }
0x18: {  	[sflag:s14] =	ssyncadd.s32 $0xFFFFD800  }
0x19: {  	s0 =	simm.s32 $0x0;
	[bflag:$0x0] =	sbarrier.arrive $0xFFFF  }
0x1a: {  	[tilespmem:s15], [sflag:$0x3] =	stream.linear.gather [hbm4b:s7+s0], $0x1388, $0x38;
	[tilespmem:$0x1E800] =	vst v63  }
0x1b: {  	_ =	swait.ge [sflag:s14], $0x1388  }
0x1c: {  	[sflag:s14] =	ssyncset.done $0x0  }
0x1d: {  	[sflag:s14] =	ssyncadd.s32 $0xFFFFEC78  }
0x1e: {  	[tilespmem:s16], [sflag:$0x3] =	stream.linear.gather [hbm4b:s8+s0], $0x1388, $0x38;
	[tilespmem:$0x1E800] =	vst v63  }
0x1f: {  	_ =	swait.ge [sflag:s14], $0x1388  }
0x20: {  	[sflag:s14] =	ssyncset.done $0x0  }
0x21: {  	[sflag:s14] =	ssyncadd.s32 $0xFFFFEC78  }
0x22: {  	[tilespmem:s18], [sflag:$0x1] =	stream.indirect.gather [hbm4b:s1+s17], $0x80, s15, s17, $0xb8;
	[tilespmem:$0x1E800] =	vst v63  }
0x23: {  	_ = 	snop  }
0x24: {  	[tilespmem:s20], [sflag:$0x2] =	stream.indirect.gather [hbm4b:s1+s17], $0x80, s19, s17, $0xb8;
	[tilespmem:$0x1E800] =	vst v63  }
0x25: {  	_ =	swait.ge [sflag:s21], $0x4000  }
0x26: {  	[sflag:s21] =	ssyncset.done $0x0  }
0x27: {  	s4 =	simm.s32 $0x15400;
	[sflag:s21] =	ssyncadd.s32 $0xFFFFC000  }
0x28: {  	[spmem:s2] =	stream.indirect.scatter.add.f32 [tilespmem:s18], [sflag:$0x3], $0x80, s4, s17, $0xb8;
	[tilespmem:$0x1E800] =	vst v63  }
0x29: {  	_ =	swait.ge [sflag:s14], $0x4000  }
0x2a: {  	[sflag:s14] =	ssyncset.done $0x0  }
0x2b: {  	s3 =	simm.s32 $0x14100;
	[sflag:s14] =	ssyncadd.s32 $0xFFFFC000  }
0x2c: {  	[tilespmem:s18], [sflag:$0x1] =	stream.indirect.gather [hbm4b:s1+s17], $0x80, s3, s17, $0xb8;
	[tilespmem:$0x1E800] =	vst v63  }
0x2d: {  	_ =	swait.ge [sflag:s22], $0x4000  }
0x2e: {  	[sflag:s22] =	ssyncset.done $0x0  }
0x2f: {  	s4 =	simm.s32 $0x15480;
	[sflag:s22] =	ssyncadd.s32 $0xFFFFC000  }
0x30: {  	[spmem:s2] =	stream.indirect.scatter.add.f32 [tilespmem:s20], [sflag:$0x3], $0x80, s4, s17, $0xb8;
	[tilespmem:$0x1E800] =	vst v63  }
0x31: {  	_ =	swait.ge [sflag:s14], $0x4000  }
0x32: {  	[sflag:s14] =	ssyncset.done $0x0  }
0x33: {  	s0 =	simm.s32 $0x400;
	s3 =	simm.s32 $0x14180;
	[sflag:s14] =	ssyncadd.s32 $0xFFFFC000  }
.LBB2_2:
0x34: {  	[tilespmem:s20], [sflag:$0x2] =	stream.indirect.gather [hbm4b:s1+s17], $0x80, s3, s17, $0xb8;
	[tilespmem:$0x1E800] =	vst v63  }
0x35: {  	s3 =	smov.u32 s0  }
0x36: {  	p0 =	sne.s32 s0, $0x4400;
	s0 =	sadd.s32 $0x400, s0;
	_ =	swait.ge [sflag:s21], $0x4000  }
0x37: {  	s3 =	sshra.s32 s3, $0x2;
	[sflag:s21] =	ssyncset.done $0x0  }
0x38: {  	s4 =	sadd.s32 $0x15400, s3;
	[sflag:s21] =	ssyncadd.s32 $0xFFFFC000  }
0x39: {  	[spmem:s2] =	stream.indirect.scatter.add.f32 [tilespmem:s18], [sflag:$0x3], $0x80, s4, s17, $0xb8;
	[tilespmem:$0x1E800] =	vst v63  }
0x3a: {  	_ =	swait.ge [sflag:s14], $0x4000  }
0x3b: {  	[sflag:s14] =	ssyncset.done $0x0  }
0x3c: {  	s4 =	sadd.s32 $0x14100, s3;
	[sflag:s14] =	ssyncadd.s32 $0xFFFFC000  }
0x3d: {  	[tilespmem:s18], [sflag:$0x1] =	stream.indirect.gather [hbm4b:s1+s17], $0x80, s4, s17, $0xb8;
	[tilespmem:$0x1E800] =	vst v63  }
0x3e: {  	_ =	swait.ge [sflag:s22], $0x4000  }
0x3f: {  	[sflag:s22] =	ssyncset.done $0x0  }
.Ltmp0:
0x40: {  	s4 =	sadd.s32 $0x15480, s3;
	[sflag:s22] =	ssyncadd.s32 $0xFFFFC000;
	(pc) =	sbr.rel @p0 .LBB2_2-.Ltmp0, $4  }
0x41: {  	[spmem:s2] =	stream.indirect.scatter.add.f32 [tilespmem:s20], [sflag:$0x3], $0x80, s4, s17, $0xb8;
	[tilespmem:$0x1E800] =	vst v63  }
0x42: {  	_ =	swait.ge [sflag:s14], $0x4000  }
0x43: {  	[sflag:s14] =	ssyncset.done $0x0  }
0x44: {  	s3 =	sadd.s32 $0x14180, s3;
	[sflag:s14] =	ssyncadd.s32 $0xFFFFC000  }
0x45: {  	[tilespmem:s20], [sflag:$0x2] =	stream.indirect.gather [hbm4b:s1+s17], $0x80, s3, s17, $0xb8;
	[tilespmem:$0x1E800] =	vst v63  }
0x46: {  	_ =	swait.ge [sflag:s21], $0x4000  }
0x47: {  	[sflag:s21] =	ssyncset.done $0x0  }
0x48: {  	[sflag:s21] =	ssyncadd.s32 $0xFFFFC000  }
0x49: {  	[spmem:s2] =	stream.indirect.scatter.add.f32 [tilespmem:s18], [sflag:$0x3], $0x80, s23, s17, $0xb8;
	[tilespmem:$0x1E800] =	vst v63  }
0x4a: {  	_ =	swait.ge [sflag:s14], $0x4000  }
0x4b: {  	[sflag:s14] =	ssyncset.done $0x0  }
0x4c: {  	[sflag:s14] =	ssyncadd.s32 $0xFFFFC000  }
0x4d: {  	[tilespmem:s18], [sflag:$0x1] =	stream.indirect.gather [hbm4b:s1+s17], $0x80, s24, s17, $0xb8;
	[tilespmem:$0x1E800] =	vst v63  }
0x4e: {  	_ =	swait.ge [sflag:s22], $0x4000  }
0x4f: {  	[sflag:s22] =	ssyncset.done $0x0  }
0x50: {  	[sflag:s22] =	ssyncadd.s32 $0xFFFFC000  }
0x51: {  	[spmem:s2] =	stream.indirect.scatter.add.f32 [tilespmem:s20], [sflag:$0x3], $0x80, s25, s17, $0xb8;
	[tilespmem:$0x1E800] =	vst v63  }
0x52: {  	_ =	swait.ge [sflag:s14], $0x4000  }
0x53: {  	[sflag:s14] =	ssyncset.done $0x0  }
0x54: {  	[sflag:s14] =	ssyncadd.s32 $0xFFFFC000  }
0x55: {  	_ =	swait.ge [sflag:s21], $0x4000  }
0x56: {  	[sflag:s21] =	ssyncset.done $0x0  }
0x57: {  	[sflag:s21] =	ssyncadd.s32 $0xFFFFC000  }
0x58: {  	[spmem:s2] =	stream.indirect.scatter.add.f32 [tilespmem:s18], [sflag:$0x3], $0x80, s26, s17, $0xb8;
	[tilespmem:$0x1E800] =	vst v63  }
0x59: {  	_ =	swait.ge [sflag:s14], $0x4000  }
0x5a: {  	[sflag:s14] =	ssyncset.done $0x0  }
0x5b: {  	[sflag:s14] =	ssyncadd.s32 $0xFFFFC000  }
0x5c: {  	[tilespmem:s18], [sflag:$0x3] =	stream.indirect.gather [hbm4b:s1+s28], $0x80, s29, s28, $0xb8;
	[tilespmem:$0x1E800] =	vst v63  }
0x5d: {  	_ =	swait.ge [sflag:s14], $0x400  }
0x5e: {  	[sflag:s14] =	ssyncset.done $0x0  }
0x5f: {  	[sflag:s14] =	ssyncadd.s32 $0xFFFFFC00  }
0x60: {  	[spmem:s2] =	stream.indirect.scatter.add.f32 [tilespmem:s18], [sflag:$0x3], $0x80, s30, s28, $0xb8;
	[tilespmem:$0x1E800] =	vst v63  }
0x61: {  	_ =	swait.ge [sflag:s14], $0x400  }
0x62: {  	[sflag:s14] =	ssyncset.done $0x0  }
0x63: {  	s0 =	simm.s32 $0x0;
	[sflag:s14] =	ssyncadd.s32 $0xFFFFFC00  }
0x64: {  	[tilespmem:s15], [sflag:$0x3] =	stream.linear.gather [hbm4b:s9+s0], $0x1388, $0x38;
	[tilespmem:$0x1E800] =	vst v63  }
0x65: {  	_ =	swait.ge [sflag:s14], $0x1388  }
0x66: {  	[sflag:s14] =	ssyncset.done $0x0  }
0x67: {  	[sflag:s14] =	ssyncadd.s32 $0xFFFFEC78  }
0x68: {  	[tilespmem:s16], [sflag:$0x3] =	stream.linear.gather [hbm4b:s10+s0], $0x1388, $0x38;
	[tilespmem:$0x1E800] =	vst v63  }
0x69: {  	_ =	swait.ge [sflag:s14], $0x1388  }
0x6a: {  	[sflag:s14] =	ssyncset.done $0x0  }
0x6b: {  	[sflag:s14] =	ssyncadd.s32 $0xFFFFEC78  }
0x6c: {  	[tilespmem:s18], [sflag:$0x1] =	stream.indirect.gather [hbm4b:s1+s17], $0x80, s15, s17, $0xb8;
	[tilespmem:$0x1E800] =	vst v63  }
0x6d: {  	_ = 	snop  }
0x6e: {  	[tilespmem:s20], [sflag:$0x2] =	stream.indirect.gather [hbm4b:s1+s17], $0x80, s19, s17, $0xb8;
	[tilespmem:$0x1E800] =	vst v63  }
0x6f: {  	_ =	swait.ge [sflag:s21], $0x4000  }
0x70: {  	[sflag:s21] =	ssyncset.done $0x0  }
0x71: {  	s4 =	simm.s32 $0x15400;
	[sflag:s21] =	ssyncadd.s32 $0xFFFFC000  }
0x72: {  	[spmem:s2] =	stream.indirect.scatter.add.f32 [tilespmem:s18], [sflag:$0x3], $0x80, s4, s17, $0xb8;
	[tilespmem:$0x1E800] =	vst v63  }
0x73: {  	_ =	swait.ge [sflag:s14], $0x4000  }
0x74: {  	[sflag:s14] =	ssyncset.done $0x0  }
0x75: {  	s3 =	simm.s32 $0x14100;
	[sflag:s14] =	ssyncadd.s32 $0xFFFFC000  }
0x76: {  	[tilespmem:s18], [sflag:$0x1] =	stream.indirect.gather [hbm4b:s1+s17], $0x80, s3, s17, $0xb8;
	[tilespmem:$0x1E800] =	vst v63  }
0x77: {  	_ =	swait.ge [sflag:s22], $0x4000  }
0x78: {  	[sflag:s22] =	ssyncset.done $0x0  }
0x79: {  	s4 =	simm.s32 $0x15480;
	[sflag:s22] =	ssyncadd.s32 $0xFFFFC000  }
0x7a: {  	[spmem:s2] =	stream.indirect.scatter.add.f32 [tilespmem:s20], [sflag:$0x3], $0x80, s4, s17, $0xb8;
	[tilespmem:$0x1E800] =	vst v63  }
0x7b: {  	_ =	swait.ge [sflag:s14], $0x4000  }
0x7c: {  	[sflag:s14] =	ssyncset.done $0x0  }
0x7d: {  	s0 =	simm.s32 $0x400;
	s3 =	simm.s32 $0x14180;
	[sflag:s14] =	ssyncadd.s32 $0xFFFFC000  }
.LBB2_4:
0x7e: {  	[tilespmem:s20], [sflag:$0x2] =	stream.indirect.gather [hbm4b:s1+s17], $0x80, s3, s17, $0xb8;
	[tilespmem:$0x1E800] =	vst v63  }
0x7f: {  	s3 =	smov.u32 s0  }
0x80: {  	p0 =	sne.s32 s0, $0x4400;
	s0 =	sadd.s32 $0x400, s0;
	_ =	swait.ge [sflag:s21], $0x4000  }
0x81: {  	s3 =	sshra.s32 s3, $0x2;
	[sflag:s21] =	ssyncset.done $0x0  }
0x82: {  	s4 =	sadd.s32 $0x15400, s3;
	[sflag:s21] =	ssyncadd.s32 $0xFFFFC000  }
0x83: {  	[spmem:s2] =	stream.indirect.scatter.add.f32 [tilespmem:s18], [sflag:$0x3], $0x80, s4, s17, $0xb8;
	[tilespmem:$0x1E800] =	vst v63  }
0x84: {  	_ =	swait.ge [sflag:s14], $0x4000  }
0x85: {  	[sflag:s14] =	ssyncset.done $0x0  }
0x86: {  	s4 =	sadd.s32 $0x14100, s3;
	[sflag:s14] =	ssyncadd.s32 $0xFFFFC000  }
0x87: {  	[tilespmem:s18], [sflag:$0x1] =	stream.indirect.gather [hbm4b:s1+s17], $0x80, s4, s17, $0xb8;
	[tilespmem:$0x1E800] =	vst v63  }
0x88: {  	_ =	swait.ge [sflag:s22], $0x4000  }
0x89: {  	[sflag:s22] =	ssyncset.done $0x0  }
.Ltmp1:
0x8a: {  	s4 =	sadd.s32 $0x15480, s3;
	[sflag:s22] =	ssyncadd.s32 $0xFFFFC000;
	(pc) =	sbr.rel @p0 .LBB2_4-.Ltmp1, $4  }
0x8b: {  	[spmem:s2] =	stream.indirect.scatter.add.f32 [tilespmem:s20], [sflag:$0x3], $0x80, s4, s17, $0xb8;
	[tilespmem:$0x1E800] =	vst v63  }
0x8c: {  	_ =	swait.ge [sflag:s14], $0x4000  }
0x8d: {  	[sflag:s14] =	ssyncset.done $0x0  }
0x8e: {  	s3 =	sadd.s32 $0x14180, s3;
	[sflag:s14] =	ssyncadd.s32 $0xFFFFC000  }
0x8f: {  	[tilespmem:s20], [sflag:$0x2] =	stream.indirect.gather [hbm4b:s1+s17], $0x80, s3, s17, $0xb8;
	[tilespmem:$0x1E800] =	vst v63  }
0x90: {  	_ =	swait.ge [sflag:s21], $0x4000  }
0x91: {  	[sflag:s21] =	ssyncset.done $0x0  }
0x92: {  	[sflag:s21] =	ssyncadd.s32 $0xFFFFC000  }
0x93: {  	[spmem:s2] =	stream.indirect.scatter.add.f32 [tilespmem:s18], [sflag:$0x3], $0x80, s23, s17, $0xb8;
	[tilespmem:$0x1E800] =	vst v63  }
0x94: {  	_ =	swait.ge [sflag:s14], $0x4000  }
0x95: {  	[sflag:s14] =	ssyncset.done $0x0  }
0x96: {  	[sflag:s14] =	ssyncadd.s32 $0xFFFFC000  }
0x97: {  	[tilespmem:s18], [sflag:$0x1] =	stream.indirect.gather [hbm4b:s1+s17], $0x80, s24, s17, $0xb8;
	[tilespmem:$0x1E800] =	vst v63  }
0x98: {  	_ =	swait.ge [sflag:s22], $0x4000  }
0x99: {  	[sflag:s22] =	ssyncset.done $0x0  }
0x9a: {  	[sflag:s22] =	ssyncadd.s32 $0xFFFFC000  }
0x9b: {  	[spmem:s2] =	stream.indirect.scatter.add.f32 [tilespmem:s20], [sflag:$0x3], $0x80, s25, s17, $0xb8;
	[tilespmem:$0x1E800] =	vst v63  }
0x9c: {  	_ =	swait.ge [sflag:s14], $0x4000  }
0x9d: {  	[sflag:s14] =	ssyncset.done $0x0  }
0x9e: {  	[sflag:s14] =	ssyncadd.s32 $0xFFFFC000  }
0x9f: {  	_ =	swait.ge [sflag:s21], $0x4000  }
0xa0: {  	[sflag:s21] =	ssyncset.done $0x0  }
0xa1: {  	[sflag:s21] =	ssyncadd.s32 $0xFFFFC000  }
0xa2: {  	[spmem:s2] =	stream.indirect.scatter.add.f32 [tilespmem:s18], [sflag:$0x3], $0x80, s26, s17, $0xb8;
	[tilespmem:$0x1E800] =	vst v63  }
0xa3: {  	_ =	swait.ge [sflag:s14], $0x4000  }
0xa4: {  	[sflag:s14] =	ssyncset.done $0x0  }
0xa5: {  	[sflag:s14] =	ssyncadd.s32 $0xFFFFC000  }
0xa6: {  	[tilespmem:s18], [sflag:$0x3] =	stream.indirect.gather [hbm4b:s1+s28], $0x80, s29, s28, $0xb8;
	[tilespmem:$0x1E800] =	vst v63  }
0xa7: {  	_ =	swait.ge [sflag:s14], $0x400  }
0xa8: {  	[sflag:s14] =	ssyncset.done $0x0  }
0xa9: {  	[sflag:s14] =	ssyncadd.s32 $0xFFFFFC00  }
0xaa: {  	[spmem:s2] =	stream.indirect.scatter.add.f32 [tilespmem:s18], [sflag:$0x3], $0x80, s30, s28, $0xb8;
	[tilespmem:$0x1E800] =	vst v63  }
0xab: {  	_ =	swait.ge [sflag:s14], $0x400  }
0xac: {  	s31 =	sadd.s32 $0x1, s31;
	[sflag:s14] =	ssyncset.done $0x0  }
0xad: {  	p0 =	sne.s32 s31, s12;
	[sflag:s14] =	ssyncadd.s32 $0xFFFFFC00  }
.Ltmp2:
0xae: {  	[bflag:$0x0] =	sbarrier.arrive $0xFFFF;
	(pc) =	sbr.rel @p0 .LBB2_1-.Ltmp2, $4  }
0xaf: {  	[hbm:s11], [sflag:s6] =	dma.local [spmem:s13], $0x2800  }
0xb0: {  	_ =	swait.ge [sflag:s14], $0x2800  }
0xb1: {  	[sflag:s14] =	ssyncset.done $0x0  }
0xb2: {  	[sflag:s14] =	ssyncadd.s32 $0xFFFFD800  }
0xb3: {  	_ =	sfence.sel $0x180000  }
0xb4: {  	[bflag:$0x0] =	sbarrier.arrive $0xFFFF  }
0xb5: {  	_ =	strace $0x9000004A  }
0xb6: {  	s0 =	stileid.u32;
	[bflag:$0x2] =	sbarrier.arrive $0xFFFF  }
0xb7: {  	p0 =	sne.s32 s0, $0x0;
	s0 =	rddreg [dreg:$0x3]  }
0xb8: {  	s0 =	sadd.s32 @!p0 $0x100000, s0  }
0xb9: {  	[sflag:s0] =	ssyncadd.tile.s32 @!p0 $0x1;
	_ =	shalt  }
.Lfunc_end2:
_tile_overlayer_lowered:
.L_overlay_start_2:
0xba: {  	(tag) =	ssettag $0x2  }
0xbb: {  	s0 =	rddreg [dreg:$0x0];
	s2 =	stileid.u32  }
0xbc: {  	s1 =	rddreg [dreg:$0x1];
	p0 =	sne.s32 s2, $0x0  }
0xbd: {  	s3 =	rddreg [dreg:$0x2];
	[bflag:$0x3] =	sbarrier.arrive $0xFFFF;
	s2 =	simm.s32 @!p0 $0x1C03  }
0xbe: {  	[timem:s3], [sflag:s2] =	dma.local @!p0 [hbm:s0], s1  }
0xbf: {  	s0 =	simm.s32 @!p0 $0x3  }
0xc0: {  	_ =	swait.ge @!p0 [sflag:s0], s1  }
0xc1: {  	s1 =	ssub.s32 @!p0 $0x0, s1;
	[sflag:s0] =	ssyncset.done @!p0 $0x0  }
0xc2: {  	[sflag:s0] =	ssyncadd.s32 @!p0 s1  }
0xc3: {  	[bflag:$0x3] =	sbarrier.arrive $0xFFFF  }
0xc4: {  	_ =	shalt  }

</sc_bundles>
